<compile_context>
chip_gen: v7x
topology: tpu7x:2x2x1
jax: 0.10.2.dev20260603
libtpu: 0.0.44.dev20260713+nightly
codegen_flags: <defaults>
</compile_context>

<pallas_src>
import functools

import jax
import jax.numpy as jnp
from jax import lax
from jax.experimental import pallas as pl
from jax.experimental.pallas import tpu as pltpu
from jax.experimental.pallas import tpu_sc as plsc

_NEG = float("-inf")


def _affine(x, w_ref, b_ref):
    return jnp.dot(x, w_ref[...], preferred_element_type=jnp.float32) + b_ref[...]


def _seg_cummax(m, ids, rows):
    ncol = m.shape[1]
    d = 1
    while d < rows:
        pad_m = jnp.full((d, ncol), _NEG, jnp.float32)
        pad_i = jnp.full((d, 1), -1, ids.dtype)
        sm = jnp.concatenate([pad_m, m[: rows - d]], axis=0)
        si = jnp.concatenate([pad_i, ids[: rows - d]], axis=0)
        m = jnp.where(ids == si, jnp.maximum(m, sm), m)
        d *= 2
    return m


def _carry_fold(hp, ids, carry_ref, cid_ref, rows, ncol):
    cvec = carry_ref[0:1, 0:ncol]
    hp = jnp.where(ids == cid_ref[0], jnp.maximum(hp, cvec), hp)
    m = _seg_cummax(hp, ids, rows)
    cid_ref[0] = ids[rows - 1, 0]
    carry_ref[0:1, 0:ncol] = m[rows - 1 : rows, :]
    return m


def _stage_call(body, nblk, blk, ncol, inputs, in_specs):
    grid = (nblk + 1,)
    out = pl.pallas_call(
        body,
        grid=grid,
        in_specs=in_specs,
        out_specs=pl.BlockSpec((blk, ncol), lambda i: (i, 0)),
        out_shape=jax.ShapeDtypeStruct(((nblk + 1) * blk, ncol), jnp.float32),
        scratch_shapes=[
            pltpu.VMEM((8, 128), jnp.float32),
            pltpu.SMEM((1,), jnp.int32),
        ],
    )(*inputs)
    return out


def _row_spec(blk, ncol, nblk):
    return pl.BlockSpec((blk, ncol), lambda i: (jnp.minimum(i, nblk - 1), 0))


def _full_spec(shape):
    nd = len(shape)
    return pl.BlockSpec(shape, lambda i: (0,) * nd)


def _sc_gather(table, idx, chunk):
    nrow, ncol = idx.shape[0], table.shape[1]
    info = plsc.get_sparse_core_info()
    nw = info.num_cores * info.num_subcores
    per_w = nrow // nw
    assert per_w % chunk == 0 and chunk % 8 == 0

    mesh = plsc.VectorSubcoreMesh(core_axis_name="c", subcore_axis_name="s")

    @functools.partial(
        pl.kernel,
        mesh=mesh,
        out_type=jax.ShapeDtypeStruct((nrow, ncol), jnp.float32),
        scratch_types=[
            pltpu.VMEM((chunk,), jnp.int32),
            pltpu.VMEM((chunk, ncol), jnp.float32),
            pltpu.SemaphoreType.DMA,
        ],
    )
    def k(table_hbm, idx_hbm, out_hbm, idx_v, rows_v, sem):
        wid = lax.axis_index("s") * info.num_cores + lax.axis_index("c")
        base = wid * per_w

        def body(j, carry):
            off = base + j * chunk
            pltpu.sync_copy(idx_hbm.at[pl.ds(off, chunk)], idx_v)
            pltpu.async_copy(table_hbm.at[idx_v], rows_v, sem).wait()
            pltpu.sync_copy(rows_v, out_hbm.at[pl.ds(off, chunk)])
            return carry

        lax.fori_loop(0, per_w // chunk, body, 0)

    return k(table, idx)


def _seg_ends(ids, nseg, zero_row):
    seg = jnp.arange(nseg, dtype=ids.dtype)
    sl = jnp.searchsorted(ids, seg, side="left").astype(jnp.int32)
    sr = jnp.searchsorted(ids, seg, side="right").astype(jnp.int32)
    return jnp.where(sr > sl, sr - 1, zero_row)


def _pad_idx(idx, mult):
    pad = (-idx.shape[0]) % mult
    if pad:
        idx = jnp.concatenate([idx, jnp.zeros((pad,), idx.dtype)])
    return idx


def kernel(relatives, cluster, relatives2, indices2, cluster2, relatives3, cluster3,
           W1a, b1a, W1b, b1b, W1c, b1c,
           W2r1, b2r1, W2r2, b2r2, W2m1, b2m1, W2m2, b2m2,
           W3r1, b3r1, W3r2, b3r2, W3m1, b3m1, W3m2, b3m2):
    n1 = relatives.shape[0]
    m2 = relatives2.shape[0]
    m3 = relatives3.shape[0]
    c1 = 100000
    c2 = m3
    c3 = 10000

    blk = 4000
    nb1 = n1 // blk
    nb2 = m2 // blk
    blk3 = 5000
    nb3 = m3 // blk3

    b1a_, b1b_, b1c_ = (b.reshape(1, -1) for b in (b1a, b1b, b1c))
    b2r1_, b2r2_, b2m1_, b2m2_ = (b.reshape(1, -1) for b in (b2r1, b2r2, b2m1, b2m2))
    b3r1_, b3r2_, b3m1_, b3m2_ = (b.reshape(1, -1) for b in (b3r1, b3r2, b3m1, b3m2))

    ids1 = cluster.reshape(-1, 1).astype(jnp.int32)
    ids2 = cluster2.reshape(-1, 1).astype(jnp.int32)
    ids3 = cluster3.reshape(-1, 1).astype(jnp.int32)

    def stage1(x_ref, id_ref, wa, ba, wb, bb, wc, bc, out_ref, carry, cid):
        i = pl.program_id(0)

        @pl.when(i == 0)
        def _():
            cid[0] = -1
            carry[...] = jnp.full((8, 128), _NEG, jnp.float32)

        @pl.when(i == nb1)
        def _():
            out_ref[...] = jnp.zeros((blk, 128), jnp.float32)

        @pl.when(i < nb1)
        def _():
            x = x_ref[...]
            h = jnp.maximum(_affine(x, wa, ba), 0.0)
            h = jnp.maximum(_affine(h, wb, bb), 0.0)
            h = _affine(h, wc, bc)
            hp = jnp.concatenate([h, jnp.zeros((blk, 123), jnp.float32)], axis=1)
            out_ref[...] = _carry_fold(hp, id_ref[...], carry, cid, blk, 128)

    m1 = _stage_call(
        stage1, nb1, blk, 128,
        (relatives, ids1, W1a, b1a_, W1b, b1b_, W1c, b1c_),
        [_row_spec(blk, 3, nb1), _row_spec(blk, 1, nb1),
         _full_spec(W1a.shape), _full_spec(b1a_.shape),
         _full_spec(W1b.shape), _full_spec(b1b_.shape),
         _full_spec(W1c.shape), _full_spec(b1c_.shape)],
    )

    ends1 = _seg_ends(cluster.astype(jnp.int32), c1, jnp.int32(n1))
    gidx2 = ends1[indices2.astype(jnp.int32)]
    f1m = _sc_gather(m1, gidx2, 400)

    def stage2(x_ref, f_ref, id_ref, wr1, br1, wr2, br2, wm1, bm1, wm2, bm2,
               out_ref, carry, cid):
        i = pl.program_id(0)

        @pl.when(i == 0)
        def _():
            cid[0] = -1
            carry[...] = jnp.full((8, 128), _NEG, jnp.float32)

        @pl.when(i == nb2)
        def _():
            out_ref[...] = jnp.zeros((blk, 128), jnp.float32)

        @pl.when(i < nb2)
        def _():
            x = x_ref[...]
            r = jnp.maximum(_affine(x, wr1, br1), 0.0)
            r = jnp.maximum(_affine(r, wr2, br2), 0.0)
            comb = jnp.concatenate([r, f_ref[...][:, 0:5]], axis=1)
            h = jnp.maximum(_affine(comb, wm1, bm1), 0.0)
            h = _affine(h, wm2, bm2)
            cat = jnp.concatenate([h, r, jnp.zeros((blk, 98), jnp.float32)], axis=1)
            out_ref[...] = _carry_fold(cat, id_ref[...], carry, cid, blk, 128)

    m2rows = _stage_call(
        stage2, nb2, blk, 128,
        (relatives2, f1m, ids2, W2r1, b2r1_, W2r2, b2r2_, W2m1, b2m1_, W2m2, b2m2_),
        [_row_spec(blk, 3, nb2), _row_spec(blk, 128, nb2), _row_spec(blk, 1, nb2),
         _full_spec(W2r1.shape), _full_spec(b2r1_.shape),
         _full_spec(W2r2.shape), _full_spec(b2r2_.shape),
         _full_spec(W2m1.shape), _full_spec(b2m1_.shape),
         _full_spec(W2m2.shape), _full_spec(b2m2_.shape)],
    )

    ends2 = _pad_idx(_seg_ends(cluster2.astype(jnp.int32), c2, jnp.int32(m2)), 256)
    c2rows = _sc_gather(m2rows, ends2, 392)[:c2]

    def stage3(x_ref, c_ref, id_ref, wr1, br1, wr2, br2, wm1, bm1, wm2, bm2,
               out_ref, carry, cid):
        i = pl.program_id(0)

        @pl.when(i == 0)
        def _():
            cid[0] = -1
            carry[...] = jnp.full((8, 128), _NEG, jnp.float32)

        @pl.when(i == nb3)
        def _():
            out_ref[...] = jnp.zeros((blk3, 128), jnp.float32)

        @pl.when(i < nb3)
        def _():
            x = x_ref[...]
            r = jnp.maximum(_affine(x, wr1, br1), 0.0)
            r = jnp.maximum(_affine(r, wr2, br2), 0.0)
            comb = jnp.concatenate([r, c_ref[...][:, 0:30]], axis=1)
            h = jnp.maximum(_affine(comb, wm1, bm1), 0.0)
            h = _affine(h, wm2, bm2)
            cat = jnp.concatenate([h, r, jnp.zeros((blk3, 78), jnp.float32)], axis=1)
            out_ref[...] = _carry_fold(cat, id_ref[...], carry, cid, blk3, 128)

    m3rows = _stage_call(
        stage3, nb3, blk3, 128,
        (relatives3, c2rows, ids3, W3r1, b3r1_, W3r2, b3r2_, W3m1, b3m1_, W3m2, b3m2_),
        [_row_spec(blk3, 3, nb3), _row_spec(blk3, 128, nb3), _row_spec(blk3, 1, nb3),
         _full_spec(W3r1.shape), _full_spec(b3r1_.shape),
         _full_spec(W3r2.shape), _full_spec(b3r2_.shape),
         _full_spec(W3m1.shape), _full_spec(b3m1_.shape),
         _full_spec(W3m2.shape), _full_spec(b3m2_.shape)],
    )

    ends3 = _pad_idx(_seg_ends(cluster3.astype(jnp.int32), c3, jnp.int32(m3)), 256)
    out = _sc_gather(m3rows, ends3, ends3.shape[0] // 32)[:c3, :50]
    return out

# --- scband reference (transcript-rebuilt; emitter-appended) ---
"""Pipeline reference for scband-full-encoder-72035191488657 (READ-ONLY COPY).

The authoritative reference and input builder live on the scoring server;
editing this copy changes nothing except your own understanding.
"""

import jax, jax.numpy as jnp
import numpy as np

N1 = 1600000
C1 = 100000
M2 = 1600000
C2 = 50000
M3 = 50000
C3 = 10000

def _lin(k, i, o):
    return jax.random.normal(k, (i, o), dtype=jnp.float32) * (1.0 / np.sqrt(i))

def setup_inputs(seed: int = 0):
    key = jax.random.key(seed)
    ks = jax.random.split(key, 24)
    inp = {}
    inp["relatives"] = jax.random.normal(ks[0], (N1, 3), dtype=jnp.float32)
    inp["cluster"] = jnp.sort(jax.random.randint(ks[1], (N1,), 0, C1))
    inp["relatives2"] = jax.random.normal(ks[2], (M2, 3), dtype=jnp.float32)
    inp["indices2"] = jax.random.randint(ks[3], (M2,), 0, C1)
    inp["cluster2"] = jnp.sort(jax.random.randint(ks[4], (M2,), 0, C2))
    inp["relatives3"] = jax.random.normal(ks[5], (M3, 3), dtype=jnp.float32)
    inp["cluster3"] = jnp.sort(jax.random.randint(ks[6], (M3,), 0, C3))
    inp["W1a"] = _lin(ks[7], 3, 20);   inp["b1a"] = jnp.zeros((20,), jnp.float32)
    inp["W1b"] = _lin(ks[8], 20, 10);  inp["b1b"] = jnp.zeros((10,), jnp.float32)
    inp["W1c"] = _lin(ks[9], 10, 5);   inp["b1c"] = jnp.zeros((5,), jnp.float32)
    inp["W2r1"] = _lin(ks[10], 3, 32);  inp["b2r1"] = jnp.zeros((32,), jnp.float32)
    inp["W2r2"] = _lin(ks[11], 32, 5);  inp["b2r2"] = jnp.zeros((5,), jnp.float32)
    inp["W2m1"] = _lin(ks[12], 10, 64); inp["b2m1"] = jnp.zeros((64,), jnp.float32)
    inp["W2m2"] = _lin(ks[13], 64, 25); inp["b2m2"] = jnp.zeros((25,), jnp.float32)
    inp["W3r1"] = _lin(ks[14], 3, 32);  inp["b3r1"] = jnp.zeros((32,), jnp.float32)
    inp["W3r2"] = _lin(ks[15], 32, 5);  inp["b3r2"] = jnp.zeros((5,), jnp.float32)
    inp["W3m1"] = _lin(ks[16], 35, 64); inp["b3m1"] = jnp.zeros((64,), jnp.float32)
    inp["W3m2"] = _lin(ks[17], 64, 45); inp["b3m2"] = jnp.zeros((45,), jnp.float32)
    return inp

def _segmax(x, ids, n):
    out = jax.ops.segment_max(x, ids, num_segments=n)
    return jnp.where(jnp.isfinite(out), out, 0.0)

def reference(relatives, cluster, relatives2, indices2, cluster2, relatives3, cluster3,
              W1a, b1a, W1b, b1b, W1c, b1c,
              W2r1, b2r1, W2r2, b2r2, W2m1, b2m1, W2m2, b2m2,
              W3r1, b3r1, W3r2, b3r2, W3m1, b3m1, W3m2, b3m2):
    # enc1: SimpleRelativeEncoder(20, 10, nb_feats_out=5) -> point MLP + segment max pool
    h = jax.nn.relu(relatives @ W1a + b1a)
    h = jax.nn.relu(h @ W1b + b1b)
    h = h @ W1c + b1c
    feats1 = _segmax(h, cluster, C1)                       # [C1, 5]
    feats1_mapped = feats1[indices2]                       # gather -> [M2, 5]
    # enc2: MiddleLayerEncoder(neighb=5, in=5, out=25)
    rel2 = jax.nn.relu(relatives2 @ W2r1 + b2r1)
    rel2 = jax.nn.relu(rel2 @ W2r2 + b2r2)                 # [M2, 5]
    comb2 = jnp.concatenate([rel2, feats1_mapped], axis=1) # [M2, 10]
    h2 = jax.nn.relu(comb2 @ W2m1 + b2m1)
    h2 = h2 @ W2m2 + b2m2                                  # [M2, 25]
    encoding = _segmax(h2, cluster2, C2)                   # [C2, 25]
    feats = _segmax(rel2, cluster2, C2)                    # [C2, 5]
    concat = jnp.concatenate([encoding, feats], axis=1)    # [C2, 30]
    # enc3: MiddleLayerEncoder(neighb=5, in=30, out=45)
    rel3 = jax.nn.relu(relatives3 @ W3r1 + b3r1)
    rel3 = jax.nn.relu(rel3 @ W3r2 + b3r2)                 # [M3, 5]
    comb3 = jnp.concatenate([rel3, concat], axis=1)        # [M3, 35]
    h3 = jax.nn.relu(comb3 @ W3m1 + b3m1)
    h3 = h3 @ W3m2 + b3m2                                  # [M3, 45]
    encoding2 = _segmax(h3, cluster3, C3)                  # [C3, 45]
    feats2 = _segmax(rel3, cluster3, C3)                   # [C3, 5]
    return jnp.concatenate([encoding2, feats2], axis=1)    # [C3, 50]

if __name__ == "__main__":
    import jax
    _d = setup_inputs()
    print(jax.jit(kernel)(*tuple(_d.values())))

</pallas_src>

<mosaic_0001>
#map = affine_map<(d0, d1) -> (0, 0)>
#map1 = affine_map<(d0, d1) -> (0)>
module attributes {stable_mosaic.version = 14 : i64} {
  func.func @k(%arg0: i32, %arg1: i32, %arg2: memref<1604000x128xf32, #tpu.memory_space<hbm>>, %arg3: memref<1600000xi32, #tpu.memory_space<hbm>>, %arg4: memref<1600000x128xf32, #tpu.memory_space<hbm>>, %arg5: memref<400xi32, #tpu.memory_space<vmem>>, %arg6: memref<400x128xf32, #tpu.memory_space<vmem>>, %arg7: memref<!tpu.dma_semaphore, #tpu.memory_space<semaphore_mem>>) attributes {dimension_semantics = [#tpu.dimension_semantics<core_parallel>, #tpu.dimension_semantics<subcore_parallel>], iteration_bounds = array<i64: 2, 16>, scalar_prefetch = 0 : i64, scratch_operands = 3 : i64, tpu.core_type = #tpu.core_type<sc_vector_subcore>, window_params = [{transform_indices = #map}, {transform_indices = #map1}, {transform_indices = #map}]} {
    %mul3A = arith.constant 2 : i32
    %mul3A_0 = arith.muli %arg1, %mul3A : i32
    %add3A = arith.addi %mul3A_0, %arg0 : i32
    %mul3A_1 = arith.constant 50000 : i32
    %mul3A_2 = arith.muli %add3A, %mul3A_1 : i32
    %scan3A = arith.constant 0 : i32
    %scan3A_3 = arith.constant 0 : i32
    %scan3A_4 = arith.constant 125 : i32
    %scan3A_5 = arith.addi %scan3A_3, %scan3A_4 : i32
    %scan3A_6 = arith.constant 1 : i32
    scf.for %scan3A_8 = %scan3A_3 to %scan3A_5 step %scan3A_6  : i32 {
      %mul3A_9 = arith.constant 400 : i32
      %mul3A_10 = arith.muli %scan3A_8, %mul3A_9 : i32
      %add3A_11 = arith.addi %mul3A_2, %mul3A_10 : i32
      "tpu.region"() ({
        %run_scoped3A = tpu.sem_alloc : memref<!tpu.dma_semaphore, #tpu.memory_space<semaphore_mem>>
        %dma_start3A_16 = tpu.memref_slice %arg3[%add3A_11] : memref<1600000xi32, #tpu.memory_space<hbm>> -> memref<400xi32, #tpu.memory_space<hbm>>
        %dma_start3A_17 = tpu.memref_slice %arg3[%add3A_11] : memref<1600000xi32, #tpu.memory_space<hbm>> -> memref<400xi32, #tpu.memory_space<hbm>>
        tpu.enqueue_dma source(%dma_start3A_17 : memref<400xi32, #tpu.memory_space<hbm>>) target(%arg5 : memref<400xi32, #tpu.memory_space<vmem>>) target_semaphore(%run_scoped3A : memref<!tpu.dma_semaphore, #tpu.memory_space<semaphore_mem>>)
        %dma_wait3A_18 = tpu.memref_slice %arg3[%add3A_11] : memref<1600000xi32, #tpu.memory_space<hbm>> -> memref<400xi32, #tpu.memory_space<hbm>>
        %dma_wait3A_19 = tpu.memref_slice %arg3[%add3A_11] : memref<1600000xi32, #tpu.memory_space<hbm>> -> memref<400xi32, #tpu.memory_space<hbm>>
        tpu.wait_dma2 semaphore(%run_scoped3A : memref<!tpu.dma_semaphore, #tpu.memory_space<semaphore_mem>>) src(%dma_wait3A_19 : memref<400xi32, #tpu.memory_space<hbm>>) dst(%arg5 : memref<400xi32, #tpu.memory_space<vmem>>)
        tpu.yield
      }) : () -> ()
      %dma_start3A = arith.constant 0 : i32
      %dma_start3A_12 = arith.constant 0 : i32
      %dma_start3A_13 = tpu.memref_slice %arg2[%dma_start3A, %dma_start3A_12] : memref<1604000x128xf32, #tpu.memory_space<hbm>> -> memref<1604000x128xf32, #tpu.memory_space<hbm>>
      tpu.enqueue_indirect_dma source(%dma_start3A_13 : memref<1604000x128xf32, #tpu.memory_space<hbm>>) target(%arg6 : memref<400x128xf32, #tpu.memory_space<vmem>>) offsets(%arg5 : memref<400xi32, #tpu.memory_space<vmem>>) semaphore(%arg7 : memref<!tpu.dma_semaphore, #tpu.memory_space<semaphore_mem>>)
      %dma_wait3A = arith.constant 0 : i32
      %dma_wait3A_14 = arith.constant 0 : i32
      %dma_wait3A_15 = tpu.memref_slice %arg2[%dma_wait3A, %dma_wait3A_14] : memref<1604000x128xf32, #tpu.memory_space<hbm>> -> memref<1604000x128xf32, #tpu.memory_space<hbm>>
      tpu.wait_indirect_dma semaphore(%arg7 : memref<!tpu.dma_semaphore, #tpu.memory_space<semaphore_mem>>) src(%dma_wait3A_15 : memref<1604000x128xf32, #tpu.memory_space<hbm>>) dst(%arg6 : memref<400x128xf32, #tpu.memory_space<vmem>>)
      "tpu.region"() ({
        %run_scoped3A = tpu.sem_alloc : memref<!tpu.dma_semaphore, #tpu.memory_space<semaphore_mem>>
        %dma_start3A_16 = arith.constant 0 : i32
        %dma_start3A_17 = tpu.memref_slice %arg4[%add3A_11, %dma_start3A_16] : memref<1600000x128xf32, #tpu.memory_space<hbm>> -> memref<400x128xf32, #tpu.memory_space<hbm>>
        %dma_start3A_18 = arith.constant 0 : i32
        %dma_start3A_19 = tpu.memref_slice %arg4[%add3A_11, %dma_start3A_18] : memref<1600000x128xf32, #tpu.memory_space<hbm>> -> memref<400x128xf32, #tpu.memory_space<hbm>>
        tpu.enqueue_dma source(%arg6 : memref<400x128xf32, #tpu.memory_space<vmem>>) target(%dma_start3A_19 : memref<400x128xf32, #tpu.memory_space<hbm>>) target_semaphore(%run_scoped3A : memref<!tpu.dma_semaphore, #tpu.memory_space<semaphore_mem>>)
        %dma_wait3A_20 = arith.constant 0 : i32
        %dma_wait3A_21 = tpu.memref_slice %arg4[%add3A_11, %dma_wait3A_20] : memref<1600000x128xf32, #tpu.memory_space<hbm>> -> memref<400x128xf32, #tpu.memory_space<hbm>>
        %dma_wait3A_22 = arith.constant 0 : i32
        %dma_wait3A_23 = tpu.memref_slice %arg4[%add3A_11, %dma_wait3A_22] : memref<1600000x128xf32, #tpu.memory_space<hbm>> -> memref<400x128xf32, #tpu.memory_space<hbm>>
        tpu.wait_dma2 semaphore(%run_scoped3A : memref<!tpu.dma_semaphore, #tpu.memory_space<semaphore_mem>>) src(%arg6 : memref<400x128xf32, #tpu.memory_space<vmem>>) dst(%dma_wait3A_23 : memref<400x128xf32, #tpu.memory_space<hbm>>)
        tpu.yield
      }) : () -> ()
    }
    %scan3A_7 = arith.constant 125 : i32
    return
  }
}

#map = affine_map<(d0, d1) -> (0, 0)>
#map1 = affine_map<(d0, d1) -> (0)>
module attributes {stable_mosaic.version = 14 : i64} {
  func.func @k(%arg0: i32, %arg1: i32, %arg2: memref<55000x128xf32, #tpu.memory_space<hbm>>, %arg3: memref<10240xi32, #tpu.memory_space<hbm>>, %arg4: memref<10240x128xf32, #tpu.memory_space<hbm>>, %arg5: memref<320xi32, #tpu.memory_space<vmem>>, %arg6: memref<320x128xf32, #tpu.memory_space<vmem>>, %arg7: memref<!tpu.dma_semaphore, #tpu.memory_space<semaphore_mem>>) attributes {dimension_semantics = [#tpu.dimension_semantics<core_parallel>, #tpu.dimension_semantics<subcore_parallel>], iteration_bounds = array<i64: 2, 16>, scalar_prefetch = 0 : i64, scratch_operands = 3 : i64, tpu.core_type = #tpu.core_type<sc_vector_subcore>, window_params = [{transform_indices = #map}, {transform_indices = #map1}, {transform_indices = #map}]} {
    %mul3A = arith.constant 2 : i32
    %mul3A_0 = arith.muli %arg1, %mul3A : i32
    %add3A = arith.addi %mul3A_0, %arg0 : i32
    %mul3A_1 = arith.constant 320 : i32
    %mul3A_2 = arith.muli %add3A, %mul3A_1 : i32
    %scan3A = arith.constant 0 : i32
    %scan3A_3 = arith.constant 0 : i32
    %mul3A_4 = arith.constant 320 : i32
    %mul3A_5 = arith.muli %scan3A_3, %mul3A_4 : i32
    %add3A_6 = arith.addi %mul3A_2, %mul3A_5 : i32
    "tpu.region"() ({
      %run_scoped3A = tpu.sem_alloc : memref<!tpu.dma_semaphore, #tpu.memory_space<semaphore_mem>>
      %dma_start3A_12 = tpu.memref_slice %arg3[%add3A_6] : memref<10240xi32, #tpu.memory_space<hbm>> -> memref<320xi32, #tpu.memory_space<hbm>>
      %dma_start3A_13 = tpu.memref_slice %arg3[%add3A_6] : memref<10240xi32, #tpu.memory_space<hbm>> -> memref<320xi32, #tpu.memory_space<hbm>>
      tpu.enqueue_dma source(%dma_start3A_13 : memref<320xi32, #tpu.memory_space<hbm>>) target(%arg5 : memref<320xi32, #tpu.memory_space<vmem>>) target_semaphore(%run_scoped3A : memref<!tpu.dma_semaphore, #tpu.memory_space<semaphore_mem>>)
      %dma_wait3A_14 = tpu.memref_slice %arg3[%add3A_6] : memref<10240xi32, #tpu.memory_space<hbm>> -> memref<320xi32, #tpu.memory_space<hbm>>
      %dma_wait3A_15 = tpu.memref_slice %arg3[%add3A_6] : memref<10240xi32, #tpu.memory_space<hbm>> -> memref<320xi32, #tpu.memory_space<hbm>>
      tpu.wait_dma2 semaphore(%run_scoped3A : memref<!tpu.dma_semaphore, #tpu.memory_space<semaphore_mem>>) src(%dma_wait3A_15 : memref<320xi32, #tpu.memory_space<hbm>>) dst(%arg5 : memref<320xi32, #tpu.memory_space<vmem>>)
      tpu.yield
    }) : () -> ()
    %dma_start3A = arith.constant 0 : i32
    %dma_start3A_7 = arith.constant 0 : i32
    %dma_start3A_8 = tpu.memref_slice %arg2[%dma_start3A, %dma_start3A_7] : memref<55000x128xf32, #tpu.memory_space<hbm>> -> memref<55000x128xf32, #tpu.memory_space<hbm>>
    tpu.enqueue_indirect_dma source(%dma_start3A_8 : memref<55000x128xf32, #tpu.memory_space<hbm>>) target(%arg6 : memref<320x128xf32, #tpu.memory_space<vmem>>) offsets(%arg5 : memref<320xi32, #tpu.memory_space<vmem>>) semaphore(%arg7 : memref<!tpu.dma_semaphore, #tpu.memory_space<semaphore_mem>>)
    %dma_wait3A = arith.constant 0 : i32
    %dma_wait3A_9 = arith.constant 0 : i32
    %dma_wait3A_10 = tpu.memref_slice %arg2[%dma_wait3A, %dma_wait3A_9] : memref<55000x128xf32, #tpu.memory_space<hbm>> -> memref<55000x128xf32, #tpu.memory_space<hbm>>
    tpu.wait_indirect_dma semaphore(%arg7 : memref<!tpu.dma_semaphore, #tpu.memory_space<semaphore_mem>>) src(%dma_wait3A_10 : memref<55000x128xf32, #tpu.memory_space<hbm>>) dst(%arg6 : memref<320x128xf32, #tpu.memory_space<vmem>>)
    "tpu.region"() ({
      %run_scoped3A = tpu.sem_alloc : memref<!tpu.dma_semaphore, #tpu.memory_space<semaphore_mem>>
      %dma_start3A_12 = arith.constant 0 : i32
      %dma_start3A_13 = tpu.memref_slice %arg4[%add3A_6, %dma_start3A_12] : memref<10240x128xf32, #tpu.memory_space<hbm>> -> memref<320x128xf32, #tpu.memory_space<hbm>>
      %dma_start3A_14 = arith.constant 0 : i32
      %dma_start3A_15 = tpu.memref_slice %arg4[%add3A_6, %dma_start3A_14] : memref<10240x128xf32, #tpu.memory_space<hbm>> -> memref<320x128xf32, #tpu.memory_space<hbm>>
      tpu.enqueue_dma source(%arg6 : memref<320x128xf32, #tpu.memory_space<vmem>>) target(%dma_start3A_15 : memref<320x128xf32, #tpu.memory_space<hbm>>) target_semaphore(%run_scoped3A : memref<!tpu.dma_semaphore, #tpu.memory_space<semaphore_mem>>)
      %dma_wait3A_16 = arith.constant 0 : i32
      %dma_wait3A_17 = tpu.memref_slice %arg4[%add3A_6, %dma_wait3A_16] : memref<10240x128xf32, #tpu.memory_space<hbm>> -> memref<320x128xf32, #tpu.memory_space<hbm>>
      %dma_wait3A_18 = arith.constant 0 : i32
      %dma_wait3A_19 = tpu.memref_slice %arg4[%add3A_6, %dma_wait3A_18] : memref<10240x128xf32, #tpu.memory_space<hbm>> -> memref<320x128xf32, #tpu.memory_space<hbm>>
      tpu.wait_dma2 semaphore(%run_scoped3A : memref<!tpu.dma_semaphore, #tpu.memory_space<semaphore_mem>>) src(%arg6 : memref<320x128xf32, #tpu.memory_space<vmem>>) dst(%dma_wait3A_19 : memref<320x128xf32, #tpu.memory_space<hbm>>)
      tpu.yield
    }) : () -> ()
    %scan3A_11 = arith.constant 1 : i32
    return
  }
}

#map = affine_map<(d0, d1) -> (0, 0)>
#map1 = affine_map<(d0, d1) -> (0)>
module attributes {stable_mosaic.version = 14 : i64} {
  func.func @k(%arg0: i32, %arg1: i32, %arg2: memref<1604000x128xf32, #tpu.memory_space<hbm>>, %arg3: memref<50176xi32, #tpu.memory_space<hbm>>, %arg4: memref<50176x128xf32, #tpu.memory_space<hbm>>, %arg5: memref<392xi32, #tpu.memory_space<vmem>>, %arg6: memref<392x128xf32, #tpu.memory_space<vmem>>, %arg7: memref<!tpu.dma_semaphore, #tpu.memory_space<semaphore_mem>>) attributes {dimension_semantics = [#tpu.dimension_semantics<core_parallel>, #tpu.dimension_semantics<subcore_parallel>], iteration_bounds = array<i64: 2, 16>, scalar_prefetch = 0 : i64, scratch_operands = 3 : i64, tpu.core_type = #tpu.core_type<sc_vector_subcore>, window_params = [{transform_indices = #map}, {transform_indices = #map1}, {transform_indices = #map}]} {
    %mul3A = arith.constant 2 : i32
    %mul3A_0 = arith.muli %arg1, %mul3A : i32
    %add3A = arith.addi %mul3A_0, %arg0 : i32
    %mul3A_1 = arith.constant 1568 : i32
    %mul3A_2 = arith.muli %add3A, %mul3A_1 : i32
    %scan3A = arith.constant 0 : i32
    %scan3A_3 = arith.constant 0 : i32
    %scan3A_4 = arith.constant 4 : i32
    %scan3A_5 = arith.addi %scan3A_3, %scan3A_4 : i32
    %scan3A_6 = arith.constant 1 : i32
    scf.for %scan3A_8 = %scan3A_3 to %scan3A_5 step %scan3A_6  : i32 {
      %mul3A_9 = arith.constant 392 : i32
      %mul3A_10 = arith.muli %scan3A_8, %mul3A_9 : i32
      %add3A_11 = arith.addi %mul3A_2, %mul3A_10 : i32
      "tpu.region"() ({
        %run_scoped3A = tpu.sem_alloc : memref<!tpu.dma_semaphore, #tpu.memory_space<semaphore_mem>>
        %dma_start3A_16 = tpu.memref_slice %arg3[%add3A_11] : memref<50176xi32, #tpu.memory_space<hbm>> -> memref<392xi32, #tpu.memory_space<hbm>>
        %dma_start3A_17 = tpu.memref_slice %arg3[%add3A_11] : memref<50176xi32, #tpu.memory_space<hbm>> -> memref<392xi32, #tpu.memory_space<hbm>>
        tpu.enqueue_dma source(%dma_start3A_17 : memref<392xi32, #tpu.memory_space<hbm>>) target(%arg5 : memref<392xi32, #tpu.memory_space<vmem>>) target_semaphore(%run_scoped3A : memref<!tpu.dma_semaphore, #tpu.memory_space<semaphore_mem>>)
        %dma_wait3A_18 = tpu.memref_slice %arg3[%add3A_11] : memref<50176xi32, #tpu.memory_space<hbm>> -> memref<392xi32, #tpu.memory_space<hbm>>
        %dma_wait3A_19 = tpu.memref_slice %arg3[%add3A_11] : memref<50176xi32, #tpu.memory_space<hbm>> -> memref<392xi32, #tpu.memory_space<hbm>>
        tpu.wait_dma2 semaphore(%run_scoped3A : memref<!tpu.dma_semaphore, #tpu.memory_space<semaphore_mem>>) src(%dma_wait3A_19 : memref<392xi32, #tpu.memory_space<hbm>>) dst(%arg5 : memref<392xi32, #tpu.memory_space<vmem>>)
        tpu.yield
      }) : () -> ()
      %dma_start3A = arith.constant 0 : i32
      %dma_start3A_12 = arith.constant 0 : i32
      %dma_start3A_13 = tpu.memref_slice %arg2[%dma_start3A, %dma_start3A_12] : memref<1604000x128xf32, #tpu.memory_space<hbm>> -> memref<1604000x128xf32, #tpu.memory_space<hbm>>
      tpu.enqueue_indirect_dma source(%dma_start3A_13 : memref<1604000x128xf32, #tpu.memory_space<hbm>>) target(%arg6 : memref<392x128xf32, #tpu.memory_space<vmem>>) offsets(%arg5 : memref<392xi32, #tpu.memory_space<vmem>>) semaphore(%arg7 : memref<!tpu.dma_semaphore, #tpu.memory_space<semaphore_mem>>)
      %dma_wait3A = arith.constant 0 : i32
      %dma_wait3A_14 = arith.constant 0 : i32
      %dma_wait3A_15 = tpu.memref_slice %arg2[%dma_wait3A, %dma_wait3A_14] : memref<1604000x128xf32, #tpu.memory_space<hbm>> -> memref<1604000x128xf32, #tpu.memory_space<hbm>>
      tpu.wait_indirect_dma semaphore(%arg7 : memref<!tpu.dma_semaphore, #tpu.memory_space<semaphore_mem>>) src(%dma_wait3A_15 : memref<1604000x128xf32, #tpu.memory_space<hbm>>) dst(%arg6 : memref<392x128xf32, #tpu.memory_space<vmem>>)
      "tpu.region"() ({
        %run_scoped3A = tpu.sem_alloc : memref<!tpu.dma_semaphore, #tpu.memory_space<semaphore_mem>>
        %dma_start3A_16 = arith.constant 0 : i32
        %dma_start3A_17 = tpu.memref_slice %arg4[%add3A_11, %dma_start3A_16] : memref<50176x128xf32, #tpu.memory_space<hbm>> -> memref<392x128xf32, #tpu.memory_space<hbm>>
        %dma_start3A_18 = arith.constant 0 : i32
        %dma_start3A_19 = tpu.memref_slice %arg4[%add3A_11, %dma_start3A_18] : memref<50176x128xf32, #tpu.memory_space<hbm>> -> memref<392x128xf32, #tpu.memory_space<hbm>>
        tpu.enqueue_dma source(%arg6 : memref<392x128xf32, #tpu.memory_space<vmem>>) target(%dma_start3A_19 : memref<392x128xf32, #tpu.memory_space<hbm>>) target_semaphore(%run_scoped3A : memref<!tpu.dma_semaphore, #tpu.memory_space<semaphore_mem>>)
        %dma_wait3A_20 = arith.constant 0 : i32
        %dma_wait3A_21 = tpu.memref_slice %arg4[%add3A_11, %dma_wait3A_20] : memref<50176x128xf32, #tpu.memory_space<hbm>> -> memref<392x128xf32, #tpu.memory_space<hbm>>
        %dma_wait3A_22 = arith.constant 0 : i32
        %dma_wait3A_23 = tpu.memref_slice %arg4[%add3A_11, %dma_wait3A_22] : memref<50176x128xf32, #tpu.memory_space<hbm>> -> memref<392x128xf32, #tpu.memory_space<hbm>>
        tpu.wait_dma2 semaphore(%run_scoped3A : memref<!tpu.dma_semaphore, #tpu.memory_space<semaphore_mem>>) src(%arg6 : memref<392x128xf32, #tpu.memory_space<vmem>>) dst(%dma_wait3A_23 : memref<392x128xf32, #tpu.memory_space<hbm>>)
        tpu.yield
      }) : () -> ()
    }
    %scan3A_7 = arith.constant 4 : i32
    return
  }
}

module attributes {stable_mosaic.version = 14 : i64} {
  func.func @stage1(%arg0: i32, %arg1: memref<4000x3xf32, #tpu.memory_space<vmem>>, %arg2: memref<4000x1xi32, #tpu.memory_space<vmem>>, %arg3: memref<3x20xf32, #tpu.memory_space<vmem>>, %arg4: memref<1x20xf32, #tpu.memory_space<vmem>>, %arg5: memref<20x10xf32, #tpu.memory_space<vmem>>, %arg6: memref<1x10xf32, #tpu.memory_space<vmem>>, %arg7: memref<10x5xf32, #tpu.memory_space<vmem>>, %arg8: memref<1x5xf32, #tpu.memory_space<vmem>>, %arg9: memref<4000x128xf32, #tpu.memory_space<vmem>>, %arg10: memref<8x128xf32, #tpu.memory_space<vmem>>, %arg11: memref<1xi32, #tpu.memory_space<smem>>) attributes {dimension_semantics = [#tpu.dimension_semantics<arbitrary>], iteration_bounds = array<i64: 401>, scalar_prefetch = 0 : i64, scratch_operands = 2 : i64, tpu.core_type = #tpu.core_type<tc>, window_params = [{transform_indices = @transform_0, window_bounds = array<i64: 4000, 3>}, {transform_indices = @transform_1, window_bounds = array<i64: 4000, 1>}, {pipeline_mode = #tpu.pipeline_mode<synchronous>, transform_indices = @transform_2, window_bounds = array<i64: 3, 20>}, {pipeline_mode = #tpu.pipeline_mode<synchronous>, transform_indices = @transform_3, window_bounds = array<i64: 1, 20>}, {pipeline_mode = #tpu.pipeline_mode<synchronous>, transform_indices = @transform_4, window_bounds = array<i64: 20, 10>}, {pipeline_mode = #tpu.pipeline_mode<synchronous>, transform_indices = @transform_5, window_bounds = array<i64: 1, 10>}, {pipeline_mode = #tpu.pipeline_mode<synchronous>, transform_indices = @transform_6, window_bounds = array<i64: 10, 5>}, {pipeline_mode = #tpu.pipeline_mode<synchronous>, transform_indices = @transform_7, window_bounds = array<i64: 1, 5>}, {transform_indices = @transform_8, window_bounds = array<i64: 4000, 128>}]} {
    %eq3A = arith.constant 0 : i32
    %eq3A_0 = arith.cmpi eq, %arg0, %eq3A : i32
    %convert_element_type3A = arith.extui %eq3A_0 : i1 to i32
    %cond3A = arith.constant 0 : i32
    %cond3A_1 = arith.cmpi ne, %convert_element_type3A, %cond3A : i32
    scf.if %cond3A_1 {
      %swap3A = arith.constant -1 : i32
      %swap3A_11 = arith.constant 0 : index
      %swap3A_12 = memref.load %arg11[%swap3A_11] : memref<1xi32, #tpu.memory_space<smem>>
      memref.store %swap3A, %arg11[%swap3A_11] : memref<1xi32, #tpu.memory_space<smem>>
      %broadcast_in_dim3A = arith.constant 0xFF800000 : f32
      %broadcast_in_dim3A_13 = vector.broadcast %broadcast_in_dim3A : f32 to vector<8x128xf32>
      %swap3A_14 = arith.constant 0 : index
      %swap3A_15 = arith.constant 0 : index
      %swap3A_16 = vector.load %arg10[%swap3A_14, %swap3A_15] : memref<8x128xf32, #tpu.memory_space<vmem>>, vector<8x128xf32>
      tpu.vector_store %arg10[%swap3A_14, %swap3A_15], %broadcast_in_dim3A_13 {strides = array<i32>} : memref<8x128xf32, #tpu.memory_space<vmem>>, vector<8x128xf32>,
    } else {
    }
    %eq3A_2 = arith.constant 400 : i32
    %eq3A_3 = arith.cmpi eq, %arg0, %eq3A_2 : i32
    %convert_element_type3A_4 = arith.extui %eq3A_3 : i1 to i32
    %cond3A_5 = arith.constant 0 : i32
    %cond3A_6 = arith.cmpi ne, %convert_element_type3A_4, %cond3A_5 : i32
    scf.if %cond3A_6 {
      %broadcast_in_dim3A = arith.constant 0.000000e+00 : f32
      %broadcast_in_dim3A_11 = vector.broadcast %broadcast_in_dim3A : f32 to vector<4000x128xf32>
      %swap3A = arith.constant 0 : index
      %swap3A_12 = arith.constant 0 : index
      %swap3A_13 = vector.load %arg9[%swap3A, %swap3A_12] : memref<4000x128xf32, #tpu.memory_space<vmem>>, vector<4000x128xf32>
      tpu.vector_store %arg9[%swap3A, %swap3A_12], %broadcast_in_dim3A_11 {strides = array<i32>} : memref<4000x128xf32, #tpu.memory_space<vmem>>, vector<4000x128xf32>,
    } else {
    }
    %lt3A = arith.constant 400 : i32
    %lt3A_7 = arith.cmpi slt, %arg0, %lt3A : i32
    %convert_element_type3A_8 = arith.extui %lt3A_7 : i1 to i32
    %cond3A_9 = arith.constant 0 : i32
    %cond3A_10 = arith.cmpi ne, %convert_element_type3A_8, %cond3A_9 : i32
    scf.if %cond3A_10 {
      %get3A = arith.constant 0 : index
      %get3A_11 = arith.constant 0 : index
      %get3A_12 = vector.load %arg1[%get3A, %get3A_11] : memref<4000x3xf32, #tpu.memory_space<vmem>>, vector<4000x3xf32>
      %get3A_13 = arith.constant 0 : index
      %get3A_14 = arith.constant 0 : index
      %get3A_15 = vector.load %arg3[%get3A_13, %get3A_14] : memref<3x20xf32, #tpu.memory_space<vmem>>, vector<3x20xf32>
      %dot_general3A = arith.constant dense<0.000000e+00> : vector<4000x20xf32>
      %dot_general3A_16 = tpu.matmul %get3A_12, %get3A_15, %dot_general3A {dimension_numbers = #tpu.dot_dimension_numbers<[1], [0], [0], [1], [0, 0, 1, 1], [], []>, transpose_lhs_hint = false} : vector<4000x3xf32>, vector<3x20xf32>, vector<4000x20xf32> -> vector<4000x20xf32>
      %get3A_17 = arith.constant 0 : index
      %get3A_18 = arith.constant 0 : index
      %get3A_19 = vector.load %arg4[%get3A_17, %get3A_18] : memref<1x20xf32, #tpu.memory_space<vmem>>, vector<1x20xf32>
      %add3A = vector.broadcast %get3A_19 : vector<1x20xf32> to vector<4000x20xf32>
      %add3A_20 = arith.addf %dot_general3A_16, %add3A : vector<4000x20xf32>
      %max3A = arith.constant 0.000000e+00 : f32
      %max3A_21 = vector.broadcast %max3A : f32 to vector<4000x20xf32>
      %max3A_22 = arith.maximumf %add3A_20, %max3A_21 : vector<4000x20xf32>
      %get3A_23 = arith.constant 0 : index
      %get3A_24 = arith.constant 0 : index
      %get3A_25 = vector.load %arg5[%get3A_23, %get3A_24] : memref<20x10xf32, #tpu.memory_space<vmem>>, vector<20x10xf32>
      %dot_general3A_26 = arith.constant dense<0.000000e+00> : vector<4000x10xf32>
      %dot_general3A_27 = tpu.matmul %max3A_22, %get3A_25, %dot_general3A_26 {dimension_numbers = #tpu.dot_dimension_numbers<[1], [0], [0], [1], [0, 0, 1, 1], [], []>, transpose_lhs_hint = false} : vector<4000x20xf32>, vector<20x10xf32>, vector<4000x10xf32> -> vector<4000x10xf32>
      %get3A_28 = arith.constant 0 : index
      %get3A_29 = arith.constant 0 : index
      %get3A_30 = vector.load %arg6[%get3A_28, %get3A_29] : memref<1x10xf32, #tpu.memory_space<vmem>>, vector<1x10xf32>
      %add3A_31 = vector.broadcast %get3A_30 : vector<1x10xf32> to vector<4000x10xf32>
      %add3A_32 = arith.addf %dot_general3A_27, %add3A_31 : vector<4000x10xf32>
      %max3A_33 = arith.constant 0.000000e+00 : f32
      %max3A_34 = vector.broadcast %max3A_33 : f32 to vector<4000x10xf32>
      %max3A_35 = arith.maximumf %add3A_32, %max3A_34 : vector<4000x10xf32>
      %get3A_36 = arith.constant 0 : index
      %get3A_37 = arith.constant 0 : index
      %get3A_38 = vector.load %arg7[%get3A_36, %get3A_37] : memref<10x5xf32, #tpu.memory_space<vmem>>, vector<10x5xf32>
      %dot_general3A_39 = arith.constant dense<0.000000e+00> : vector<4000x5xf32>
      %dot_general3A_40 = tpu.matmul %max3A_35, %get3A_38, %dot_general3A_39 {dimension_numbers = #tpu.dot_dimension_numbers<[1], [0], [0], [1], [0, 0, 1, 1], [], []>, transpose_lhs_hint = false} : vector<4000x10xf32>, vector<10x5xf32>, vector<4000x5xf32> -> vector<4000x5xf32>
      %get3A_41 = arith.constant 0 : index
      %get3A_42 = arith.constant 0 : index
      %get3A_43 = vector.load %arg8[%get3A_41, %get3A_42] : memref<1x5xf32, #tpu.memory_space<vmem>>, vector<1x5xf32>
      %add3A_44 = vector.broadcast %get3A_43 : vector<1x5xf32> to vector<4000x5xf32>
      %add3A_45 = arith.addf %dot_general3A_40, %add3A_44 : vector<4000x5xf32>
      %broadcast_in_dim3A = arith.constant 0.000000e+00 : f32
      %broadcast_in_dim3A_46 = vector.broadcast %broadcast_in_dim3A : f32 to vector<4000x123xf32>
      %concatenate3A = tpu.concatenate %add3A_45, %broadcast_in_dim3A_46 in 1 : vector<4000x5xf32>, vector<4000x123xf32> -> vector<4000x128xf32>
      %get3A_47 = arith.constant 0 : index
      %get3A_48 = arith.constant 0 : index
      %get3A_49 = vector.load %arg2[%get3A_47, %get3A_48] : memref<4000x1xi32, #tpu.memory_space<vmem>>, vector<4000x1xi32>
      %get3A_50 = arith.constant 0 : index
      %get3A_51 = arith.constant 0 : index
      %get3A_52 = vector.load %arg10[%get3A_50, %get3A_51] : memref<8x128xf32, #tpu.memory_space<vmem>>, vector<1x128xf32>
      %get3A_53 = arith.constant 0 : index
      %get3A_54 = memref.load %arg11[%get3A_53] : memref<1xi32, #tpu.memory_space<smem>>
      %eq3A_55 = vector.broadcast %get3A_54 : i32 to vector<4000x1xi32>
      %eq3A_56 = arith.cmpi eq, %get3A_49, %eq3A_55 : vector<4000x1xi32>
      %max3A_57 = vector.broadcast %get3A_52 : vector<1x128xf32> to vector<4000x128xf32>
      %max3A_58 = arith.maximumf %concatenate3A, %max3A_57 : vector<4000x128xf32>
      %broadcast_in_dim3A_59 = vector.shape_cast %eq3A_56 : vector<4000x1xi1> to vector<4000x1xi1>
      %broadcast_in_dim3A_60 = vector.broadcast %broadcast_in_dim3A_59 : vector<4000x1xi1> to vector<4000x128xi1>
      %select_n3A = arith.select %broadcast_in_dim3A_60, %max3A_58, %concatenate3A : vector<4000x128xi1>, vector<4000x128xf32>
      %broadcast_in_dim3A_61 = arith.constant 0xFF800000 : f32
      %broadcast_in_dim3A_62 = vector.broadcast %broadcast_in_dim3A_61 : f32 to vector<1x128xf32>
      %broadcast_in_dim3A_63 = arith.constant -1 : i32
      %broadcast_in_dim3A_64 = vector.broadcast %broadcast_in_dim3A_63 : i32 to vector<1x1xi32>
      %slice3A = vector.extract_strided_slice %select_n3A {offsets = [0, 0], sizes = [3999, 128], strides = [1, 1]} : vector<4000x128xf32> to vector<3999x128xf32>
      %concatenate3A_65 = tpu.concatenate %broadcast_in_dim3A_62, %slice3A in 0 : vector<1x128xf32>, vector<3999x128xf32> -> vector<4000x128xf32>
      %slice3A_66 = vector.extract_strided_slice %get3A_49 {offsets = [0, 0], sizes = [3999, 1], strides = [1, 1]} : vector<4000x1xi32> to vector<3999x1xi32>
      %concatenate3A_67 = tpu.concatenate %broadcast_in_dim3A_64, %slice3A_66 in 0 : vector<1x1xi32>, vector<3999x1xi32> -> vector<4000x1xi32>
      %eq3A_68 = arith.cmpi eq, %get3A_49, %concatenate3A_67 : vector<4000x1xi32>
      %max3A_69 = arith.maximumf %select_n3A, %concatenate3A_65 : vector<4000x128xf32>
      %broadcast_in_dim3A_70 = vector.shape_cast %eq3A_68 : vector<4000x1xi1> to vector<4000x1xi1>
      %broadcast_in_dim3A_71 = vector.broadcast %broadcast_in_dim3A_70 : vector<4000x1xi1> to vector<4000x128xi1>
      %select_n3A_72 = arith.select %broadcast_in_dim3A_71, %max3A_69, %select_n3A : vector<4000x128xi1>, vector<4000x128xf32>
      %broadcast_in_dim3A_73 = arith.constant 0xFF800000 : f32
      %broadcast_in_dim3A_74 = vector.broadcast %broadcast_in_dim3A_73 : f32 to vector<2x128xf32>
      %broadcast_in_dim3A_75 = arith.constant -1 : i32
      %broadcast_in_dim3A_76 = vector.broadcast %broadcast_in_dim3A_75 : i32 to vector<2x1xi32>
      %slice3A_77 = vector.extract_strided_slice %select_n3A_72 {offsets = [0, 0], sizes = [3998, 128], strides = [1, 1]} : vector<4000x128xf32> to vector<3998x128xf32>
      %concatenate3A_78 = tpu.concatenate %broadcast_in_dim3A_74, %slice3A_77 in 0 : vector<2x128xf32>, vector<3998x128xf32> -> vector<4000x128xf32>
      %slice3A_79 = vector.extract_strided_slice %get3A_49 {offsets = [0, 0], sizes = [3998, 1], strides = [1, 1]} : vector<4000x1xi32> to vector<3998x1xi32>
      %concatenate3A_80 = tpu.concatenate %broadcast_in_dim3A_76, %slice3A_79 in 0 : vector<2x1xi32>, vector<3998x1xi32> -> vector<4000x1xi32>
      %eq3A_81 = arith.cmpi eq, %get3A_49, %concatenate3A_80 : vector<4000x1xi32>
      %max3A_82 = arith.maximumf %select_n3A_72, %concatenate3A_78 : vector<4000x128xf32>
      %broadcast_in_dim3A_83 = vector.shape_cast %eq3A_81 : vector<4000x1xi1> to vector<4000x1xi1>
      %broadcast_in_dim3A_84 = vector.broadcast %broadcast_in_dim3A_83 : vector<4000x1xi1> to vector<4000x128xi1>
      %select_n3A_85 = arith.select %broadcast_in_dim3A_84, %max3A_82, %select_n3A_72 : vector<4000x128xi1>, vector<4000x128xf32>
      %broadcast_in_dim3A_86 = arith.constant 0xFF800000 : f32
      %broadcast_in_dim3A_87 = vector.broadcast %broadcast_in_dim3A_86 : f32 to vector<4x128xf32>
      %broadcast_in_dim3A_88 = arith.constant -1 : i32
      %broadcast_in_dim3A_89 = vector.broadcast %broadcast_in_dim3A_88 : i32 to vector<4x1xi32>
      %slice3A_90 = vector.extract_strided_slice %select_n3A_85 {offsets = [0, 0], sizes = [3996, 128], strides = [1, 1]} : vector<4000x128xf32> to vector<3996x128xf32>
      %concatenate3A_91 = tpu.concatenate %broadcast_in_dim3A_87, %slice3A_90 in 0 : vector<4x128xf32>, vector<3996x128xf32> -> vector<4000x128xf32>
      %slice3A_92 = vector.extract_strided_slice %get3A_49 {offsets = [0, 0], sizes = [3996, 1], strides = [1, 1]} : vector<4000x1xi32> to vector<3996x1xi32>
      %concatenate3A_93 = tpu.concatenate %broadcast_in_dim3A_89, %slice3A_92 in 0 : vector<4x1xi32>, vector<3996x1xi32> -> vector<4000x1xi32>
      %eq3A_94 = arith.cmpi eq, %get3A_49, %concatenate3A_93 : vector<4000x1xi32>
      %max3A_95 = arith.maximumf %select_n3A_85, %concatenate3A_91 : vector<4000x128xf32>
      %broadcast_in_dim3A_96 = vector.shape_cast %eq3A_94 : vector<4000x1xi1> to vector<4000x1xi1>
      %broadcast_in_dim3A_97 = vector.broadcast %broadcast_in_dim3A_96 : vector<4000x1xi1> to vector<4000x128xi1>
      %select_n3A_98 = arith.select %broadcast_in_dim3A_97, %max3A_95, %select_n3A_85 : vector<4000x128xi1>, vector<4000x128xf32>
      %broadcast_in_dim3A_99 = arith.constant 0xFF800000 : f32
      %broadcast_in_dim3A_100 = vector.broadcast %broadcast_in_dim3A_99 : f32 to vector<8x128xf32>
      %broadcast_in_dim3A_101 = arith.constant -1 : i32
      %broadcast_in_dim3A_102 = vector.broadcast %broadcast_in_dim3A_101 : i32 to vector<8x1xi32>
      %slice3A_103 = vector.extract_strided_slice %select_n3A_98 {offsets = [0, 0], sizes = [3992, 128], strides = [1, 1]} : vector<4000x128xf32> to vector<3992x128xf32>
      %concatenate3A_104 = tpu.concatenate %broadcast_in_dim3A_100, %slice3A_103 in 0 : vector<8x128xf32>, vector<3992x128xf32> -> vector<4000x128xf32>
      %slice3A_105 = vector.extract_strided_slice %get3A_49 {offsets = [0, 0], sizes = [3992, 1], strides = [1, 1]} : vector<4000x1xi32> to vector<3992x1xi32>
      %concatenate3A_106 = tpu.concatenate %broadcast_in_dim3A_102, %slice3A_105 in 0 : vector<8x1xi32>, vector<3992x1xi32> -> vector<4000x1xi32>
      %eq3A_107 = arith.cmpi eq, %get3A_49, %concatenate3A_106 : vector<4000x1xi32>
      %max3A_108 = arith.maximumf %select_n3A_98, %concatenate3A_104 : vector<4000x128xf32>
      %broadcast_in_dim3A_109 = vector.shape_cast %eq3A_107 : vector<4000x1xi1> to vector<4000x1xi1>
      %broadcast_in_dim3A_110 = vector.broadcast %broadcast_in_dim3A_109 : vector<4000x1xi1> to vector<4000x128xi1>
      %select_n3A_111 = arith.select %broadcast_in_dim3A_110, %max3A_108, %select_n3A_98 : vector<4000x128xi1>, vector<4000x128xf32>
      %broadcast_in_dim3A_112 = arith.constant 0xFF800000 : f32
      %broadcast_in_dim3A_113 = vector.broadcast %broadcast_in_dim3A_112 : f32 to vector<16x128xf32>
      %broadcast_in_dim3A_114 = arith.constant -1 : i32
      %broadcast_in_dim3A_115 = vector.broadcast %broadcast_in_dim3A_114 : i32 to vector<16x1xi32>
      %slice3A_116 = vector.extract_strided_slice %select_n3A_111 {offsets = [0, 0], sizes = [3984, 128], strides = [1, 1]} : vector<4000x128xf32> to vector<3984x128xf32>
      %concatenate3A_117 = tpu.concatenate %broadcast_in_dim3A_113, %slice3A_116 in 0 : vector<16x128xf32>, vector<3984x128xf32> -> vector<4000x128xf32>
      %slice3A_118 = vector.extract_strided_slice %get3A_49 {offsets = [0, 0], sizes = [3984, 1], strides = [1, 1]} : vector<4000x1xi32> to vector<3984x1xi32>
      %concatenate3A_119 = tpu.concatenate %broadcast_in_dim3A_115, %slice3A_118 in 0 : vector<16x1xi32>, vector<3984x1xi32> -> vector<4000x1xi32>
      %eq3A_120 = arith.cmpi eq, %get3A_49, %concatenate3A_119 : vector<4000x1xi32>
      %max3A_121 = arith.maximumf %select_n3A_111, %concatenate3A_117 : vector<4000x128xf32>
      %broadcast_in_dim3A_122 = vector.shape_cast %eq3A_120 : vector<4000x1xi1> to vector<4000x1xi1>
      %broadcast_in_dim3A_123 = vector.broadcast %broadcast_in_dim3A_122 : vector<4000x1xi1> to vector<4000x128xi1>
      %select_n3A_124 = arith.select %broadcast_in_dim3A_123, %max3A_121, %select_n3A_111 : vector<4000x128xi1>, vector<4000x128xf32>
      %broadcast_in_dim3A_125 = arith.constant 0xFF800000 : f32
      %broadcast_in_dim3A_126 = vector.broadcast %broadcast_in_dim3A_125 : f32 to vector<32x128xf32>
      %broadcast_in_dim3A_127 = arith.constant -1 : i32
      %broadcast_in_dim3A_128 = vector.broadcast %broadcast_in_dim3A_127 : i32 to vector<32x1xi32>
      %slice3A_129 = vector.extract_strided_slice %select_n3A_124 {offsets = [0, 0], sizes = [3968, 128], strides = [1, 1]} : vector<4000x128xf32> to vector<3968x128xf32>
      %concatenate3A_130 = tpu.concatenate %broadcast_in_dim3A_126, %slice3A_129 in 0 : vector<32x128xf32>, vector<3968x128xf32> -> vector<4000x128xf32>
      %slice3A_131 = vector.extract_strided_slice %get3A_49 {offsets = [0, 0], sizes = [3968, 1], strides = [1, 1]} : vector<4000x1xi32> to vector<3968x1xi32>
      %concatenate3A_132 = tpu.concatenate %broadcast_in_dim3A_128, %slice3A_131 in 0 : vector<32x1xi32>, vector<3968x1xi32> -> vector<4000x1xi32>
      %eq3A_133 = arith.cmpi eq, %get3A_49, %concatenate3A_132 : vector<4000x1xi32>
      %max3A_134 = arith.maximumf %select_n3A_124, %concatenate3A_130 : vector<4000x128xf32>
      %broadcast_in_dim3A_135 = vector.shape_cast %eq3A_133 : vector<4000x1xi1> to vector<4000x1xi1>
      %broadcast_in_dim3A_136 = vector.broadcast %broadcast_in_dim3A_135 : vector<4000x1xi1> to vector<4000x128xi1>
      %select_n3A_137 = arith.select %broadcast_in_dim3A_136, %max3A_134, %select_n3A_124 : vector<4000x128xi1>, vector<4000x128xf32>
      %broadcast_in_dim3A_138 = arith.constant 0xFF800000 : f32
      %broadcast_in_dim3A_139 = vector.broadcast %broadcast_in_dim3A_138 : f32 to vector<64x128xf32>
      %broadcast_in_dim3A_140 = arith.constant -1 : i32
      %broadcast_in_dim3A_141 = vector.broadcast %broadcast_in_dim3A_140 : i32 to vector<64x1xi32>
      %slice3A_142 = vector.extract_strided_slice %select_n3A_137 {offsets = [0, 0], sizes = [3936, 128], strides = [1, 1]} : vector<4000x128xf32> to vector<3936x128xf32>
      %concatenate3A_143 = tpu.concatenate %broadcast_in_dim3A_139, %slice3A_142 in 0 : vector<64x128xf32>, vector<3936x128xf32> -> vector<4000x128xf32>
      %slice3A_144 = vector.extract_strided_slice %get3A_49 {offsets = [0, 0], sizes = [3936, 1], strides = [1, 1]} : vector<4000x1xi32> to vector<3936x1xi32>
      %concatenate3A_145 = tpu.concatenate %broadcast_in_dim3A_141, %slice3A_144 in 0 : vector<64x1xi32>, vector<3936x1xi32> -> vector<4000x1xi32>
      %eq3A_146 = arith.cmpi eq, %get3A_49, %concatenate3A_145 : vector<4000x1xi32>
      %max3A_147 = arith.maximumf %select_n3A_137, %concatenate3A_143 : vector<4000x128xf32>
      %broadcast_in_dim3A_148 = vector.shape_cast %eq3A_146 : vector<4000x1xi1> to vector<4000x1xi1>
      %broadcast_in_dim3A_149 = vector.broadcast %broadcast_in_dim3A_148 : vector<4000x1xi1> to vector<4000x128xi1>
      %select_n3A_150 = arith.select %broadcast_in_dim3A_149, %max3A_147, %select_n3A_137 : vector<4000x128xi1>, vector<4000x128xf32>
      %broadcast_in_dim3A_151 = arith.constant 0xFF800000 : f32
      %broadcast_in_dim3A_152 = vector.broadcast %broadcast_in_dim3A_151 : f32 to vector<128x128xf32>
      %broadcast_in_dim3A_153 = arith.constant -1 : i32
      %broadcast_in_dim3A_154 = vector.broadcast %broadcast_in_dim3A_153 : i32 to vector<128x1xi32>
      %slice3A_155 = vector.extract_strided_slice %select_n3A_150 {offsets = [0, 0], sizes = [3872, 128], strides = [1, 1]} : vector<4000x128xf32> to vector<3872x128xf32>
      %concatenate3A_156 = tpu.concatenate %broadcast_in_dim3A_152, %slice3A_155 in 0 : vector<128x128xf32>, vector<3872x128xf32> -> vector<4000x128xf32>
      %slice3A_157 = vector.extract_strided_slice %get3A_49 {offsets = [0, 0], sizes = [3872, 1], strides = [1, 1]} : vector<4000x1xi32> to vector<3872x1xi32>
      %concatenate3A_158 = tpu.concatenate %broadcast_in_dim3A_154, %slice3A_157 in 0 : vector<128x1xi32>, vector<3872x1xi32> -> vector<4000x1xi32>
      %eq3A_159 = arith.cmpi eq, %get3A_49, %concatenate3A_158 : vector<4000x1xi32>
      %max3A_160 = arith.maximumf %select_n3A_150, %concatenate3A_156 : vector<4000x128xf32>
      %broadcast_in_dim3A_161 = vector.shape_cast %eq3A_159 : vector<4000x1xi1> to vector<4000x1xi1>
      %broadcast_in_dim3A_162 = vector.broadcast %broadcast_in_dim3A_161 : vector<4000x1xi1> to vector<4000x128xi1>
      %select_n3A_163 = arith.select %broadcast_in_dim3A_162, %max3A_160, %select_n3A_150 : vector<4000x128xi1>, vector<4000x128xf32>
      %broadcast_in_dim3A_164 = arith.constant 0xFF800000 : f32
      %broadcast_in_dim3A_165 = vector.broadcast %broadcast_in_dim3A_164 : f32 to vector<256x128xf32>
      %broadcast_in_dim3A_166 = arith.constant -1 : i32
      %broadcast_in_dim3A_167 = vector.broadcast %broadcast_in_dim3A_166 : i32 to vector<256x1xi32>
      %slice3A_168 = vector.extract_strided_slice %select_n3A_163 {offsets = [0, 0], sizes = [3744, 128], strides = [1, 1]} : vector<4000x128xf32> to vector<3744x128xf32>
      %concatenate3A_169 = tpu.concatenate %broadcast_in_dim3A_165, %slice3A_168 in 0 : vector<256x128xf32>, vector<3744x128xf32> -> vector<4000x128xf32>
      %slice3A_170 = vector.extract_strided_slice %get3A_49 {offsets = [0, 0], sizes = [3744, 1], strides = [1, 1]} : vector<4000x1xi32> to vector<3744x1xi32>
      %concatenate3A_171 = tpu.concatenate %broadcast_in_dim3A_167, %slice3A_170 in 0 : vector<256x1xi32>, vector<3744x1xi32> -> vector<4000x1xi32>
      %eq3A_172 = arith.cmpi eq, %get3A_49, %concatenate3A_171 : vector<4000x1xi32>
      %max3A_173 = arith.maximumf %select_n3A_163, %concatenate3A_169 : vector<4000x128xf32>
      %broadcast_in_dim3A_174 = vector.shape_cast %eq3A_172 : vector<4000x1xi1> to vector<4000x1xi1>
      %broadcast_in_dim3A_175 = vector.broadcast %broadcast_in_dim3A_174 : vector<4000x1xi1> to vector<4000x128xi1>
      %select_n3A_176 = arith.select %broadcast_in_dim3A_175, %max3A_173, %select_n3A_163 : vector<4000x128xi1>, vector<4000x128xf32>
      %broadcast_in_dim3A_177 = arith.constant 0xFF800000 : f32
      %broadcast_in_dim3A_178 = vector.broadcast %broadcast_in_dim3A_177 : f32 to vector<512x128xf32>
      %broadcast_in_dim3A_179 = arith.constant -1 : i32
      %broadcast_in_dim3A_180 = vector.broadcast %broadcast_in_dim3A_179 : i32 to vector<512x1xi32>
      %slice3A_181 = vector.extract_strided_slice %select_n3A_176 {offsets = [0, 0], sizes = [3488, 128], strides = [1, 1]} : vector<4000x128xf32> to vector<3488x128xf32>
      %concatenate3A_182 = tpu.concatenate %broadcast_in_dim3A_178, %slice3A_181 in 0 : vector<512x128xf32>, vector<3488x128xf32> -> vector<4000x128xf32>
      %slice3A_183 = vector.extract_strided_slice %get3A_49 {offsets = [0, 0], sizes = [3488, 1], strides = [1, 1]} : vector<4000x1xi32> to vector<3488x1xi32>
      %concatenate3A_184 = tpu.concatenate %broadcast_in_dim3A_180, %slice3A_183 in 0 : vector<512x1xi32>, vector<3488x1xi32> -> vector<4000x1xi32>
      %eq3A_185 = arith.cmpi eq, %get3A_49, %concatenate3A_184 : vector<4000x1xi32>
      %max3A_186 = arith.maximumf %select_n3A_176, %concatenate3A_182 : vector<4000x128xf32>
      %broadcast_in_dim3A_187 = vector.shape_cast %eq3A_185 : vector<4000x1xi1> to vector<4000x1xi1>
      %broadcast_in_dim3A_188 = vector.broadcast %broadcast_in_dim3A_187 : vector<4000x1xi1> to vector<4000x128xi1>
      %select_n3A_189 = arith.select %broadcast_in_dim3A_188, %max3A_186, %select_n3A_176 : vector<4000x128xi1>, vector<4000x128xf32>
      %broadcast_in_dim3A_190 = arith.constant 0xFF800000 : f32
      %broadcast_in_dim3A_191 = vector.broadcast %broadcast_in_dim3A_190 : f32 to vector<1024x128xf32>
      %broadcast_in_dim3A_192 = arith.constant -1 : i32
      %broadcast_in_dim3A_193 = vector.broadcast %broadcast_in_dim3A_192 : i32 to vector<1024x1xi32>
      %slice3A_194 = vector.extract_strided_slice %select_n3A_189 {offsets = [0, 0], sizes = [2976, 128], strides = [1, 1]} : vector<4000x128xf32> to vector<2976x128xf32>
      %concatenate3A_195 = tpu.concatenate %broadcast_in_dim3A_191, %slice3A_194 in 0 : vector<1024x128xf32>, vector<2976x128xf32> -> vector<4000x128xf32>
      %slice3A_196 = vector.extract_strided_slice %get3A_49 {offsets = [0, 0], sizes = [2976, 1], strides = [1, 1]} : vector<4000x1xi32> to vector<2976x1xi32>
      %concatenate3A_197 = tpu.concatenate %broadcast_in_dim3A_193, %slice3A_196 in 0 : vector<1024x1xi32>, vector<2976x1xi32> -> vector<4000x1xi32>
      %eq3A_198 = arith.cmpi eq, %get3A_49, %concatenate3A_197 : vector<4000x1xi32>
      %max3A_199 = arith.maximumf %select_n3A_189, %concatenate3A_195 : vector<4000x128xf32>
      %broadcast_in_dim3A_200 = vector.shape_cast %eq3A_198 : vector<4000x1xi1> to vector<4000x1xi1>
      %broadcast_in_dim3A_201 = vector.broadcast %broadcast_in_dim3A_200 : vector<4000x1xi1> to vector<4000x128xi1>
      %select_n3A_202 = arith.select %broadcast_in_dim3A_201, %max3A_199, %select_n3A_189 : vector<4000x128xi1>, vector<4000x128xf32>
      %broadcast_in_dim3A_203 = arith.constant 0xFF800000 : f32
      %broadcast_in_dim3A_204 = vector.broadcast %broadcast_in_dim3A_203 : f32 to vector<2048x128xf32>
      %broadcast_in_dim3A_205 = arith.constant -1 : i32
      %broadcast_in_dim3A_206 = vector.broadcast %broadcast_in_dim3A_205 : i32 to vector<2048x1xi32>
      %slice3A_207 = vector.extract_strided_slice %select_n3A_202 {offsets = [0, 0], sizes = [1952, 128], strides = [1, 1]} : vector<4000x128xf32> to vector<1952x128xf32>
      %concatenate3A_208 = tpu.concatenate %broadcast_in_dim3A_204, %slice3A_207 in 0 : vector<2048x128xf32>, vector<1952x128xf32> -> vector<4000x128xf32>
      %slice3A_209 = vector.extract_strided_slice %get3A_49 {offsets = [0, 0], sizes = [1952, 1], strides = [1, 1]} : vector<4000x1xi32> to vector<1952x1xi32>
      %concatenate3A_210 = tpu.concatenate %broadcast_in_dim3A_206, %slice3A_209 in 0 : vector<2048x1xi32>, vector<1952x1xi32> -> vector<4000x1xi32>
      %eq3A_211 = arith.cmpi eq, %get3A_49, %concatenate3A_210 : vector<4000x1xi32>
      %max3A_212 = arith.maximumf %select_n3A_202, %concatenate3A_208 : vector<4000x128xf32>
      %broadcast_in_dim3A_213 = vector.shape_cast %eq3A_211 : vector<4000x1xi1> to vector<4000x1xi1>
      %broadcast_in_dim3A_214 = vector.broadcast %broadcast_in_dim3A_213 : vector<4000x1xi1> to vector<4000x128xi1>
      %select_n3A_215 = arith.select %broadcast_in_dim3A_214, %max3A_212, %select_n3A_202 : vector<4000x128xi1>, vector<4000x128xf32>
      %slice3A_216 = vector.extract_strided_slice %get3A_49 {offsets = [3999, 0], sizes = [1, 1], strides = [1, 1]} : vector<4000x1xi32> to vector<1x1xi32>
      %squeeze3A = vector.extract %slice3A_216[0, 0] : i32 from vector<1x1xi32>
      %swap3A = arith.constant 0 : index
      %swap3A_217 = memref.load %arg11[%swap3A] : memref<1xi32, #tpu.memory_space<smem>>
      memref.store %squeeze3A, %arg11[%swap3A] : memref<1xi32, #tpu.memory_space<smem>>
      %slice3A_218 = vector.extract_strided_slice %select_n3A_215 {offsets = [3999, 0], sizes = [1, 128], strides = [1, 1]} : vector<4000x128xf32> to vector<1x128xf32>
      %swap3A_219 = arith.constant 0 : index
      %swap3A_220 = arith.constant 0 : index
      %swap3A_221 = vector.load %arg10[%swap3A_219, %swap3A_220] : memref<8x128xf32, #tpu.memory_space<vmem>>, vector<1x128xf32>
      tpu.vector_store %arg10[%swap3A_219, %swap3A_220], %slice3A_218 {strides = array<i32>} : memref<8x128xf32, #tpu.memory_space<vmem>>, vector<1x128xf32>,
      %swap3A_222 = arith.constant 0 : index
      %swap3A_223 = arith.constant 0 : index
      %swap3A_224 = vector.load %arg9[%swap3A_222, %swap3A_223] : memref<4000x128xf32, #tpu.memory_space<vmem>>, vector<4000x128xf32>
      tpu.vector_store %arg9[%swap3A_222, %swap3A_223], %select_n3A_215 {strides = array<i32>} : memref<4000x128xf32, #tpu.memory_space<vmem>>, vector<4000x128xf32>,
    } else {
    }
    return
  }
  func.func @transform_0(%arg0: i32) -> (i32, i32) {
    %min3A = arith.constant 399 : i32
    %min3A_0 = arith.minsi %arg0, %min3A : i32
    %c0_i32 = arith.constant 0 : i32
    %c0_i32_1 = arith.constant 0 : i32
    return %min3A_0, %c0_i32 : i32, i32
  }
  func.func @transform_1(%arg0: i32) -> (i32, i32) {
    %min3A = arith.constant 399 : i32
    %min3A_0 = arith.minsi %arg0, %min3A : i32
    %c0_i32 = arith.constant 0 : i32
    %c0_i32_1 = arith.constant 0 : i32
    return %min3A_0, %c0_i32 : i32, i32
  }
  func.func @transform_2(%arg0: i32) -> (i32, i32) {
    %c0_i32 = arith.constant 0 : i32
    %c0_i32_0 = arith.constant 0 : i32
    %c0_i32_1 = arith.constant 0 : i32
    return %c0_i32, %c0_i32_0 : i32, i32
  }
  func.func @transform_3(%arg0: i32) -> (i32, i32) {
    %c0_i32 = arith.constant 0 : i32
    %c0_i32_0 = arith.constant 0 : i32
    %c0_i32_1 = arith.constant 0 : i32
    return %c0_i32, %c0_i32_0 : i32, i32
  }
  func.func @transform_4(%arg0: i32) -> (i32, i32) {
    %c0_i32 = arith.constant 0 : i32
    %c0_i32_0 = arith.constant 0 : i32
    %c0_i32_1 = arith.constant 0 : i32
    return %c0_i32, %c0_i32_0 : i32, i32
  }
  func.func @transform_5(%arg0: i32) -> (i32, i32) {
    %c0_i32 = arith.constant 0 : i32
    %c0_i32_0 = arith.constant 0 : i32
    %c0_i32_1 = arith.constant 0 : i32
    return %c0_i32, %c0_i32_0 : i32, i32
  }
  func.func @transform_6(%arg0: i32) -> (i32, i32) {
    %c0_i32 = arith.constant 0 : i32
    %c0_i32_0 = arith.constant 0 : i32
    %c0_i32_1 = arith.constant 0 : i32
    return %c0_i32, %c0_i32_0 : i32, i32
  }
  func.func @transform_7(%arg0: i32) -> (i32, i32) {
    %c0_i32 = arith.constant 0 : i32
    %c0_i32_0 = arith.constant 0 : i32
    %c0_i32_1 = arith.constant 0 : i32
    return %c0_i32, %c0_i32_0 : i32, i32
  }
  func.func @transform_8(%arg0: i32) -> (i32, i32) {
    %c0_i32 = arith.constant 0 : i32
    %c0_i32_0 = arith.constant 0 : i32
    return %arg0, %c0_i32 : i32, i32
  }
}

module attributes {stable_mosaic.version = 14 : i64} {
  func.func @stage2(%arg0: i32, %arg1: memref<4000x3xf32, #tpu.memory_space<vmem>>, %arg2: memref<4000x128xf32, #tpu.memory_space<vmem>>, %arg3: memref<4000x1xi32, #tpu.memory_space<vmem>>, %arg4: memref<3x32xf32, #tpu.memory_space<vmem>>, %arg5: memref<1x32xf32, #tpu.memory_space<vmem>>, %arg6: memref<32x5xf32, #tpu.memory_space<vmem>>, %arg7: memref<1x5xf32, #tpu.memory_space<vmem>>, %arg8: memref<10x64xf32, #tpu.memory_space<vmem>>, %arg9: memref<1x64xf32, #tpu.memory_space<vmem>>, %arg10: memref<64x25xf32, #tpu.memory_space<vmem>>, %arg11: memref<1x25xf32, #tpu.memory_space<vmem>>, %arg12: memref<4000x128xf32, #tpu.memory_space<vmem>>, %arg13: memref<8x128xf32, #tpu.memory_space<vmem>>, %arg14: memref<1xi32, #tpu.memory_space<smem>>) attributes {dimension_semantics = [#tpu.dimension_semantics<arbitrary>], iteration_bounds = array<i64: 401>, scalar_prefetch = 0 : i64, scratch_operands = 2 : i64, tpu.core_type = #tpu.core_type<tc>, window_params = [{transform_indices = @transform_0, window_bounds = array<i64: 4000, 3>}, {transform_indices = @transform_1, window_bounds = array<i64: 4000, 128>}, {transform_indices = @transform_2, window_bounds = array<i64: 4000, 1>}, {pipeline_mode = #tpu.pipeline_mode<synchronous>, transform_indices = @transform_3, window_bounds = array<i64: 3, 32>}, {pipeline_mode = #tpu.pipeline_mode<synchronous>, transform_indices = @transform_4, window_bounds = array<i64: 1, 32>}, {pipeline_mode = #tpu.pipeline_mode<synchronous>, transform_indices = @transform_5, window_bounds = array<i64: 32, 5>}, {pipeline_mode = #tpu.pipeline_mode<synchronous>, transform_indices = @transform_6, window_bounds = array<i64: 1, 5>}, {pipeline_mode = #tpu.pipeline_mode<synchronous>, transform_indices = @transform_7, window_bounds = array<i64: 10, 64>}, {pipeline_mode = #tpu.pipeline_mode<synchronous>, transform_indices = @transform_8, window_bounds = array<i64: 1, 64>}, {pipeline_mode = #tpu.pipeline_mode<synchronous>, transform_indices = @transform_9, window_bounds = array<i64: 64, 25>}, {pipeline_mode = #tpu.pipeline_mode<synchronous>, transform_indices = @transform_10, window_bounds = array<i64: 1, 25>}, {transform_indices = @transform_11, window_bounds = array<i64: 4000, 128>}]} {
    %eq3A = arith.constant 0 : i32
    %eq3A_0 = arith.cmpi eq, %arg0, %eq3A : i32
    %convert_element_type3A = arith.extui %eq3A_0 : i1 to i32
    %cond3A = arith.constant 0 : i32
    %cond3A_1 = arith.cmpi ne, %convert_element_type3A, %cond3A : i32
    scf.if %cond3A_1 {
      %swap3A = arith.constant -1 : i32
      %swap3A_11 = arith.constant 0 : index
      %swap3A_12 = memref.load %arg14[%swap3A_11] : memref<1xi32, #tpu.memory_space<smem>>
      memref.store %swap3A, %arg14[%swap3A_11] : memref<1xi32, #tpu.memory_space<smem>>
      %broadcast_in_dim3A = arith.constant 0xFF800000 : f32
      %broadcast_in_dim3A_13 = vector.broadcast %broadcast_in_dim3A : f32 to vector<8x128xf32>
      %swap3A_14 = arith.constant 0 : index
      %swap3A_15 = arith.constant 0 : index
      %swap3A_16 = vector.load %arg13[%swap3A_14, %swap3A_15] : memref<8x128xf32, #tpu.memory_space<vmem>>, vector<8x128xf32>
      tpu.vector_store %arg13[%swap3A_14, %swap3A_15], %broadcast_in_dim3A_13 {strides = array<i32>} : memref<8x128xf32, #tpu.memory_space<vmem>>, vector<8x128xf32>,
    } else {
    }
    %eq3A_2 = arith.constant 400 : i32
    %eq3A_3 = arith.cmpi eq, %arg0, %eq3A_2 : i32
    %convert_element_type3A_4 = arith.extui %eq3A_3 : i1 to i32
    %cond3A_5 = arith.constant 0 : i32
    %cond3A_6 = arith.cmpi ne, %convert_element_type3A_4, %cond3A_5 : i32
    scf.if %cond3A_6 {
      %broadcast_in_dim3A = arith.constant 0.000000e+00 : f32
      %broadcast_in_dim3A_11 = vector.broadcast %broadcast_in_dim3A : f32 to vector<4000x128xf32>
      %swap3A = arith.constant 0 : index
      %swap3A_12 = arith.constant 0 : index
      %swap3A_13 = vector.load %arg12[%swap3A, %swap3A_12] : memref<4000x128xf32, #tpu.memory_space<vmem>>, vector<4000x128xf32>
      tpu.vector_store %arg12[%swap3A, %swap3A_12], %broadcast_in_dim3A_11 {strides = array<i32>} : memref<4000x128xf32, #tpu.memory_space<vmem>>, vector<4000x128xf32>,
    } else {
    }
    %lt3A = arith.constant 400 : i32
    %lt3A_7 = arith.cmpi slt, %arg0, %lt3A : i32
    %convert_element_type3A_8 = arith.extui %lt3A_7 : i1 to i32
    %cond3A_9 = arith.constant 0 : i32
    %cond3A_10 = arith.cmpi ne, %convert_element_type3A_8, %cond3A_9 : i32
    scf.if %cond3A_10 {
      %get3A = arith.constant 0 : index
      %get3A_11 = arith.constant 0 : index
      %get3A_12 = vector.load %arg1[%get3A, %get3A_11] : memref<4000x3xf32, #tpu.memory_space<vmem>>, vector<4000x3xf32>
      %get3A_13 = arith.constant 0 : index
      %get3A_14 = arith.constant 0 : index
      %get3A_15 = vector.load %arg4[%get3A_13, %get3A_14] : memref<3x32xf32, #tpu.memory_space<vmem>>, vector<3x32xf32>
      %dot_general3A = arith.constant dense<0.000000e+00> : vector<4000x32xf32>
      %dot_general3A_16 = tpu.matmul %get3A_12, %get3A_15, %dot_general3A {dimension_numbers = #tpu.dot_dimension_numbers<[1], [0], [0], [1], [0, 0, 1, 1], [], []>, transpose_lhs_hint = false} : vector<4000x3xf32>, vector<3x32xf32>, vector<4000x32xf32> -> vector<4000x32xf32>
      %get3A_17 = arith.constant 0 : index
      %get3A_18 = arith.constant 0 : index
      %get3A_19 = vector.load %arg5[%get3A_17, %get3A_18] : memref<1x32xf32, #tpu.memory_space<vmem>>, vector<1x32xf32>
      %add3A = vector.broadcast %get3A_19 : vector<1x32xf32> to vector<4000x32xf32>
      %add3A_20 = arith.addf %dot_general3A_16, %add3A : vector<4000x32xf32>
      %max3A = arith.constant 0.000000e+00 : f32
      %max3A_21 = vector.broadcast %max3A : f32 to vector<4000x32xf32>
      %max3A_22 = arith.maximumf %add3A_20, %max3A_21 : vector<4000x32xf32>
      %get3A_23 = arith.constant 0 : index
      %get3A_24 = arith.constant 0 : index
      %get3A_25 = vector.load %arg6[%get3A_23, %get3A_24] : memref<32x5xf32, #tpu.memory_space<vmem>>, vector<32x5xf32>
      %dot_general3A_26 = arith.constant dense<0.000000e+00> : vector<4000x5xf32>
      %dot_general3A_27 = tpu.matmul %max3A_22, %get3A_25, %dot_general3A_26 {dimension_numbers = #tpu.dot_dimension_numbers<[1], [0], [0], [1], [0, 0, 1, 1], [], []>, transpose_lhs_hint = false} : vector<4000x32xf32>, vector<32x5xf32>, vector<4000x5xf32> -> vector<4000x5xf32>
      %get3A_28 = arith.constant 0 : index
      %get3A_29 = arith.constant 0 : index
      %get3A_30 = vector.load %arg7[%get3A_28, %get3A_29] : memref<1x5xf32, #tpu.memory_space<vmem>>, vector<1x5xf32>
      %add3A_31 = vector.broadcast %get3A_30 : vector<1x5xf32> to vector<4000x5xf32>
      %add3A_32 = arith.addf %dot_general3A_27, %add3A_31 : vector<4000x5xf32>
      %max3A_33 = arith.constant 0.000000e+00 : f32
      %max3A_34 = vector.broadcast %max3A_33 : f32 to vector<4000x5xf32>
      %max3A_35 = arith.maximumf %add3A_32, %max3A_34 : vector<4000x5xf32>
      %get3A_36 = arith.constant 0 : index
      %get3A_37 = arith.constant 0 : index
      %get3A_38 = vector.load %arg2[%get3A_36, %get3A_37] : memref<4000x128xf32, #tpu.memory_space<vmem>>, vector<4000x128xf32>
      %slice3A = vector.extract_strided_slice %get3A_38 {offsets = [0, 0], sizes = [4000, 5], strides = [1, 1]} : vector<4000x128xf32> to vector<4000x5xf32>
      %concatenate3A = tpu.concatenate %max3A_35, %slice3A in 1 : vector<4000x5xf32>, vector<4000x5xf32> -> vector<4000x10xf32>
      %get3A_39 = arith.constant 0 : index
      %get3A_40 = arith.constant 0 : index
      %get3A_41 = vector.load %arg8[%get3A_39, %get3A_40] : memref<10x64xf32, #tpu.memory_space<vmem>>, vector<10x64xf32>
      %dot_general3A_42 = arith.constant dense<0.000000e+00> : vector<4000x64xf32>
      %dot_general3A_43 = tpu.matmul %concatenate3A, %get3A_41, %dot_general3A_42 {dimension_numbers = #tpu.dot_dimension_numbers<[1], [0], [0], [1], [0, 0, 1, 1], [], []>, transpose_lhs_hint = false} : vector<4000x10xf32>, vector<10x64xf32>, vector<4000x64xf32> -> vector<4000x64xf32>
      %get3A_44 = arith.constant 0 : index
      %get3A_45 = arith.constant 0 : index
      %get3A_46 = vector.load %arg9[%get3A_44, %get3A_45] : memref<1x64xf32, #tpu.memory_space<vmem>>, vector<1x64xf32>
      %add3A_47 = vector.broadcast %get3A_46 : vector<1x64xf32> to vector<4000x64xf32>
      %add3A_48 = arith.addf %dot_general3A_43, %add3A_47 : vector<4000x64xf32>
      %max3A_49 = arith.constant 0.000000e+00 : f32
      %max3A_50 = vector.broadcast %max3A_49 : f32 to vector<4000x64xf32>
      %max3A_51 = arith.maximumf %add3A_48, %max3A_50 : vector<4000x64xf32>
      %get3A_52 = arith.constant 0 : index
      %get3A_53 = arith.constant 0 : index
      %get3A_54 = vector.load %arg10[%get3A_52, %get3A_53] : memref<64x25xf32, #tpu.memory_space<vmem>>, vector<64x25xf32>
      %dot_general3A_55 = arith.constant dense<0.000000e+00> : vector<4000x25xf32>
      %dot_general3A_56 = tpu.matmul %max3A_51, %get3A_54, %dot_general3A_55 {dimension_numbers = #tpu.dot_dimension_numbers<[1], [0], [0], [1], [0, 0, 1, 1], [], []>, transpose_lhs_hint = false} : vector<4000x64xf32>, vector<64x25xf32>, vector<4000x25xf32> -> vector<4000x25xf32>
      %get3A_57 = arith.constant 0 : index
      %get3A_58 = arith.constant 0 : index
      %get3A_59 = vector.load %arg11[%get3A_57, %get3A_58] : memref<1x25xf32, #tpu.memory_space<vmem>>, vector<1x25xf32>
      %add3A_60 = vector.broadcast %get3A_59 : vector<1x25xf32> to vector<4000x25xf32>
      %add3A_61 = arith.addf %dot_general3A_56, %add3A_60 : vector<4000x25xf32>
      %broadcast_in_dim3A = arith.constant 0.000000e+00 : f32
      %broadcast_in_dim3A_62 = vector.broadcast %broadcast_in_dim3A : f32 to vector<4000x98xf32>
      %concatenate3A_63 = tpu.concatenate %add3A_61, %max3A_35, %broadcast_in_dim3A_62 in 1 : vector<4000x25xf32>, vector<4000x5xf32>, vector<4000x98xf32> -> vector<4000x128xf32>
      %get3A_64 = arith.constant 0 : index
      %get3A_65 = arith.constant 0 : index
      %get3A_66 = vector.load %arg3[%get3A_64, %get3A_65] : memref<4000x1xi32, #tpu.memory_space<vmem>>, vector<4000x1xi32>
      %get3A_67 = arith.constant 0 : index
      %get3A_68 = arith.constant 0 : index
      %get3A_69 = vector.load %arg13[%get3A_67, %get3A_68] : memref<8x128xf32, #tpu.memory_space<vmem>>, vector<1x128xf32>
      %get3A_70 = arith.constant 0 : index
      %get3A_71 = memref.load %arg14[%get3A_70] : memref<1xi32, #tpu.memory_space<smem>>
      %eq3A_72 = vector.broadcast %get3A_71 : i32 to vector<4000x1xi32>
      %eq3A_73 = arith.cmpi eq, %get3A_66, %eq3A_72 : vector<4000x1xi32>
      %max3A_74 = vector.broadcast %get3A_69 : vector<1x128xf32> to vector<4000x128xf32>
      %max3A_75 = arith.maximumf %concatenate3A_63, %max3A_74 : vector<4000x128xf32>
      %broadcast_in_dim3A_76 = vector.shape_cast %eq3A_73 : vector<4000x1xi1> to vector<4000x1xi1>
      %broadcast_in_dim3A_77 = vector.broadcast %broadcast_in_dim3A_76 : vector<4000x1xi1> to vector<4000x128xi1>
      %select_n3A = arith.select %broadcast_in_dim3A_77, %max3A_75, %concatenate3A_63 : vector<4000x128xi1>, vector<4000x128xf32>
      %broadcast_in_dim3A_78 = arith.constant 0xFF800000 : f32
      %broadcast_in_dim3A_79 = vector.broadcast %broadcast_in_dim3A_78 : f32 to vector<1x128xf32>
      %broadcast_in_dim3A_80 = arith.constant -1 : i32
      %broadcast_in_dim3A_81 = vector.broadcast %broadcast_in_dim3A_80 : i32 to vector<1x1xi32>
      %slice3A_82 = vector.extract_strided_slice %select_n3A {offsets = [0, 0], sizes = [3999, 128], strides = [1, 1]} : vector<4000x128xf32> to vector<3999x128xf32>
      %concatenate3A_83 = tpu.concatenate %broadcast_in_dim3A_79, %slice3A_82 in 0 : vector<1x128xf32>, vector<3999x128xf32> -> vector<4000x128xf32>
      %slice3A_84 = vector.extract_strided_slice %get3A_66 {offsets = [0, 0], sizes = [3999, 1], strides = [1, 1]} : vector<4000x1xi32> to vector<3999x1xi32>
      %concatenate3A_85 = tpu.concatenate %broadcast_in_dim3A_81, %slice3A_84 in 0 : vector<1x1xi32>, vector<3999x1xi32> -> vector<4000x1xi32>
      %eq3A_86 = arith.cmpi eq, %get3A_66, %concatenate3A_85 : vector<4000x1xi32>
      %max3A_87 = arith.maximumf %select_n3A, %concatenate3A_83 : vector<4000x128xf32>
      %broadcast_in_dim3A_88 = vector.shape_cast %eq3A_86 : vector<4000x1xi1> to vector<4000x1xi1>
      %broadcast_in_dim3A_89 = vector.broadcast %broadcast_in_dim3A_88 : vector<4000x1xi1> to vector<4000x128xi1>
      %select_n3A_90 = arith.select %broadcast_in_dim3A_89, %max3A_87, %select_n3A : vector<4000x128xi1>, vector<4000x128xf32>
      %broadcast_in_dim3A_91 = arith.constant 0xFF800000 : f32
      %broadcast_in_dim3A_92 = vector.broadcast %broadcast_in_dim3A_91 : f32 to vector<2x128xf32>
      %broadcast_in_dim3A_93 = arith.constant -1 : i32
      %broadcast_in_dim3A_94 = vector.broadcast %broadcast_in_dim3A_93 : i32 to vector<2x1xi32>
      %slice3A_95 = vector.extract_strided_slice %select_n3A_90 {offsets = [0, 0], sizes = [3998, 128], strides = [1, 1]} : vector<4000x128xf32> to vector<3998x128xf32>
      %concatenate3A_96 = tpu.concatenate %broadcast_in_dim3A_92, %slice3A_95 in 0 : vector<2x128xf32>, vector<3998x128xf32> -> vector<4000x128xf32>
      %slice3A_97 = vector.extract_strided_slice %get3A_66 {offsets = [0, 0], sizes = [3998, 1], strides = [1, 1]} : vector<4000x1xi32> to vector<3998x1xi32>
      %concatenate3A_98 = tpu.concatenate %broadcast_in_dim3A_94, %slice3A_97 in 0 : vector<2x1xi32>, vector<3998x1xi32> -> vector<4000x1xi32>
      %eq3A_99 = arith.cmpi eq, %get3A_66, %concatenate3A_98 : vector<4000x1xi32>
      %max3A_100 = arith.maximumf %select_n3A_90, %concatenate3A_96 : vector<4000x128xf32>
      %broadcast_in_dim3A_101 = vector.shape_cast %eq3A_99 : vector<4000x1xi1> to vector<4000x1xi1>
      %broadcast_in_dim3A_102 = vector.broadcast %broadcast_in_dim3A_101 : vector<4000x1xi1> to vector<4000x128xi1>
      %select_n3A_103 = arith.select %broadcast_in_dim3A_102, %max3A_100, %select_n3A_90 : vector<4000x128xi1>, vector<4000x128xf32>
      %broadcast_in_dim3A_104 = arith.constant 0xFF800000 : f32
      %broadcast_in_dim3A_105 = vector.broadcast %broadcast_in_dim3A_104 : f32 to vector<4x128xf32>
      %broadcast_in_dim3A_106 = arith.constant -1 : i32
      %broadcast_in_dim3A_107 = vector.broadcast %broadcast_in_dim3A_106 : i32 to vector<4x1xi32>
      %slice3A_108 = vector.extract_strided_slice %select_n3A_103 {offsets = [0, 0], sizes = [3996, 128], strides = [1, 1]} : vector<4000x128xf32> to vector<3996x128xf32>
      %concatenate3A_109 = tpu.concatenate %broadcast_in_dim3A_105, %slice3A_108 in 0 : vector<4x128xf32>, vector<3996x128xf32> -> vector<4000x128xf32>
      %slice3A_110 = vector.extract_strided_slice %get3A_66 {offsets = [0, 0], sizes = [3996, 1], strides = [1, 1]} : vector<4000x1xi32> to vector<3996x1xi32>
      %concatenate3A_111 = tpu.concatenate %broadcast_in_dim3A_107, %slice3A_110 in 0 : vector<4x1xi32>, vector<3996x1xi32> -> vector<4000x1xi32>
      %eq3A_112 = arith.cmpi eq, %get3A_66, %concatenate3A_111 : vector<4000x1xi32>
      %max3A_113 = arith.maximumf %select_n3A_103, %concatenate3A_109 : vector<4000x128xf32>
      %broadcast_in_dim3A_114 = vector.shape_cast %eq3A_112 : vector<4000x1xi1> to vector<4000x1xi1>
      %broadcast_in_dim3A_115 = vector.broadcast %broadcast_in_dim3A_114 : vector<4000x1xi1> to vector<4000x128xi1>
      %select_n3A_116 = arith.select %broadcast_in_dim3A_115, %max3A_113, %select_n3A_103 : vector<4000x128xi1>, vector<4000x128xf32>
      %broadcast_in_dim3A_117 = arith.constant 0xFF800000 : f32
      %broadcast_in_dim3A_118 = vector.broadcast %broadcast_in_dim3A_117 : f32 to vector<8x128xf32>
      %broadcast_in_dim3A_119 = arith.constant -1 : i32
      %broadcast_in_dim3A_120 = vector.broadcast %broadcast_in_dim3A_119 : i32 to vector<8x1xi32>
      %slice3A_121 = vector.extract_strided_slice %select_n3A_116 {offsets = [0, 0], sizes = [3992, 128], strides = [1, 1]} : vector<4000x128xf32> to vector<3992x128xf32>
      %concatenate3A_122 = tpu.concatenate %broadcast_in_dim3A_118, %slice3A_121 in 0 : vector<8x128xf32>, vector<3992x128xf32> -> vector<4000x128xf32>
      %slice3A_123 = vector.extract_strided_slice %get3A_66 {offsets = [0, 0], sizes = [3992, 1], strides = [1, 1]} : vector<4000x1xi32> to vector<3992x1xi32>
      %concatenate3A_124 = tpu.concatenate %broadcast_in_dim3A_120, %slice3A_123 in 0 : vector<8x1xi32>, vector<3992x1xi32> -> vector<4000x1xi32>
      %eq3A_125 = arith.cmpi eq, %get3A_66, %concatenate3A_124 : vector<4000x1xi32>
      %max3A_126 = arith.maximumf %select_n3A_116, %concatenate3A_122 : vector<4000x128xf32>
      %broadcast_in_dim3A_127 = vector.shape_cast %eq3A_125 : vector<4000x1xi1> to vector<4000x1xi1>
      %broadcast_in_dim3A_128 = vector.broadcast %broadcast_in_dim3A_127 : vector<4000x1xi1> to vector<4000x128xi1>
      %select_n3A_129 = arith.select %broadcast_in_dim3A_128, %max3A_126, %select_n3A_116 : vector<4000x128xi1>, vector<4000x128xf32>
      %broadcast_in_dim3A_130 = arith.constant 0xFF800000 : f32
      %broadcast_in_dim3A_131 = vector.broadcast %broadcast_in_dim3A_130 : f32 to vector<16x128xf32>
      %broadcast_in_dim3A_132 = arith.constant -1 : i32
      %broadcast_in_dim3A_133 = vector.broadcast %broadcast_in_dim3A_132 : i32 to vector<16x1xi32>
      %slice3A_134 = vector.extract_strided_slice %select_n3A_129 {offsets = [0, 0], sizes = [3984, 128], strides = [1, 1]} : vector<4000x128xf32> to vector<3984x128xf32>
      %concatenate3A_135 = tpu.concatenate %broadcast_in_dim3A_131, %slice3A_134 in 0 : vector<16x128xf32>, vector<3984x128xf32> -> vector<4000x128xf32>
      %slice3A_136 = vector.extract_strided_slice %get3A_66 {offsets = [0, 0], sizes = [3984, 1], strides = [1, 1]} : vector<4000x1xi32> to vector<3984x1xi32>
      %concatenate3A_137 = tpu.concatenate %broadcast_in_dim3A_133, %slice3A_136 in 0 : vector<16x1xi32>, vector<3984x1xi32> -> vector<4000x1xi32>
      %eq3A_138 = arith.cmpi eq, %get3A_66, %concatenate3A_137 : vector<4000x1xi32>
      %max3A_139 = arith.maximumf %select_n3A_129, %concatenate3A_135 : vector<4000x128xf32>
      %broadcast_in_dim3A_140 = vector.shape_cast %eq3A_138 : vector<4000x1xi1> to vector<4000x1xi1>
      %broadcast_in_dim3A_141 = vector.broadcast %broadcast_in_dim3A_140 : vector<4000x1xi1> to vector<4000x128xi1>
      %select_n3A_142 = arith.select %broadcast_in_dim3A_141, %max3A_139, %select_n3A_129 : vector<4000x128xi1>, vector<4000x128xf32>
      %broadcast_in_dim3A_143 = arith.constant 0xFF800000 : f32
      %broadcast_in_dim3A_144 = vector.broadcast %broadcast_in_dim3A_143 : f32 to vector<32x128xf32>
      %broadcast_in_dim3A_145 = arith.constant -1 : i32
      %broadcast_in_dim3A_146 = vector.broadcast %broadcast_in_dim3A_145 : i32 to vector<32x1xi32>
      %slice3A_147 = vector.extract_strided_slice %select_n3A_142 {offsets = [0, 0], sizes = [3968, 128], strides = [1, 1]} : vector<4000x128xf32> to vector<3968x128xf32>
      %concatenate3A_148 = tpu.concatenate %broadcast_in_dim3A_144, %slice3A_147 in 0 : vector<32x128xf32>, vector<3968x128xf32> -> vector<4000x128xf32>
      %slice3A_149 = vector.extract_strided_slice %get3A_66 {offsets = [0, 0], sizes = [3968, 1], strides = [1, 1]} : vector<4000x1xi32> to vector<3968x1xi32>
      %concatenate3A_150 = tpu.concatenate %broadcast_in_dim3A_146, %slice3A_149 in 0 : vector<32x1xi32>, vector<3968x1xi32> -> vector<4000x1xi32>
      %eq3A_151 = arith.cmpi eq, %get3A_66, %concatenate3A_150 : vector<4000x1xi32>
      %max3A_152 = arith.maximumf %select_n3A_142, %concatenate3A_148 : vector<4000x128xf32>
      %broadcast_in_dim3A_153 = vector.shape_cast %eq3A_151 : vector<4000x1xi1> to vector<4000x1xi1>
      %broadcast_in_dim3A_154 = vector.broadcast %broadcast_in_dim3A_153 : vector<4000x1xi1> to vector<4000x128xi1>
      %select_n3A_155 = arith.select %broadcast_in_dim3A_154, %max3A_152, %select_n3A_142 : vector<4000x128xi1>, vector<4000x128xf32>
      %broadcast_in_dim3A_156 = arith.constant 0xFF800000 : f32
      %broadcast_in_dim3A_157 = vector.broadcast %broadcast_in_dim3A_156 : f32 to vector<64x128xf32>
      %broadcast_in_dim3A_158 = arith.constant -1 : i32
      %broadcast_in_dim3A_159 = vector.broadcast %broadcast_in_dim3A_158 : i32 to vector<64x1xi32>
      %slice3A_160 = vector.extract_strided_slice %select_n3A_155 {offsets = [0, 0], sizes = [3936, 128], strides = [1, 1]} : vector<4000x128xf32> to vector<3936x128xf32>
      %concatenate3A_161 = tpu.concatenate %broadcast_in_dim3A_157, %slice3A_160 in 0 : vector<64x128xf32>, vector<3936x128xf32> -> vector<4000x128xf32>
      %slice3A_162 = vector.extract_strided_slice %get3A_66 {offsets = [0, 0], sizes = [3936, 1], strides = [1, 1]} : vector<4000x1xi32> to vector<3936x1xi32>
      %concatenate3A_163 = tpu.concatenate %broadcast_in_dim3A_159, %slice3A_162 in 0 : vector<64x1xi32>, vector<3936x1xi32> -> vector<4000x1xi32>
      %eq3A_164 = arith.cmpi eq, %get3A_66, %concatenate3A_163 : vector<4000x1xi32>
      %max3A_165 = arith.maximumf %select_n3A_155, %concatenate3A_161 : vector<4000x128xf32>
      %broadcast_in_dim3A_166 = vector.shape_cast %eq3A_164 : vector<4000x1xi1> to vector<4000x1xi1>
      %broadcast_in_dim3A_167 = vector.broadcast %broadcast_in_dim3A_166 : vector<4000x1xi1> to vector<4000x128xi1>
      %select_n3A_168 = arith.select %broadcast_in_dim3A_167, %max3A_165, %select_n3A_155 : vector<4000x128xi1>, vector<4000x128xf32>
      %broadcast_in_dim3A_169 = arith.constant 0xFF800000 : f32
      %broadcast_in_dim3A_170 = vector.broadcast %broadcast_in_dim3A_169 : f32 to vector<128x128xf32>
      %broadcast_in_dim3A_171 = arith.constant -1 : i32
      %broadcast_in_dim3A_172 = vector.broadcast %broadcast_in_dim3A_171 : i32 to vector<128x1xi32>
      %slice3A_173 = vector.extract_strided_slice %select_n3A_168 {offsets = [0, 0], sizes = [3872, 128], strides = [1, 1]} : vector<4000x128xf32> to vector<3872x128xf32>
      %concatenate3A_174 = tpu.concatenate %broadcast_in_dim3A_170, %slice3A_173 in 0 : vector<128x128xf32>, vector<3872x128xf32> -> vector<4000x128xf32>
      %slice3A_175 = vector.extract_strided_slice %get3A_66 {offsets = [0, 0], sizes = [3872, 1], strides = [1, 1]} : vector<4000x1xi32> to vector<3872x1xi32>
      %concatenate3A_176 = tpu.concatenate %broadcast_in_dim3A_172, %slice3A_175 in 0 : vector<128x1xi32>, vector<3872x1xi32> -> vector<4000x1xi32>
      %eq3A_177 = arith.cmpi eq, %get3A_66, %concatenate3A_176 : vector<4000x1xi32>
      %max3A_178 = arith.maximumf %select_n3A_168, %concatenate3A_174 : vector<4000x128xf32>
      %broadcast_in_dim3A_179 = vector.shape_cast %eq3A_177 : vector<4000x1xi1> to vector<4000x1xi1>
      %broadcast_in_dim3A_180 = vector.broadcast %broadcast_in_dim3A_179 : vector<4000x1xi1> to vector<4000x128xi1>
      %select_n3A_181 = arith.select %broadcast_in_dim3A_180, %max3A_178, %select_n3A_168 : vector<4000x128xi1>, vector<4000x128xf32>
      %broadcast_in_dim3A_182 = arith.constant 0xFF800000 : f32
      %broadcast_in_dim3A_183 = vector.broadcast %broadcast_in_dim3A_182 : f32 to vector<256x128xf32>
      %broadcast_in_dim3A_184 = arith.constant -1 : i32
      %broadcast_in_dim3A_185 = vector.broadcast %broadcast_in_dim3A_184 : i32 to vector<256x1xi32>
      %slice3A_186 = vector.extract_strided_slice %select_n3A_181 {offsets = [0, 0], sizes = [3744, 128], strides = [1, 1]} : vector<4000x128xf32> to vector<3744x128xf32>
      %concatenate3A_187 = tpu.concatenate %broadcast_in_dim3A_183, %slice3A_186 in 0 : vector<256x128xf32>, vector<3744x128xf32> -> vector<4000x128xf32>
      %slice3A_188 = vector.extract_strided_slice %get3A_66 {offsets = [0, 0], sizes = [3744, 1], strides = [1, 1]} : vector<4000x1xi32> to vector<3744x1xi32>
      %concatenate3A_189 = tpu.concatenate %broadcast_in_dim3A_185, %slice3A_188 in 0 : vector<256x1xi32>, vector<3744x1xi32> -> vector<4000x1xi32>
      %eq3A_190 = arith.cmpi eq, %get3A_66, %concatenate3A_189 : vector<4000x1xi32>
      %max3A_191 = arith.maximumf %select_n3A_181, %concatenate3A_187 : vector<4000x128xf32>
      %broadcast_in_dim3A_192 = vector.shape_cast %eq3A_190 : vector<4000x1xi1> to vector<4000x1xi1>
      %broadcast_in_dim3A_193 = vector.broadcast %broadcast_in_dim3A_192 : vector<4000x1xi1> to vector<4000x128xi1>
      %select_n3A_194 = arith.select %broadcast_in_dim3A_193, %max3A_191, %select_n3A_181 : vector<4000x128xi1>, vector<4000x128xf32>
      %broadcast_in_dim3A_195 = arith.constant 0xFF800000 : f32
      %broadcast_in_dim3A_196 = vector.broadcast %broadcast_in_dim3A_195 : f32 to vector<512x128xf32>
      %broadcast_in_dim3A_197 = arith.constant -1 : i32
      %broadcast_in_dim3A_198 = vector.broadcast %broadcast_in_dim3A_197 : i32 to vector<512x1xi32>
      %slice3A_199 = vector.extract_strided_slice %select_n3A_194 {offsets = [0, 0], sizes = [3488, 128], strides = [1, 1]} : vector<4000x128xf32> to vector<3488x128xf32>
      %concatenate3A_200 = tpu.concatenate %broadcast_in_dim3A_196, %slice3A_199 in 0 : vector<512x128xf32>, vector<3488x128xf32> -> vector<4000x128xf32>
      %slice3A_201 = vector.extract_strided_slice %get3A_66 {offsets = [0, 0], sizes = [3488, 1], strides = [1, 1]} : vector<4000x1xi32> to vector<3488x1xi32>
      %concatenate3A_202 = tpu.concatenate %broadcast_in_dim3A_198, %slice3A_201 in 0 : vector<512x1xi32>, vector<3488x1xi32> -> vector<4000x1xi32>
      %eq3A_203 = arith.cmpi eq, %get3A_66, %concatenate3A_202 : vector<4000x1xi32>
      %max3A_204 = arith.maximumf %select_n3A_194, %concatenate3A_200 : vector<4000x128xf32>
      %broadcast_in_dim3A_205 = vector.shape_cast %eq3A_203 : vector<4000x1xi1> to vector<4000x1xi1>
      %broadcast_in_dim3A_206 = vector.broadcast %broadcast_in_dim3A_205 : vector<4000x1xi1> to vector<4000x128xi1>
      %select_n3A_207 = arith.select %broadcast_in_dim3A_206, %max3A_204, %select_n3A_194 : vector<4000x128xi1>, vector<4000x128xf32>
      %broadcast_in_dim3A_208 = arith.constant 0xFF800000 : f32
      %broadcast_in_dim3A_209 = vector.broadcast %broadcast_in_dim3A_208 : f32 to vector<1024x128xf32>
      %broadcast_in_dim3A_210 = arith.constant -1 : i32
      %broadcast_in_dim3A_211 = vector.broadcast %broadcast_in_dim3A_210 : i32 to vector<1024x1xi32>
      %slice3A_212 = vector.extract_strided_slice %select_n3A_207 {offsets = [0, 0], sizes = [2976, 128], strides = [1, 1]} : vector<4000x128xf32> to vector<2976x128xf32>
      %concatenate3A_213 = tpu.concatenate %broadcast_in_dim3A_209, %slice3A_212 in 0 : vector<1024x128xf32>, vector<2976x128xf32> -> vector<4000x128xf32>
      %slice3A_214 = vector.extract_strided_slice %get3A_66 {offsets = [0, 0], sizes = [2976, 1], strides = [1, 1]} : vector<4000x1xi32> to vector<2976x1xi32>
      %concatenate3A_215 = tpu.concatenate %broadcast_in_dim3A_211, %slice3A_214 in 0 : vector<1024x1xi32>, vector<2976x1xi32> -> vector<4000x1xi32>
      %eq3A_216 = arith.cmpi eq, %get3A_66, %concatenate3A_215 : vector<4000x1xi32>
      %max3A_217 = arith.maximumf %select_n3A_207, %concatenate3A_213 : vector<4000x128xf32>
      %broadcast_in_dim3A_218 = vector.shape_cast %eq3A_216 : vector<4000x1xi1> to vector<4000x1xi1>
      %broadcast_in_dim3A_219 = vector.broadcast %broadcast_in_dim3A_218 : vector<4000x1xi1> to vector<4000x128xi1>
      %select_n3A_220 = arith.select %broadcast_in_dim3A_219, %max3A_217, %select_n3A_207 : vector<4000x128xi1>, vector<4000x128xf32>
      %broadcast_in_dim3A_221 = arith.constant 0xFF800000 : f32
      %broadcast_in_dim3A_222 = vector.broadcast %broadcast_in_dim3A_221 : f32 to vector<2048x128xf32>
      %broadcast_in_dim3A_223 = arith.constant -1 : i32
      %broadcast_in_dim3A_224 = vector.broadcast %broadcast_in_dim3A_223 : i32 to vector<2048x1xi32>
      %slice3A_225 = vector.extract_strided_slice %select_n3A_220 {offsets = [0, 0], sizes = [1952, 128], strides = [1, 1]} : vector<4000x128xf32> to vector<1952x128xf32>
      %concatenate3A_226 = tpu.concatenate %broadcast_in_dim3A_222, %slice3A_225 in 0 : vector<2048x128xf32>, vector<1952x128xf32> -> vector<4000x128xf32>
      %slice3A_227 = vector.extract_strided_slice %get3A_66 {offsets = [0, 0], sizes = [1952, 1], strides = [1, 1]} : vector<4000x1xi32> to vector<1952x1xi32>
      %concatenate3A_228 = tpu.concatenate %broadcast_in_dim3A_224, %slice3A_227 in 0 : vector<2048x1xi32>, vector<1952x1xi32> -> vector<4000x1xi32>
      %eq3A_229 = arith.cmpi eq, %get3A_66, %concatenate3A_228 : vector<4000x1xi32>
      %max3A_230 = arith.maximumf %select_n3A_220, %concatenate3A_226 : vector<4000x128xf32>
      %broadcast_in_dim3A_231 = vector.shape_cast %eq3A_229 : vector<4000x1xi1> to vector<4000x1xi1>
      %broadcast_in_dim3A_232 = vector.broadcast %broadcast_in_dim3A_231 : vector<4000x1xi1> to vector<4000x128xi1>
      %select_n3A_233 = arith.select %broadcast_in_dim3A_232, %max3A_230, %select_n3A_220 : vector<4000x128xi1>, vector<4000x128xf32>
      %slice3A_234 = vector.extract_strided_slice %get3A_66 {offsets = [3999, 0], sizes = [1, 1], strides = [1, 1]} : vector<4000x1xi32> to vector<1x1xi32>
      %squeeze3A = vector.extract %slice3A_234[0, 0] : i32 from vector<1x1xi32>
      %swap3A = arith.constant 0 : index
      %swap3A_235 = memref.load %arg14[%swap3A] : memref<1xi32, #tpu.memory_space<smem>>
      memref.store %squeeze3A, %arg14[%swap3A] : memref<1xi32, #tpu.memory_space<smem>>
      %slice3A_236 = vector.extract_strided_slice %select_n3A_233 {offsets = [3999, 0], sizes = [1, 128], strides = [1, 1]} : vector<4000x128xf32> to vector<1x128xf32>
      %swap3A_237 = arith.constant 0 : index
      %swap3A_238 = arith.constant 0 : index
      %swap3A_239 = vector.load %arg13[%swap3A_237, %swap3A_238] : memref<8x128xf32, #tpu.memory_space<vmem>>, vector<1x128xf32>
      tpu.vector_store %arg13[%swap3A_237, %swap3A_238], %slice3A_236 {strides = array<i32>} : memref<8x128xf32, #tpu.memory_space<vmem>>, vector<1x128xf32>,
      %swap3A_240 = arith.constant 0 : index
      %swap3A_241 = arith.constant 0 : index
      %swap3A_242 = vector.load %arg12[%swap3A_240, %swap3A_241] : memref<4000x128xf32, #tpu.memory_space<vmem>>, vector<4000x128xf32>
      tpu.vector_store %arg12[%swap3A_240, %swap3A_241], %select_n3A_233 {strides = array<i32>} : memref<4000x128xf32, #tpu.memory_space<vmem>>, vector<4000x128xf32>,
    } else {
    }
    return
  }
  func.func @transform_0(%arg0: i32) -> (i32, i32) {
    %min3A = arith.constant 399 : i32
    %min3A_0 = arith.minsi %arg0, %min3A : i32
    %c0_i32 = arith.constant 0 : i32
    %c0_i32_1 = arith.constant 0 : i32
    return %min3A_0, %c0_i32 : i32, i32
  }
  func.func @transform_1(%arg0: i32) -> (i32, i32) {
    %min3A = arith.constant 399 : i32
    %min3A_0 = arith.minsi %arg0, %min3A : i32
    %c0_i32 = arith.constant 0 : i32
    %c0_i32_1 = arith.constant 0 : i32
    return %min3A_0, %c0_i32 : i32, i32
  }
  func.func @transform_2(%arg0: i32) -> (i32, i32) {
    %min3A = arith.constant 399 : i32
    %min3A_0 = arith.minsi %arg0, %min3A : i32
    %c0_i32 = arith.constant 0 : i32
    %c0_i32_1 = arith.constant 0 : i32
    return %min3A_0, %c0_i32 : i32, i32
  }
  func.func @transform_3(%arg0: i32) -> (i32, i32) {
    %c0_i32 = arith.constant 0 : i32
    %c0_i32_0 = arith.constant 0 : i32
    %c0_i32_1 = arith.constant 0 : i32
    return %c0_i32, %c0_i32_0 : i32, i32
  }
  func.func @transform_4(%arg0: i32) -> (i32, i32) {
    %c0_i32 = arith.constant 0 : i32
    %c0_i32_0 = arith.constant 0 : i32
    %c0_i32_1 = arith.constant 0 : i32
    return %c0_i32, %c0_i32_0 : i32, i32
  }
  func.func @transform_5(%arg0: i32) -> (i32, i32) {
    %c0_i32 = arith.constant 0 : i32
    %c0_i32_0 = arith.constant 0 : i32
    %c0_i32_1 = arith.constant 0 : i32
    return %c0_i32, %c0_i32_0 : i32, i32
  }
  func.func @transform_6(%arg0: i32) -> (i32, i32) {
    %c0_i32 = arith.constant 0 : i32
    %c0_i32_0 = arith.constant 0 : i32
    %c0_i32_1 = arith.constant 0 : i32
    return %c0_i32, %c0_i32_0 : i32, i32
  }
  func.func @transform_7(%arg0: i32) -> (i32, i32) {
    %c0_i32 = arith.constant 0 : i32
    %c0_i32_0 = arith.constant 0 : i32
    %c0_i32_1 = arith.constant 0 : i32
    return %c0_i32, %c0_i32_0 : i32, i32
  }
  func.func @transform_8(%arg0: i32) -> (i32, i32) {
    %c0_i32 = arith.constant 0 : i32
    %c0_i32_0 = arith.constant 0 : i32
    %c0_i32_1 = arith.constant 0 : i32
    return %c0_i32, %c0_i32_0 : i32, i32
  }
  func.func @transform_9(%arg0: i32) -> (i32, i32) {
    %c0_i32 = arith.constant 0 : i32
    %c0_i32_0 = arith.constant 0 : i32
    %c0_i32_1 = arith.constant 0 : i32
    return %c0_i32, %c0_i32_0 : i32, i32
  }
  func.func @transform_10(%arg0: i32) -> (i32, i32) {
    %c0_i32 = arith.constant 0 : i32
    %c0_i32_0 = arith.constant 0 : i32
    %c0_i32_1 = arith.constant 0 : i32
    return %c0_i32, %c0_i32_0 : i32, i32
  }
  func.func @transform_11(%arg0: i32) -> (i32, i32) {
    %c0_i32 = arith.constant 0 : i32
    %c0_i32_0 = arith.constant 0 : i32
    return %arg0, %c0_i32 : i32, i32
  }
}

module attributes {stable_mosaic.version = 14 : i64} {
  func.func @stage3(%arg0: i32, %arg1: memref<5000x3xf32, #tpu.memory_space<vmem>>, %arg2: memref<5000x128xf32, #tpu.memory_space<vmem>>, %arg3: memref<5000x1xi32, #tpu.memory_space<vmem>>, %arg4: memref<3x32xf32, #tpu.memory_space<vmem>>, %arg5: memref<1x32xf32, #tpu.memory_space<vmem>>, %arg6: memref<32x5xf32, #tpu.memory_space<vmem>>, %arg7: memref<1x5xf32, #tpu.memory_space<vmem>>, %arg8: memref<35x64xf32, #tpu.memory_space<vmem>>, %arg9: memref<1x64xf32, #tpu.memory_space<vmem>>, %arg10: memref<64x45xf32, #tpu.memory_space<vmem>>, %arg11: memref<1x45xf32, #tpu.memory_space<vmem>>, %arg12: memref<5000x128xf32, #tpu.memory_space<vmem>>, %arg13: memref<8x128xf32, #tpu.memory_space<vmem>>, %arg14: memref<1xi32, #tpu.memory_space<smem>>) attributes {dimension_semantics = [#tpu.dimension_semantics<arbitrary>], iteration_bounds = array<i64: 11>, scalar_prefetch = 0 : i64, scratch_operands = 2 : i64, tpu.core_type = #tpu.core_type<tc>, window_params = [{transform_indices = @transform_0, window_bounds = array<i64: 5000, 3>}, {transform_indices = @transform_1, window_bounds = array<i64: 5000, 128>}, {transform_indices = @transform_2, window_bounds = array<i64: 5000, 1>}, {pipeline_mode = #tpu.pipeline_mode<synchronous>, transform_indices = @transform_3, window_bounds = array<i64: 3, 32>}, {pipeline_mode = #tpu.pipeline_mode<synchronous>, transform_indices = @transform_4, window_bounds = array<i64: 1, 32>}, {pipeline_mode = #tpu.pipeline_mode<synchronous>, transform_indices = @transform_5, window_bounds = array<i64: 32, 5>}, {pipeline_mode = #tpu.pipeline_mode<synchronous>, transform_indices = @transform_6, window_bounds = array<i64: 1, 5>}, {pipeline_mode = #tpu.pipeline_mode<synchronous>, transform_indices = @transform_7, window_bounds = array<i64: 35, 64>}, {pipeline_mode = #tpu.pipeline_mode<synchronous>, transform_indices = @transform_8, window_bounds = array<i64: 1, 64>}, {pipeline_mode = #tpu.pipeline_mode<synchronous>, transform_indices = @transform_9, window_bounds = array<i64: 64, 45>}, {pipeline_mode = #tpu.pipeline_mode<synchronous>, transform_indices = @transform_10, window_bounds = array<i64: 1, 45>}, {transform_indices = @transform_11, window_bounds = array<i64: 5000, 128>}]} {
    %eq3A = arith.constant 0 : i32
    %eq3A_0 = arith.cmpi eq, %arg0, %eq3A : i32
    %convert_element_type3A = arith.extui %eq3A_0 : i1 to i32
    %cond3A = arith.constant 0 : i32
    %cond3A_1 = arith.cmpi ne, %convert_element_type3A, %cond3A : i32
    scf.if %cond3A_1 {
      %swap3A = arith.constant -1 : i32
      %swap3A_11 = arith.constant 0 : index
      %swap3A_12 = memref.load %arg14[%swap3A_11] : memref<1xi32, #tpu.memory_space<smem>>
      memref.store %swap3A, %arg14[%swap3A_11] : memref<1xi32, #tpu.memory_space<smem>>
      %broadcast_in_dim3A = arith.constant 0xFF800000 : f32
      %broadcast_in_dim3A_13 = vector.broadcast %broadcast_in_dim3A : f32 to vector<8x128xf32>
      %swap3A_14 = arith.constant 0 : index
      %swap3A_15 = arith.constant 0 : index
      %swap3A_16 = vector.load %arg13[%swap3A_14, %swap3A_15] : memref<8x128xf32, #tpu.memory_space<vmem>>, vector<8x128xf32>
      tpu.vector_store %arg13[%swap3A_14, %swap3A_15], %broadcast_in_dim3A_13 {strides = array<i32>} : memref<8x128xf32, #tpu.memory_space<vmem>>, vector<8x128xf32>,
    } else {
    }
    %eq3A_2 = arith.constant 10 : i32
    %eq3A_3 = arith.cmpi eq, %arg0, %eq3A_2 : i32
    %convert_element_type3A_4 = arith.extui %eq3A_3 : i1 to i32
    %cond3A_5 = arith.constant 0 : i32
    %cond3A_6 = arith.cmpi ne, %convert_element_type3A_4, %cond3A_5 : i32
    scf.if %cond3A_6 {
      %broadcast_in_dim3A = arith.constant 0.000000e+00 : f32
      %broadcast_in_dim3A_11 = vector.broadcast %broadcast_in_dim3A : f32 to vector<5000x128xf32>
      %swap3A = arith.constant 0 : index
      %swap3A_12 = arith.constant 0 : index
      %swap3A_13 = vector.load %arg12[%swap3A, %swap3A_12] : memref<5000x128xf32, #tpu.memory_space<vmem>>, vector<5000x128xf32>
      tpu.vector_store %arg12[%swap3A, %swap3A_12], %broadcast_in_dim3A_11 {strides = array<i32>} : memref<5000x128xf32, #tpu.memory_space<vmem>>, vector<5000x128xf32>,
    } else {
    }
    %lt3A = arith.constant 10 : i32
    %lt3A_7 = arith.cmpi slt, %arg0, %lt3A : i32
    %convert_element_type3A_8 = arith.extui %lt3A_7 : i1 to i32
    %cond3A_9 = arith.constant 0 : i32
    %cond3A_10 = arith.cmpi ne, %convert_element_type3A_8, %cond3A_9 : i32
    scf.if %cond3A_10 {
      %get3A = arith.constant 0 : index
      %get3A_11 = arith.constant 0 : index
      %get3A_12 = vector.load %arg1[%get3A, %get3A_11] : memref<5000x3xf32, #tpu.memory_space<vmem>>, vector<5000x3xf32>
      %get3A_13 = arith.constant 0 : index
      %get3A_14 = arith.constant 0 : index
      %get3A_15 = vector.load %arg4[%get3A_13, %get3A_14] : memref<3x32xf32, #tpu.memory_space<vmem>>, vector<3x32xf32>
      %dot_general3A = arith.constant dense<0.000000e+00> : vector<5000x32xf32>
      %dot_general3A_16 = tpu.matmul %get3A_12, %get3A_15, %dot_general3A {dimension_numbers = #tpu.dot_dimension_numbers<[1], [0], [0], [1], [0, 0, 1, 1], [], []>, transpose_lhs_hint = false} : vector<5000x3xf32>, vector<3x32xf32>, vector<5000x32xf32> -> vector<5000x32xf32>
      %get3A_17 = arith.constant 0 : index
      %get3A_18 = arith.constant 0 : index
      %get3A_19 = vector.load %arg5[%get3A_17, %get3A_18] : memref<1x32xf32, #tpu.memory_space<vmem>>, vector<1x32xf32>
      %add3A = vector.broadcast %get3A_19 : vector<1x32xf32> to vector<5000x32xf32>
      %add3A_20 = arith.addf %dot_general3A_16, %add3A : vector<5000x32xf32>
      %max3A = arith.constant 0.000000e+00 : f32
      %max3A_21 = vector.broadcast %max3A : f32 to vector<5000x32xf32>
      %max3A_22 = arith.maximumf %add3A_20, %max3A_21 : vector<5000x32xf32>
      %get3A_23 = arith.constant 0 : index
      %get3A_24 = arith.constant 0 : index
      %get3A_25 = vector.load %arg6[%get3A_23, %get3A_24] : memref<32x5xf32, #tpu.memory_space<vmem>>, vector<32x5xf32>
      %dot_general3A_26 = arith.constant dense<0.000000e+00> : vector<5000x5xf32>
      %dot_general3A_27 = tpu.matmul %max3A_22, %get3A_25, %dot_general3A_26 {dimension_numbers = #tpu.dot_dimension_numbers<[1], [0], [0], [1], [0, 0, 1, 1], [], []>, transpose_lhs_hint = false} : vector<5000x32xf32>, vector<32x5xf32>, vector<5000x5xf32> -> vector<5000x5xf32>
      %get3A_28 = arith.constant 0 : index
      %get3A_29 = arith.constant 0 : index
      %get3A_30 = vector.load %arg7[%get3A_28, %get3A_29] : memref<1x5xf32, #tpu.memory_space<vmem>>, vector<1x5xf32>
      %add3A_31 = vector.broadcast %get3A_30 : vector<1x5xf32> to vector<5000x5xf32>
      %add3A_32 = arith.addf %dot_general3A_27, %add3A_31 : vector<5000x5xf32>
      %max3A_33 = arith.constant 0.000000e+00 : f32
      %max3A_34 = vector.broadcast %max3A_33 : f32 to vector<5000x5xf32>
      %max3A_35 = arith.maximumf %add3A_32, %max3A_34 : vector<5000x5xf32>
      %get3A_36 = arith.constant 0 : index
      %get3A_37 = arith.constant 0 : index
      %get3A_38 = vector.load %arg2[%get3A_36, %get3A_37] : memref<5000x128xf32, #tpu.memory_space<vmem>>, vector<5000x128xf32>
      %slice3A = vector.extract_strided_slice %get3A_38 {offsets = [0, 0], sizes = [5000, 30], strides = [1, 1]} : vector<5000x128xf32> to vector<5000x30xf32>
      %concatenate3A = tpu.concatenate %max3A_35, %slice3A in 1 : vector<5000x5xf32>, vector<5000x30xf32> -> vector<5000x35xf32>
      %get3A_39 = arith.constant 0 : index
      %get3A_40 = arith.constant 0 : index
      %get3A_41 = vector.load %arg8[%get3A_39, %get3A_40] : memref<35x64xf32, #tpu.memory_space<vmem>>, vector<35x64xf32>
      %dot_general3A_42 = arith.constant dense<0.000000e+00> : vector<5000x64xf32>
      %dot_general3A_43 = tpu.matmul %concatenate3A, %get3A_41, %dot_general3A_42 {dimension_numbers = #tpu.dot_dimension_numbers<[1], [0], [0], [1], [0, 0, 1, 1], [], []>, transpose_lhs_hint = false} : vector<5000x35xf32>, vector<35x64xf32>, vector<5000x64xf32> -> vector<5000x64xf32>
      %get3A_44 = arith.constant 0 : index
      %get3A_45 = arith.constant 0 : index
      %get3A_46 = vector.load %arg9[%get3A_44, %get3A_45] : memref<1x64xf32, #tpu.memory_space<vmem>>, vector<1x64xf32>
      %add3A_47 = vector.broadcast %get3A_46 : vector<1x64xf32> to vector<5000x64xf32>
      %add3A_48 = arith.addf %dot_general3A_43, %add3A_47 : vector<5000x64xf32>
      %max3A_49 = arith.constant 0.000000e+00 : f32
      %max3A_50 = vector.broadcast %max3A_49 : f32 to vector<5000x64xf32>
      %max3A_51 = arith.maximumf %add3A_48, %max3A_50 : vector<5000x64xf32>
      %get3A_52 = arith.constant 0 : index
      %get3A_53 = arith.constant 0 : index
      %get3A_54 = vector.load %arg10[%get3A_52, %get3A_53] : memref<64x45xf32, #tpu.memory_space<vmem>>, vector<64x45xf32>
      %dot_general3A_55 = arith.constant dense<0.000000e+00> : vector<5000x45xf32>
      %dot_general3A_56 = tpu.matmul %max3A_51, %get3A_54, %dot_general3A_55 {dimension_numbers = #tpu.dot_dimension_numbers<[1], [0], [0], [1], [0, 0, 1, 1], [], []>, transpose_lhs_hint = false} : vector<5000x64xf32>, vector<64x45xf32>, vector<5000x45xf32> -> vector<5000x45xf32>
      %get3A_57 = arith.constant 0 : index
      %get3A_58 = arith.constant 0 : index
      %get3A_59 = vector.load %arg11[%get3A_57, %get3A_58] : memref<1x45xf32, #tpu.memory_space<vmem>>, vector<1x45xf32>
      %add3A_60 = vector.broadcast %get3A_59 : vector<1x45xf32> to vector<5000x45xf32>
      %add3A_61 = arith.addf %dot_general3A_56, %add3A_60 : vector<5000x45xf32>
      %broadcast_in_dim3A = arith.constant 0.000000e+00 : f32
      %broadcast_in_dim3A_62 = vector.broadcast %broadcast_in_dim3A : f32 to vector<5000x78xf32>
      %concatenate3A_63 = tpu.concatenate %add3A_61, %max3A_35, %broadcast_in_dim3A_62 in 1 : vector<5000x45xf32>, vector<5000x5xf32>, vector<5000x78xf32> -> vector<5000x128xf32>
      %get3A_64 = arith.constant 0 : index
      %get3A_65 = arith.constant 0 : index
      %get3A_66 = vector.load %arg3[%get3A_64, %get3A_65] : memref<5000x1xi32, #tpu.memory_space<vmem>>, vector<5000x1xi32>
      %get3A_67 = arith.constant 0 : index
      %get3A_68 = arith.constant 0 : index
      %get3A_69 = vector.load %arg13[%get3A_67, %get3A_68] : memref<8x128xf32, #tpu.memory_space<vmem>>, vector<1x128xf32>
      %get3A_70 = arith.constant 0 : index
      %get3A_71 = memref.load %arg14[%get3A_70] : memref<1xi32, #tpu.memory_space<smem>>
      %eq3A_72 = vector.broadcast %get3A_71 : i32 to vector<5000x1xi32>
      %eq3A_73 = arith.cmpi eq, %get3A_66, %eq3A_72 : vector<5000x1xi32>
      %max3A_74 = vector.broadcast %get3A_69 : vector<1x128xf32> to vector<5000x128xf32>
      %max3A_75 = arith.maximumf %concatenate3A_63, %max3A_74 : vector<5000x128xf32>
      %broadcast_in_dim3A_76 = vector.shape_cast %eq3A_73 : vector<5000x1xi1> to vector<5000x1xi1>
      %broadcast_in_dim3A_77 = vector.broadcast %broadcast_in_dim3A_76 : vector<5000x1xi1> to vector<5000x128xi1>
      %select_n3A = arith.select %broadcast_in_dim3A_77, %max3A_75, %concatenate3A_63 : vector<5000x128xi1>, vector<5000x128xf32>
      %broadcast_in_dim3A_78 = arith.constant 0xFF800000 : f32
      %broadcast_in_dim3A_79 = vector.broadcast %broadcast_in_dim3A_78 : f32 to vector<1x128xf32>
      %broadcast_in_dim3A_80 = arith.constant -1 : i32
      %broadcast_in_dim3A_81 = vector.broadcast %broadcast_in_dim3A_80 : i32 to vector<1x1xi32>
      %slice3A_82 = vector.extract_strided_slice %select_n3A {offsets = [0, 0], sizes = [4999, 128], strides = [1, 1]} : vector<5000x128xf32> to vector<4999x128xf32>
      %concatenate3A_83 = tpu.concatenate %broadcast_in_dim3A_79, %slice3A_82 in 0 : vector<1x128xf32>, vector<4999x128xf32> -> vector<5000x128xf32>
      %slice3A_84 = vector.extract_strided_slice %get3A_66 {offsets = [0, 0], sizes = [4999, 1], strides = [1, 1]} : vector<5000x1xi32> to vector<4999x1xi32>
      %concatenate3A_85 = tpu.concatenate %broadcast_in_dim3A_81, %slice3A_84 in 0 : vector<1x1xi32>, vector<4999x1xi32> -> vector<5000x1xi32>
      %eq3A_86 = arith.cmpi eq, %get3A_66, %concatenate3A_85 : vector<5000x1xi32>
      %max3A_87 = arith.maximumf %select_n3A, %concatenate3A_83 : vector<5000x128xf32>
      %broadcast_in_dim3A_88 = vector.shape_cast %eq3A_86 : vector<5000x1xi1> to vector<5000x1xi1>
      %broadcast_in_dim3A_89 = vector.broadcast %broadcast_in_dim3A_88 : vector<5000x1xi1> to vector<5000x128xi1>
      %select_n3A_90 = arith.select %broadcast_in_dim3A_89, %max3A_87, %select_n3A : vector<5000x128xi1>, vector<5000x128xf32>
      %broadcast_in_dim3A_91 = arith.constant 0xFF800000 : f32
      %broadcast_in_dim3A_92 = vector.broadcast %broadcast_in_dim3A_91 : f32 to vector<2x128xf32>
      %broadcast_in_dim3A_93 = arith.constant -1 : i32
      %broadcast_in_dim3A_94 = vector.broadcast %broadcast_in_dim3A_93 : i32 to vector<2x1xi32>
      %slice3A_95 = vector.extract_strided_slice %select_n3A_90 {offsets = [0, 0], sizes = [4998, 128], strides = [1, 1]} : vector<5000x128xf32> to vector<4998x128xf32>
      %concatenate3A_96 = tpu.concatenate %broadcast_in_dim3A_92, %slice3A_95 in 0 : vector<2x128xf32>, vector<4998x128xf32> -> vector<5000x128xf32>
      %slice3A_97 = vector.extract_strided_slice %get3A_66 {offsets = [0, 0], sizes = [4998, 1], strides = [1, 1]} : vector<5000x1xi32> to vector<4998x1xi32>
      %concatenate3A_98 = tpu.concatenate %broadcast_in_dim3A_94, %slice3A_97 in 0 : vector<2x1xi32>, vector<4998x1xi32> -> vector<5000x1xi32>
      %eq3A_99 = arith.cmpi eq, %get3A_66, %concatenate3A_98 : vector<5000x1xi32>
      %max3A_100 = arith.maximumf %select_n3A_90, %concatenate3A_96 : vector<5000x128xf32>
      %broadcast_in_dim3A_101 = vector.shape_cast %eq3A_99 : vector<5000x1xi1> to vector<5000x1xi1>
      %broadcast_in_dim3A_102 = vector.broadcast %broadcast_in_dim3A_101 : vector<5000x1xi1> to vector<5000x128xi1>
      %select_n3A_103 = arith.select %broadcast_in_dim3A_102, %max3A_100, %select_n3A_90 : vector<5000x128xi1>, vector<5000x128xf32>
      %broadcast_in_dim3A_104 = arith.constant 0xFF800000 : f32
      %broadcast_in_dim3A_105 = vector.broadcast %broadcast_in_dim3A_104 : f32 to vector<4x128xf32>
      %broadcast_in_dim3A_106 = arith.constant -1 : i32
      %broadcast_in_dim3A_107 = vector.broadcast %broadcast_in_dim3A_106 : i32 to vector<4x1xi32>
      %slice3A_108 = vector.extract_strided_slice %select_n3A_103 {offsets = [0, 0], sizes = [4996, 128], strides = [1, 1]} : vector<5000x128xf32> to vector<4996x128xf32>
      %concatenate3A_109 = tpu.concatenate %broadcast_in_dim3A_105, %slice3A_108 in 0 : vector<4x128xf32>, vector<4996x128xf32> -> vector<5000x128xf32>
      %slice3A_110 = vector.extract_strided_slice %get3A_66 {offsets = [0, 0], sizes = [4996, 1], strides = [1, 1]} : vector<5000x1xi32> to vector<4996x1xi32>
      %concatenate3A_111 = tpu.concatenate %broadcast_in_dim3A_107, %slice3A_110 in 0 : vector<4x1xi32>, vector<4996x1xi32> -> vector<5000x1xi32>
      %eq3A_112 = arith.cmpi eq, %get3A_66, %concatenate3A_111 : vector<5000x1xi32>
      %max3A_113 = arith.maximumf %select_n3A_103, %concatenate3A_109 : vector<5000x128xf32>
      %broadcast_in_dim3A_114 = vector.shape_cast %eq3A_112 : vector<5000x1xi1> to vector<5000x1xi1>
      %broadcast_in_dim3A_115 = vector.broadcast %broadcast_in_dim3A_114 : vector<5000x1xi1> to vector<5000x128xi1>
      %select_n3A_116 = arith.select %broadcast_in_dim3A_115, %max3A_113, %select_n3A_103 : vector<5000x128xi1>, vector<5000x128xf32>
      %broadcast_in_dim3A_117 = arith.constant 0xFF800000 : f32
      %broadcast_in_dim3A_118 = vector.broadcast %broadcast_in_dim3A_117 : f32 to vector<8x128xf32>
      %broadcast_in_dim3A_119 = arith.constant -1 : i32
      %broadcast_in_dim3A_120 = vector.broadcast %broadcast_in_dim3A_119 : i32 to vector<8x1xi32>
      %slice3A_121 = vector.extract_strided_slice %select_n3A_116 {offsets = [0, 0], sizes = [4992, 128], strides = [1, 1]} : vector<5000x128xf32> to vector<4992x128xf32>
      %concatenate3A_122 = tpu.concatenate %broadcast_in_dim3A_118, %slice3A_121 in 0 : vector<8x128xf32>, vector<4992x128xf32> -> vector<5000x128xf32>
      %slice3A_123 = vector.extract_strided_slice %get3A_66 {offsets = [0, 0], sizes = [4992, 1], strides = [1, 1]} : vector<5000x1xi32> to vector<4992x1xi32>
      %concatenate3A_124 = tpu.concatenate %broadcast_in_dim3A_120, %slice3A_123 in 0 : vector<8x1xi32>, vector<4992x1xi32> -> vector<5000x1xi32>
      %eq3A_125 = arith.cmpi eq, %get3A_66, %concatenate3A_124 : vector<5000x1xi32>
      %max3A_126 = arith.maximumf %select_n3A_116, %concatenate3A_122 : vector<5000x128xf32>
      %broadcast_in_dim3A_127 = vector.shape_cast %eq3A_125 : vector<5000x1xi1> to vector<5000x1xi1>
      %broadcast_in_dim3A_128 = vector.broadcast %broadcast_in_dim3A_127 : vector<5000x1xi1> to vector<5000x128xi1>
      %select_n3A_129 = arith.select %broadcast_in_dim3A_128, %max3A_126, %select_n3A_116 : vector<5000x128xi1>, vector<5000x128xf32>
      %broadcast_in_dim3A_130 = arith.constant 0xFF800000 : f32
      %broadcast_in_dim3A_131 = vector.broadcast %broadcast_in_dim3A_130 : f32 to vector<16x128xf32>
      %broadcast_in_dim3A_132 = arith.constant -1 : i32
      %broadcast_in_dim3A_133 = vector.broadcast %broadcast_in_dim3A_132 : i32 to vector<16x1xi32>
      %slice3A_134 = vector.extract_strided_slice %select_n3A_129 {offsets = [0, 0], sizes = [4984, 128], strides = [1, 1]} : vector<5000x128xf32> to vector<4984x128xf32>
      %concatenate3A_135 = tpu.concatenate %broadcast_in_dim3A_131, %slice3A_134 in 0 : vector<16x128xf32>, vector<4984x128xf32> -> vector<5000x128xf32>
      %slice3A_136 = vector.extract_strided_slice %get3A_66 {offsets = [0, 0], sizes = [4984, 1], strides = [1, 1]} : vector<5000x1xi32> to vector<4984x1xi32>
      %concatenate3A_137 = tpu.concatenate %broadcast_in_dim3A_133, %slice3A_136 in 0 : vector<16x1xi32>, vector<4984x1xi32> -> vector<5000x1xi32>
      %eq3A_138 = arith.cmpi eq, %get3A_66, %concatenate3A_137 : vector<5000x1xi32>
      %max3A_139 = arith.maximumf %select_n3A_129, %concatenate3A_135 : vector<5000x128xf32>
      %broadcast_in_dim3A_140 = vector.shape_cast %eq3A_138 : vector<5000x1xi1> to vector<5000x1xi1>
      %broadcast_in_dim3A_141 = vector.broadcast %broadcast_in_dim3A_140 : vector<5000x1xi1> to vector<5000x128xi1>
      %select_n3A_142 = arith.select %broadcast_in_dim3A_141, %max3A_139, %select_n3A_129 : vector<5000x128xi1>, vector<5000x128xf32>
      %broadcast_in_dim3A_143 = arith.constant 0xFF800000 : f32
      %broadcast_in_dim3A_144 = vector.broadcast %broadcast_in_dim3A_143 : f32 to vector<32x128xf32>
      %broadcast_in_dim3A_145 = arith.constant -1 : i32
      %broadcast_in_dim3A_146 = vector.broadcast %broadcast_in_dim3A_145 : i32 to vector<32x1xi32>
      %slice3A_147 = vector.extract_strided_slice %select_n3A_142 {offsets = [0, 0], sizes = [4968, 128], strides = [1, 1]} : vector<5000x128xf32> to vector<4968x128xf32>
      %concatenate3A_148 = tpu.concatenate %broadcast_in_dim3A_144, %slice3A_147 in 0 : vector<32x128xf32>, vector<4968x128xf32> -> vector<5000x128xf32>
      %slice3A_149 = vector.extract_strided_slice %get3A_66 {offsets = [0, 0], sizes = [4968, 1], strides = [1, 1]} : vector<5000x1xi32> to vector<4968x1xi32>
      %concatenate3A_150 = tpu.concatenate %broadcast_in_dim3A_146, %slice3A_149 in 0 : vector<32x1xi32>, vector<4968x1xi32> -> vector<5000x1xi32>
      %eq3A_151 = arith.cmpi eq, %get3A_66, %concatenate3A_150 : vector<5000x1xi32>
      %max3A_152 = arith.maximumf %select_n3A_142, %concatenate3A_148 : vector<5000x128xf32>
      %broadcast_in_dim3A_153 = vector.shape_cast %eq3A_151 : vector<5000x1xi1> to vector<5000x1xi1>
      %broadcast_in_dim3A_154 = vector.broadcast %broadcast_in_dim3A_153 : vector<5000x1xi1> to vector<5000x128xi1>
      %select_n3A_155 = arith.select %broadcast_in_dim3A_154, %max3A_152, %select_n3A_142 : vector<5000x128xi1>, vector<5000x128xf32>
      %broadcast_in_dim3A_156 = arith.constant 0xFF800000 : f32
      %broadcast_in_dim3A_157 = vector.broadcast %broadcast_in_dim3A_156 : f32 to vector<64x128xf32>
      %broadcast_in_dim3A_158 = arith.constant -1 : i32
      %broadcast_in_dim3A_159 = vector.broadcast %broadcast_in_dim3A_158 : i32 to vector<64x1xi32>
      %slice3A_160 = vector.extract_strided_slice %select_n3A_155 {offsets = [0, 0], sizes = [4936, 128], strides = [1, 1]} : vector<5000x128xf32> to vector<4936x128xf32>
      %concatenate3A_161 = tpu.concatenate %broadcast_in_dim3A_157, %slice3A_160 in 0 : vector<64x128xf32>, vector<4936x128xf32> -> vector<5000x128xf32>
      %slice3A_162 = vector.extract_strided_slice %get3A_66 {offsets = [0, 0], sizes = [4936, 1], strides = [1, 1]} : vector<5000x1xi32> to vector<4936x1xi32>
      %concatenate3A_163 = tpu.concatenate %broadcast_in_dim3A_159, %slice3A_162 in 0 : vector<64x1xi32>, vector<4936x1xi32> -> vector<5000x1xi32>
      %eq3A_164 = arith.cmpi eq, %get3A_66, %concatenate3A_163 : vector<5000x1xi32>
      %max3A_165 = arith.maximumf %select_n3A_155, %concatenate3A_161 : vector<5000x128xf32>
      %broadcast_in_dim3A_166 = vector.shape_cast %eq3A_164 : vector<5000x1xi1> to vector<5000x1xi1>
      %broadcast_in_dim3A_167 = vector.broadcast %broadcast_in_dim3A_166 : vector<5000x1xi1> to vector<5000x128xi1>
      %select_n3A_168 = arith.select %broadcast_in_dim3A_167, %max3A_165, %select_n3A_155 : vector<5000x128xi1>, vector<5000x128xf32>
      %broadcast_in_dim3A_169 = arith.constant 0xFF800000 : f32
      %broadcast_in_dim3A_170 = vector.broadcast %broadcast_in_dim3A_169 : f32 to vector<128x128xf32>
      %broadcast_in_dim3A_171 = arith.constant -1 : i32
      %broadcast_in_dim3A_172 = vector.broadcast %broadcast_in_dim3A_171 : i32 to vector<128x1xi32>
      %slice3A_173 = vector.extract_strided_slice %select_n3A_168 {offsets = [0, 0], sizes = [4872, 128], strides = [1, 1]} : vector<5000x128xf32> to vector<4872x128xf32>
      %concatenate3A_174 = tpu.concatenate %broadcast_in_dim3A_170, %slice3A_173 in 0 : vector<128x128xf32>, vector<4872x128xf32> -> vector<5000x128xf32>
      %slice3A_175 = vector.extract_strided_slice %get3A_66 {offsets = [0, 0], sizes = [4872, 1], strides = [1, 1]} : vector<5000x1xi32> to vector<4872x1xi32>
      %concatenate3A_176 = tpu.concatenate %broadcast_in_dim3A_172, %slice3A_175 in 0 : vector<128x1xi32>, vector<4872x1xi32> -> vector<5000x1xi32>
      %eq3A_177 = arith.cmpi eq, %get3A_66, %concatenate3A_176 : vector<5000x1xi32>
      %max3A_178 = arith.maximumf %select_n3A_168, %concatenate3A_174 : vector<5000x128xf32>
      %broadcast_in_dim3A_179 = vector.shape_cast %eq3A_177 : vector<5000x1xi1> to vector<5000x1xi1>
      %broadcast_in_dim3A_180 = vector.broadcast %broadcast_in_dim3A_179 : vector<5000x1xi1> to vector<5000x128xi1>
      %select_n3A_181 = arith.select %broadcast_in_dim3A_180, %max3A_178, %select_n3A_168 : vector<5000x128xi1>, vector<5000x128xf32>
      %broadcast_in_dim3A_182 = arith.constant 0xFF800000 : f32
      %broadcast_in_dim3A_183 = vector.broadcast %broadcast_in_dim3A_182 : f32 to vector<256x128xf32>
      %broadcast_in_dim3A_184 = arith.constant -1 : i32
      %broadcast_in_dim3A_185 = vector.broadcast %broadcast_in_dim3A_184 : i32 to vector<256x1xi32>
      %slice3A_186 = vector.extract_strided_slice %select_n3A_181 {offsets = [0, 0], sizes = [4744, 128], strides = [1, 1]} : vector<5000x128xf32> to vector<4744x128xf32>
      %concatenate3A_187 = tpu.concatenate %broadcast_in_dim3A_183, %slice3A_186 in 0 : vector<256x128xf32>, vector<4744x128xf32> -> vector<5000x128xf32>
      %slice3A_188 = vector.extract_strided_slice %get3A_66 {offsets = [0, 0], sizes = [4744, 1], strides = [1, 1]} : vector<5000x1xi32> to vector<4744x1xi32>
      %concatenate3A_189 = tpu.concatenate %broadcast_in_dim3A_185, %slice3A_188 in 0 : vector<256x1xi32>, vector<4744x1xi32> -> vector<5000x1xi32>
      %eq3A_190 = arith.cmpi eq, %get3A_66, %concatenate3A_189 : vector<5000x1xi32>
      %max3A_191 = arith.maximumf %select_n3A_181, %concatenate3A_187 : vector<5000x128xf32>
      %broadcast_in_dim3A_192 = vector.shape_cast %eq3A_190 : vector<5000x1xi1> to vector<5000x1xi1>
      %broadcast_in_dim3A_193 = vector.broadcast %broadcast_in_dim3A_192 : vector<5000x1xi1> to vector<5000x128xi1>
      %select_n3A_194 = arith.select %broadcast_in_dim3A_193, %max3A_191, %select_n3A_181 : vector<5000x128xi1>, vector<5000x128xf32>
      %broadcast_in_dim3A_195 = arith.constant 0xFF800000 : f32
      %broadcast_in_dim3A_196 = vector.broadcast %broadcast_in_dim3A_195 : f32 to vector<512x128xf32>
      %broadcast_in_dim3A_197 = arith.constant -1 : i32
      %broadcast_in_dim3A_198 = vector.broadcast %broadcast_in_dim3A_197 : i32 to vector<512x1xi32>
      %slice3A_199 = vector.extract_strided_slice %select_n3A_194 {offsets = [0, 0], sizes = [4488, 128], strides = [1, 1]} : vector<5000x128xf32> to vector<4488x128xf32>
      %concatenate3A_200 = tpu.concatenate %broadcast_in_dim3A_196, %slice3A_199 in 0 : vector<512x128xf32>, vector<4488x128xf32> -> vector<5000x128xf32>
      %slice3A_201 = vector.extract_strided_slice %get3A_66 {offsets = [0, 0], sizes = [4488, 1], strides = [1, 1]} : vector<5000x1xi32> to vector<4488x1xi32>
      %concatenate3A_202 = tpu.concatenate %broadcast_in_dim3A_198, %slice3A_201 in 0 : vector<512x1xi32>, vector<4488x1xi32> -> vector<5000x1xi32>
      %eq3A_203 = arith.cmpi eq, %get3A_66, %concatenate3A_202 : vector<5000x1xi32>
      %max3A_204 = arith.maximumf %select_n3A_194, %concatenate3A_200 : vector<5000x128xf32>
      %broadcast_in_dim3A_205 = vector.shape_cast %eq3A_203 : vector<5000x1xi1> to vector<5000x1xi1>
      %broadcast_in_dim3A_206 = vector.broadcast %broadcast_in_dim3A_205 : vector<5000x1xi1> to vector<5000x128xi1>
      %select_n3A_207 = arith.select %broadcast_in_dim3A_206, %max3A_204, %select_n3A_194 : vector<5000x128xi1>, vector<5000x128xf32>
      %broadcast_in_dim3A_208 = arith.constant 0xFF800000 : f32
      %broadcast_in_dim3A_209 = vector.broadcast %broadcast_in_dim3A_208 : f32 to vector<1024x128xf32>
      %broadcast_in_dim3A_210 = arith.constant -1 : i32
      %broadcast_in_dim3A_211 = vector.broadcast %broadcast_in_dim3A_210 : i32 to vector<1024x1xi32>
      %slice3A_212 = vector.extract_strided_slice %select_n3A_207 {offsets = [0, 0], sizes = [3976, 128], strides = [1, 1]} : vector<5000x128xf32> to vector<3976x128xf32>
      %concatenate3A_213 = tpu.concatenate %broadcast_in_dim3A_209, %slice3A_212 in 0 : vector<1024x128xf32>, vector<3976x128xf32> -> vector<5000x128xf32>
      %slice3A_214 = vector.extract_strided_slice %get3A_66 {offsets = [0, 0], sizes = [3976, 1], strides = [1, 1]} : vector<5000x1xi32> to vector<3976x1xi32>
      %concatenate3A_215 = tpu.concatenate %broadcast_in_dim3A_211, %slice3A_214 in 0 : vector<1024x1xi32>, vector<3976x1xi32> -> vector<5000x1xi32>
      %eq3A_216 = arith.cmpi eq, %get3A_66, %concatenate3A_215 : vector<5000x1xi32>
      %max3A_217 = arith.maximumf %select_n3A_207, %concatenate3A_213 : vector<5000x128xf32>
      %broadcast_in_dim3A_218 = vector.shape_cast %eq3A_216 : vector<5000x1xi1> to vector<5000x1xi1>
      %broadcast_in_dim3A_219 = vector.broadcast %broadcast_in_dim3A_218 : vector<5000x1xi1> to vector<5000x128xi1>
      %select_n3A_220 = arith.select %broadcast_in_dim3A_219, %max3A_217, %select_n3A_207 : vector<5000x128xi1>, vector<5000x128xf32>
      %broadcast_in_dim3A_221 = arith.constant 0xFF800000 : f32
      %broadcast_in_dim3A_222 = vector.broadcast %broadcast_in_dim3A_221 : f32 to vector<2048x128xf32>
      %broadcast_in_dim3A_223 = arith.constant -1 : i32
      %broadcast_in_dim3A_224 = vector.broadcast %broadcast_in_dim3A_223 : i32 to vector<2048x1xi32>
      %slice3A_225 = vector.extract_strided_slice %select_n3A_220 {offsets = [0, 0], sizes = [2952, 128], strides = [1, 1]} : vector<5000x128xf32> to vector<2952x128xf32>
      %concatenate3A_226 = tpu.concatenate %broadcast_in_dim3A_222, %slice3A_225 in 0 : vector<2048x128xf32>, vector<2952x128xf32> -> vector<5000x128xf32>
      %slice3A_227 = vector.extract_strided_slice %get3A_66 {offsets = [0, 0], sizes = [2952, 1], strides = [1, 1]} : vector<5000x1xi32> to vector<2952x1xi32>
      %concatenate3A_228 = tpu.concatenate %broadcast_in_dim3A_224, %slice3A_227 in 0 : vector<2048x1xi32>, vector<2952x1xi32> -> vector<5000x1xi32>
      %eq3A_229 = arith.cmpi eq, %get3A_66, %concatenate3A_228 : vector<5000x1xi32>
      %max3A_230 = arith.maximumf %select_n3A_220, %concatenate3A_226 : vector<5000x128xf32>
      %broadcast_in_dim3A_231 = vector.shape_cast %eq3A_229 : vector<5000x1xi1> to vector<5000x1xi1>
      %broadcast_in_dim3A_232 = vector.broadcast %broadcast_in_dim3A_231 : vector<5000x1xi1> to vector<5000x128xi1>
      %select_n3A_233 = arith.select %broadcast_in_dim3A_232, %max3A_230, %select_n3A_220 : vector<5000x128xi1>, vector<5000x128xf32>
      %broadcast_in_dim3A_234 = arith.constant 0xFF800000 : f32
      %broadcast_in_dim3A_235 = vector.broadcast %broadcast_in_dim3A_234 : f32 to vector<4096x128xf32>
      %broadcast_in_dim3A_236 = arith.constant -1 : i32
      %broadcast_in_dim3A_237 = vector.broadcast %broadcast_in_dim3A_236 : i32 to vector<4096x1xi32>
      %slice3A_238 = vector.extract_strided_slice %select_n3A_233 {offsets = [0, 0], sizes = [904, 128], strides = [1, 1]} : vector<5000x128xf32> to vector<904x128xf32>
      %concatenate3A_239 = tpu.concatenate %broadcast_in_dim3A_235, %slice3A_238 in 0 : vector<4096x128xf32>, vector<904x128xf32> -> vector<5000x128xf32>
      %slice3A_240 = vector.extract_strided_slice %get3A_66 {offsets = [0, 0], sizes = [904, 1], strides = [1, 1]} : vector<5000x1xi32> to vector<904x1xi32>
      %concatenate3A_241 = tpu.concatenate %broadcast_in_dim3A_237, %slice3A_240 in 0 : vector<4096x1xi32>, vector<904x1xi32> -> vector<5000x1xi32>
      %eq3A_242 = arith.cmpi eq, %get3A_66, %concatenate3A_241 : vector<5000x1xi32>
      %max3A_243 = arith.maximumf %select_n3A_233, %concatenate3A_239 : vector<5000x128xf32>
      %broadcast_in_dim3A_244 = vector.shape_cast %eq3A_242 : vector<5000x1xi1> to vector<5000x1xi1>
      %broadcast_in_dim3A_245 = vector.broadcast %broadcast_in_dim3A_244 : vector<5000x1xi1> to vector<5000x128xi1>
      %select_n3A_246 = arith.select %broadcast_in_dim3A_245, %max3A_243, %select_n3A_233 : vector<5000x128xi1>, vector<5000x128xf32>
      %slice3A_247 = vector.extract_strided_slice %get3A_66 {offsets = [4999, 0], sizes = [1, 1], strides = [1, 1]} : vector<5000x1xi32> to vector<1x1xi32>
      %squeeze3A = vector.extract %slice3A_247[0, 0] : i32 from vector<1x1xi32>
      %swap3A = arith.constant 0 : index
      %swap3A_248 = memref.load %arg14[%swap3A] : memref<1xi32, #tpu.memory_space<smem>>
      memref.store %squeeze3A, %arg14[%swap3A] : memref<1xi32, #tpu.memory_space<smem>>
      %slice3A_249 = vector.extract_strided_slice %select_n3A_246 {offsets = [4999, 0], sizes = [1, 128], strides = [1, 1]} : vector<5000x128xf32> to vector<1x128xf32>
      %swap3A_250 = arith.constant 0 : index
      %swap3A_251 = arith.constant 0 : index
      %swap3A_252 = vector.load %arg13[%swap3A_250, %swap3A_251] : memref<8x128xf32, #tpu.memory_space<vmem>>, vector<1x128xf32>
      tpu.vector_store %arg13[%swap3A_250, %swap3A_251], %slice3A_249 {strides = array<i32>} : memref<8x128xf32, #tpu.memory_space<vmem>>, vector<1x128xf32>,
      %swap3A_253 = arith.constant 0 : index
      %swap3A_254 = arith.constant 0 : index
      %swap3A_255 = vector.load %arg12[%swap3A_253, %swap3A_254] : memref<5000x128xf32, #tpu.memory_space<vmem>>, vector<5000x128xf32>
      tpu.vector_store %arg12[%swap3A_253, %swap3A_254], %select_n3A_246 {strides = array<i32>} : memref<5000x128xf32, #tpu.memory_space<vmem>>, vector<5000x128xf32>,
    } else {
    }
    return
  }
  func.func @transform_0(%arg0: i32) -> (i32, i32) {
    %min3A = arith.constant 9 : i32
    %min3A_0 = arith.minsi %arg0, %min3A : i32
    %c0_i32 = arith.constant 0 : i32
    %c0_i32_1 = arith.constant 0 : i32
    return %min3A_0, %c0_i32 : i32, i32
  }
  func.func @transform_1(%arg0: i32) -> (i32, i32) {
    %min3A = arith.constant 9 : i32
    %min3A_0 = arith.minsi %arg0, %min3A : i32
    %c0_i32 = arith.constant 0 : i32
    %c0_i32_1 = arith.constant 0 : i32
    return %min3A_0, %c0_i32 : i32, i32
  }
  func.func @transform_2(%arg0: i32) -> (i32, i32) {
    %min3A = arith.constant 9 : i32
    %min3A_0 = arith.minsi %arg0, %min3A : i32
    %c0_i32 = arith.constant 0 : i32
    %c0_i32_1 = arith.constant 0 : i32
    return %min3A_0, %c0_i32 : i32, i32
  }
  func.func @transform_3(%arg0: i32) -> (i32, i32) {
    %c0_i32 = arith.constant 0 : i32
    %c0_i32_0 = arith.constant 0 : i32
    %c0_i32_1 = arith.constant 0 : i32
    return %c0_i32, %c0_i32_0 : i32, i32
  }
  func.func @transform_4(%arg0: i32) -> (i32, i32) {
    %c0_i32 = arith.constant 0 : i32
    %c0_i32_0 = arith.constant 0 : i32
    %c0_i32_1 = arith.constant 0 : i32
    return %c0_i32, %c0_i32_0 : i32, i32
  }
  func.func @transform_5(%arg0: i32) -> (i32, i32) {
    %c0_i32 = arith.constant 0 : i32
    %c0_i32_0 = arith.constant 0 : i32
    %c0_i32_1 = arith.constant 0 : i32
    return %c0_i32, %c0_i32_0 : i32, i32
  }
  func.func @transform_6(%arg0: i32) -> (i32, i32) {
    %c0_i32 = arith.constant 0 : i32
    %c0_i32_0 = arith.constant 0 : i32
    %c0_i32_1 = arith.constant 0 : i32
    return %c0_i32, %c0_i32_0 : i32, i32
  }
  func.func @transform_7(%arg0: i32) -> (i32, i32) {
    %c0_i32 = arith.constant 0 : i32
    %c0_i32_0 = arith.constant 0 : i32
    %c0_i32_1 = arith.constant 0 : i32
    return %c0_i32, %c0_i32_0 : i32, i32
  }
  func.func @transform_8(%arg0: i32) -> (i32, i32) {
    %c0_i32 = arith.constant 0 : i32
    %c0_i32_0 = arith.constant 0 : i32
    %c0_i32_1 = arith.constant 0 : i32
    return %c0_i32, %c0_i32_0 : i32, i32
  }
  func.func @transform_9(%arg0: i32) -> (i32, i32) {
    %c0_i32 = arith.constant 0 : i32
    %c0_i32_0 = arith.constant 0 : i32
    %c0_i32_1 = arith.constant 0 : i32
    return %c0_i32, %c0_i32_0 : i32, i32
  }
  func.func @transform_10(%arg0: i32) -> (i32, i32) {
    %c0_i32 = arith.constant 0 : i32
    %c0_i32_0 = arith.constant 0 : i32
    %c0_i32_1 = arith.constant 0 : i32
    return %c0_i32, %c0_i32_0 : i32, i32
  }
  func.func @transform_11(%arg0: i32) -> (i32, i32) {
    %c0_i32 = arith.constant 0 : i32
    %c0_i32_0 = arith.constant 0 : i32
    return %arg0, %c0_i32 : i32, i32
  }
}

</mosaic_0001>

<sc_bundles>
// kernel: gather_offload_async_start.1
scs
__scs_entry_jumppad:
0x0: {  	(pc) =	sbr.rel $0x88, $3  }
0x1: {  	(tag) =	ssettag $0x0;
	lr =	simm.s32 $0x1  }
0x2: {  	[smem:$0x3F84] =	sst lr;
	_ =	strace $0xD0000000  }
0x3: {  	_ = 	snop  }
0x4: {  	_ = 	snop  }
0x5: {  	_ = 	snop  }
0x6: {  	_ = 	snop  }
0x7: {  	_ = 	snop  }
__scs_overlays_trampoline_lowered:
0x8: {  	[smem:$0x3F93] =	sst s0  }
0x9: {  	[smem:$0x3F94] =	sst s1  }
0xa: {  	[smem:$0x3F95] =	sst s2  }
0xb: {  	[smem:$0x3F96] =	sst s3  }
0xc: {  	[smem:$0x3F97] =	sst s4  }
0xd: {  	[smem:$0x3F98] =	sst s5  }
0xe: {  	[smem:$0x3F99] =	sst s6  }
0xf: {  	[smem:$0x3F9A] =	sst s7  }
0x10: {  	[smem:$0x3F9B] =	sst s8  }
0x11: {  	[smem:$0x3F9C] =	sst s9;
	s0 =	simm.s32 @!p0 $0x0  }
0x12: {  	s1 =	sld [smem:$0x3F82];
	s0 =	simm.s32 @p0 $0x1  }
0x13: {  	[smem:$0x3F9D] =	sst s0;
	s0 =	simm.s32 @!p1 $0x0  }
0x14: {  	s2 =	sld [smem:$0x3F81];
	s0 =	simm.s32 @p1 $0x1  }
0x15: {  	[smem:$0x3F9E] =	sst s0;
	s0 =	simm.s32 @!p2 $0x0  }
0x16: {  	s3 =	sld [smem:$0x3FDB];
	s0 =	simm.s32 @p2 $0x1  }
0x17: {  	s4 =	simm.s32 $0x1BF5;
	[smem:$0x3FA0] =	sst s0  }
0x18: {  	s0 =	sld [smem:$0x3F83];
	_ =	swait.ge [sflag:s4], $0x0  }
0x19: {  	s7 =	sld [smem:$0x3F84]  }
0x1a: {  	s8 =	sadd.s32 $0xFFFFE003, lr  }
0x1b: {  	s9 =	sadd.s32 $0xFFFFFEF7, lr;
	s5 =	simm.s32 $0xFFFFFFFF;
	p2 =	slt.u32 s8, $0xFFFFF086  }
0x1c: {  	p1 =	slt.u32 s9, $0xF7A;
	s5 =	simm.s32 @!p2 $0x0  }
0x1d: {  	s5 =	simm.s32 @p1 $0x1;
	p0 =	seq.s32 s7, s2  }
0x1e: {  	s7 =	smul.u32 @!p0 $0xF7A, s2;
	p2 =	seq.s32 @!p0 s5, $0x0  }
0x1f: {  	s9 =	smul.u32 $0xF7A, s1;
	s8 =	simm.s32 @!p0 $0x1BF5;
	p2 =	por !p2, p0  }
0x20: {  	[sflag:s8] =	ssyncset.s32 @!p0 $0xFFFFF086;
	s6 =	sadd.s32 @!p0 s3, s7;
	s7 =	simm.s32 @!p0 $0x108  }
0x21: {  	s3 =	sadd.s32 s3, s9;
	s6 =	sadd.s32 @!p0 $0x88, s6;
	s7 =	simm.s32 @p2 $0x1082  }
0x22: {  	[simem:s7], [sflag:s8] =	dma.local @!p0 [hbm:s6], $0xF7A  }
0x23: {  	s9 =	sor.u32 $0xD0000000, s2;
	s6 =	simm.s32 $0x108;
	_ =	swait.ge @!p0 [sflag:s8], $0x0  }
0x24: {  	s3 =	sadd.s32 $0x88, s3;
	s6 =	simm.s32 @!p1 $0x1082;
	[sflag:s4] =	ssyncset.s32 $0xFFFFF086  }
0x25: {  	[simem:s6], [sflag:s4] =	dma.local [hbm:s3], $0xF7A  }
0x26: {  	[smem:$0x3F84] =	sst s1;
	(tag) =	ssettag s2;
	_ =	strace s9  }
0x27: {  	s1 =	sld [smem:$0x3F94]  }
0x28: {  	s2 =	sld [smem:$0x3F95]  }
0x29: {  	s4 =	sld [smem:$0x3F97]  }
0x2a: {  	p0 =	seq.s32 s5, $0x0;
	s5 =	sld [smem:$0x3F98]  }
0x2b: {  	s6 =	sld [smem:$0x3F99]  }
0x2c: {  	s7 =	sld [smem:$0x3F9A]  }
0x2d: {  	s3 =	simm.s32 $0x108;
	s8 =	sld [smem:$0x3F9B]  }
0x2e: {  	s3 =	simm.s32 @!p0 $0x1082;
	s9 =	sld [smem:$0x3F9C]  }
0x2f: {  	lr =	sadd.s32 s0, s3;
	s0 =	sld [smem:$0x3F93]  }
0x30: {  	s3 =	sld [smem:$0x3F96]  }
0x31: {  	[smem:$0x3F9F] =	sst s10  }
0x32: {  	s10 =	sld [smem:$0x3F9D];
	_ =	sdelay $0x3  }
0x33: {  	p0 =	seq.s32 s10, $0x1;
	s10 =	sld [smem:$0x3F9F];
	_ =	sdelay $0x3  }
0x34: {  	[smem:$0x3F9F] =	sst s10  }
0x35: {  	s10 =	sld [smem:$0x3F9E];
	_ =	sdelay $0x3  }
0x36: {  	p1 =	seq.s32 s10, $0x1;
	s10 =	sld [smem:$0x3F9F];
	_ =	sdelay $0x3  }
0x37: {  	[smem:$0x3F9F] =	sst s10  }
0x38: {  	s10 =	sld [smem:$0x3FA0]  }
0x39: {  	_ = 	snop;
	(pc) =	sbr.ind lr, $3  }
0x3a: {  	_ = 	snop  }
0x3b: {  	_ = 	snop  }
0x3c: {  	p2 =	seq.s32 s10, $0x1;
	s10 =	sld [smem:$0x3F9F]  }
0x3d: {  	_ =	shalt  }
0x3e: {  	_ =	shalt  }
0x3f: {  	_ =	shalt  }
0x40: {  	_ =	shalt  }
0x41: {  	_ =	shalt  }
0x42: {  	_ =	shalt  }
0x43: {  	_ =	shalt  }
0x44: {  	_ =	shalt  }
0x45: {  	_ =	shalt  }
0x46: {  	_ =	shalt  }
0x47: {  	_ =	shalt  }
0x48: {  	_ =	shalt  }
0x49: {  	_ =	shalt  }
0x4a: {  	_ =	shalt  }
0x4b: {  	_ =	shalt  }
0x4c: {  	_ =	shalt  }
0x4d: {  	_ =	shalt  }
0x4e: {  	_ =	shalt  }
0x4f: {  	_ =	shalt  }
0x50: {  	_ =	shalt  }
0x51: {  	_ =	shalt  }
0x52: {  	_ =	shalt  }
0x53: {  	_ =	shalt  }
0x54: {  	_ =	shalt  }
0x55: {  	_ =	shalt  }
0x56: {  	_ =	shalt  }
0x57: {  	_ =	shalt  }
0x58: {  	_ =	shalt  }
0x59: {  	_ =	shalt  }
0x5a: {  	_ =	shalt  }
0x5b: {  	_ =	shalt  }
0x5c: {  	_ =	shalt  }
0x5d: {  	_ =	shalt  }
0x5e: {  	_ =	shalt  }
0x5f: {  	_ =	shalt  }
0x60: {  	_ =	shalt  }
0x61: {  	_ =	shalt  }
0x62: {  	_ =	shalt  }
0x63: {  	_ =	shalt  }
0x64: {  	_ =	shalt  }
0x65: {  	_ =	shalt  }
0x66: {  	_ =	shalt  }
0x67: {  	_ =	shalt  }
0x68: {  	_ =	shalt  }
0x69: {  	_ =	shalt  }
0x6a: {  	_ =	shalt  }
0x6b: {  	_ =	shalt  }
0x6c: {  	_ =	shalt  }
0x6d: {  	_ =	shalt  }
0x6e: {  	_ =	shalt  }
0x6f: {  	_ =	shalt  }
0x70: {  	_ =	shalt  }
0x71: {  	_ =	shalt  }
0x72: {  	_ =	shalt  }
0x73: {  	_ =	shalt  }
0x74: {  	_ =	shalt  }
0x75: {  	_ =	shalt  }
0x76: {  	_ =	shalt  }
0x77: {  	_ =	shalt  }
0x78: {  	_ =	shalt  }
0x79: {  	_ =	shalt  }
0x7a: {  	_ =	shalt  }
0x7b: {  	_ =	shalt  }
0x7c: {  	_ =	shalt  }
0x7d: {  	_ =	shalt  }
0x7e: {  	_ =	shalt  }
0x7f: {  	_ =	shalt  }
0x80: {  	_ =	shalt  }
0x81: {  	_ =	shalt  }
0x82: {  	_ =	shalt  }
0x83: {  	_ =	shalt  }
0x84: {  	_ =	shalt  }
0x85: {  	_ =	shalt  }
0x86: {  	_ =	shalt  }
0x87: {  	_ =	shalt  }
.Lfunc_end0:
.L_simem_size_0:
called_computation.1_lowered:
.L_overlay_start_0:
0x88: {  	s2 =	sld [smem:$0x3FD9]  }
0x89: {  	s3 =	sld [smem:$0x3FFE];
	_ =	sdelay $0x1  }
0x8a: {  	s1 =	srdreg.scid  }
0x8b: {  	s0 =	sand.u32 $0x1, s1  }
0x8c: {  	s17 =	sshll.u32 s0, $0xA;
	s2 =	sadd.s32 s3, s2  }
0x8d: {  	s2 =	sadd.s32 s2, s17  }
0x8e: {  	[smem:$0x3FAB] =	sst s2  }
0x8f: {  	_ = 	snop  }
0x90: {  	s2 =	sld [smem:$0x3FC8];
	(tm) =	ssettm $0x1  }
0x91: {  	s18 =	sld [smem:$0x3FFB];
	_ =	sdelay $0x3  }
0x92: {  	_ =	strace s18  }
0x93: {  	s3 =	sld [smem:$0x3FFC];
	_ =	sdelay $0x3  }
0x94: {  	_ =	strace s3  }
0x95: {  	s3 =	sld [smem:$0x3FFD];
	_ =	sdelay $0x3  }
0x96: {  	_ =	strace s3  }
0x97: {  	_ =	strace $0x8FFFFFFF  }
0x98: {  	s19 =	sld [smem:$0x3FDB];
	_ =	sdelay $0x1  }
0x99: {  	s4 =	simm.s32 $_scs_section_size  }
0x9a: {  	s5 =	simm.s32 $_size__tile_overlayer_lowered;
	s6 =	simm.s32 $_tile_overlayer_lowered  }
0x9b: {  	s22 =	simm.s32 $0x1BFF;
	s21 =	sshll.u32 s6, $0x1;
	s3 =	sadd.s32 s4, s19  }
0x9c: {  	s7 =	simm.s32 $0x0;
	s20 =	sshll.u32 s5, $0x1;
	s5 =	sadd.s32 s21, s3  }
0x9d: {  	[timem:s7], [sflag:s22] =	dma.local [hbm:s5], s20  }
0x9e: {  	_ =	swait.ge [sflag:s22], s20  }
0x9f: {  	s4 =	ssub.s32 $0x0, s20;
	[sflag:s22] =	ssyncset.done $0x0  }
0xa0: {  	[sflag:s22] =	ssyncadd.s32 s4;
	_ =	sdelay $0x1  }
0xa1: {  	s23 =	simm.s32 $0x1B8B  }
0xa2: {  	_ =	swait.ge [sflag:s23], $0x1  }
0xa3: {  	[sflag:s23] =	ssyncset.done $0x0  }
0xa4: {  	s25 =	simm.s32 $0x1B8E;
	s24 =	sld [smem:$0x3FFE];
	[sflag:s23] =	ssyncadd.s32 $0xFFFFFFFF  }
0xa5: {  	s26 =	simm.s32 $execute0_lowered;
	[smem:$0x3FD2] =	sst s25  }
0xa6: {  	s5 =	sshll.u32 s26, $0x1;
	_ =	strace $0x80000052;
	[dreg:$0x1] =	wrdreg $0xFFFFFFFF  }
0xa7: {  	s28 =	simm.s32 $_size_execute0_lowered;
	s3 =	sadd.s32 s3, s5;
	[dreg:$0x0] =	wrdreg $0x0  }
0xa8: {  	s5 =	sshll.u32 s28, $0x1;
	[dreg:$0x2] =	wrdreg s3  }
0xa9: {  	[dreg:$0x3] =	wrdreg s5  }
0xaa: {  	[dreg:$0x4] =	wrdreg $0xC0  }
0xab: {  	_ =	task [dreg:s7], $0x5FFFF  }
0xac: {  	[dreg:$0x1] =	wrdreg $0xFFFFFFFF  }
0xad: {  	[dreg:$0x0] =	wrdreg $0x60  }
0xae: {  	[dreg:$0x2] =	wrdreg s2  }
0xaf: {  	[dreg:$0x3] =	wrdreg s24  }
0xb0: {  	[dreg:$0x4] =	wrdreg $0x9  }
0xb1: {  	_ =	task.clear_ibuf [dreg:s7], $0x5FFFF;
	_ =	strace $0x90000052  }
0xb2: {  	s29 =	simm.s32 $0x9;
	_ =	strace $0x80000054  }
0xb3: {  	_ =	swait.ge [sflag:s29], $0x1  }
0xb4: {  	[sflag:s29] =	ssyncadd.s32 $0xFFFFFFFF  }
0xb5: {  	_ =	strace $0x90000054  }
0xb6: {  	_ =	sfence  }
0xb7: {  	s30 =	sld [smem:$0x0];
	_ =	sdelay $0x2  }
0xb8: {  	s31 =	sshll.u32 s1, $0xD;
	s1 =	sshrl.u32 s1, $0x2  }
0xb9: {  	s3 =	sand.u32 $0x4000, s31;
	s1 =	sadd.s32 s1, s30  }
0xba: {  	s0 =	sor.u32 s3, s0;
	s1 =	sshll.u32 s1, $0x11  }
0xbb: {  	s0 =	sor.u32 s1, s0  }
0xbc: {  	s0 =	sadd.s32 $0x8F2B, s0  }
0xbd: {  	[sflag:s0] =	ssyncadd.remote.s32 $0x1  }
0xbe: {  	_ =	sfence.sel $0xFFFF  }
0xbf: {  	[dreg:$0x0] =	wrdreg $0xFFFFFFFF;
	(pc) =	sbr.abs _section_cstart, $3  }
0xc0: {  	[dreg:$0x1] =	wrdreg $0xFFFFFFFF  }
0xc1: {  	_ =	task.clear_ibuf [dreg:s7], $0x2FFFF;
	_ =	strace $0x9FFFFFFF  }
0xc2: {  	(tm) =	ssettm $0x7FFFFFFF  }
0xc3: {  	_ =	shalt  }
tec
execute0_lowered:
.L_overlay_start_1:
0x0: {  	(tag) =	ssettag $0x1  }
0x1: {  	s2 =	rddreg [dreg:$0x0]  }
0x2: {  	s8 =	rddreg [dreg:$0x1]  }
0x3: {  	s0 =	rddreg [dreg:$0x2];
	s1 =	stileid.u32  }
0x4: {  	s3 =	srdreg.scid;
	_ =	strace $0x80000053;
	s4 =	simm.s32 $0x1  }
0x5: {  	s7 =	simm.s32 $0x1;
	s9 =	simm.s32 $0x1;
	s10 =	simm.s32 $0x3  }
0x6: {  	s13 =	simm.s32 $0x0;
	s5 =	sand.u32 $0x1, s3;
	s6 =	sshll.u32 s1, $0x1  }
0x7: {  	s12 =	simm.s32 $0x0;
	s3 =	sadd.s32 $0xFC00, s8;
	s5 =	sor.u32 s6, s5  }
.Ltmp0:
0x8: {  	[sflag:s4] =	ssyncpa.u1 $0x0;
	p0 =	slt.u32 s5, $0x13;
	(pc) =	sbr.rel .LBB2_1-.Ltmp0, $4  }
0x9: {  	s6 =	simm.s32 $0x2;
	s7 =	simm.s32 @!p0 $0x0;
	p0 =	sne.s32 s5, $0x12  }
0xa: {  	[sflag:s6] =	ssyncpa.u1 $0x0;
	s5 =	smul.u32 $0x7D0, s5;
	s9 =	simm.s32 @!p0 $0x0  }
0xb: {  	s8 =	sadd.s32 $0x3118400, s8;
	[sflag:s10] =	ssyncpa.u1 $0x0;
	s7 =	sadd.s32 s9, s7  }
0xc: {  	vm0 =	vmmov $0xffff;
	s10 =	simm.s32 $0x0;
	s11 =	smov.u32 s5;
	s9 =	sadd.s32 $0x1, s7  }
.LBB2_4:
0xd: {  	v2 =	vnsel vm1, $0x0, v2  }
0xe: {  	vm1 =	vgt.s32 v0, $0x0;
	v2 =	vmin.u32 v2, $0x1869FF  }
0xf: {  	v0 =	vnsel vm1, $0x0, v0  }
0x10: {  	v0 =	vmin.u32 v0, $0x1869FF  }
0x11: {  	[tilespmem:s18], [sflag:$0x1] =	stream.indirect_vreg.gather [hbm4b:s2+s10], $0x1, v1, vm0, $0x4038;
	[tilespmem:$0x1F40] =	vst v63  }
0x12: {  	(ifvalue) =	ssetifvalue $0x7FFFFFFF  }
0x13: {  	[tilespmem:s15], [sflag:$0x1] =	stream.indirect_vreg.gather [hbm4b:s2+s10], $0x1, v2, vm0, $0x4038;
	[tilespmem:$0x1F40] =	vst v63  }
0x14: {  	s29 =	sadd.s32 $0x10, s15;
	(ifvalue) =	ssetifvalue $0x7FFFFFFF  }
0x15: {  	[tilespmem:s29], [sflag:$0x1] =	stream.indirect_vreg.gather [hbm4b:s2+s10], $0x1, v0, vm0, $0x4038;
	[tilespmem:$0x1F40] =	vst v63  }
0x16: {  	_ =	swait.ge [sflag:s4], $0x7D0  }
0x17: {  	s30 =	sshrl.u32 s13, $0x3;
	[sflag:s4] =	ssyncset.done $0x0  }
0x18: {  	s31 =	sand.u32 $0x7, s13;
	s15 =	sadd.s32 s8, s30;
	[sflag:s4] =	ssyncadd.s32 $0xFFFFF830  }
0x19: {  	[hbm4b:s15+s31] =	stream.linear.scatter [tilespmem:s14], [sflag:$0x3], $0x7D0, $0x38;
	[tilespmem:$0x1F40] =	vst v63  }
.LBB2_5:
0x1a: {  	s15 =	sadd.s32 $0xFA00, s11  }
0x1b: {  	p1 =	sgt.s32 s15, $0x1869F  }
0x1c: {  	s15 =	smov.u32 @p1 s5;
	p1 =	sne.s32 s12, s9  }
.Ltmp1:
0x1d: {  	p0 =	slt.u32 s12, $0x2;
	(pc) =	sbr.rel @!p1 .LBB2_6-.Ltmp1, $4  }
0x1e: {  	s14 =	simm.s32 @!p0 $0x3  }
0x1f: {  	_ =	swait.ge @!p0 [sflag:s14], $0x7D0  }
0x20: {  	s16 =	sadd.s32 $0x1, s12;
	s13 =	smov.u32 s11;
	[sflag:s14] =	ssyncset.done @!p0 $0x0  }
0x21: {  	s12 =	smov.u32 s16;
	s11 =	smov.u32 s15;
	[sflag:s14] =	ssyncadd.s32 @!p0 $0xFFFFF830  }
.LBB2_1:
0x22: {  	p0 =	sge.u32 s12, s7  }
0x23: {  	s14 =	sxor.u32 @!p0 $0x1, s12  }
0x24: {  	s14 =	smul.u32 @!p0 $0x1F40, s14  }
0x25: {  	s31 =	sadd.s32 $0xFFFFFFFF, s12;
	s15 =	sshrl.u32 @!p0 s11, $0x3  }
0x26: {  	s16 =	sand.u32 @!p0 $0x7, s11;
	s15 =	sadd.s32 @!p0 s3, s15;
	s14 =	sshra.s32 @!p0 s14, $0x2  }
0x27: {  	[tilespmem:s14], [sflag:$0x2] =	stream.linear.gather @!p0 [hbm4b:s15+s16], $0x7D0, $0x38;
	[tilespmem:$0x1F40] =	vst v63  }
0x28: {  	p0 =	sge.u32 s31, s7  }
.Ltmp2:
0x29: {  	_ = 	snop;
	(pc) =	sbr.rel @p0 .LBB2_5-.Ltmp2, $1  }
0x2a: {  	_ =	sdelay $0x3  }
0x2b: {  	s14 =	sand.u32 $0x1, s12  }
0x2c: {  	_ =	swait.ge [sflag:s6], $0x7D0;
	p0 =	seq.s32 s14, $0x1;
	s14 =	simm.s32 $0x7D0  }
0x2d: {  	[sflag:s6] =	ssyncset.done $0x0;
	s14 =	simm.s32 @!p0 $0x0  }
0x2e: {  	[sflag:s6] =	ssyncadd.s32 $0xFFFFF830;
	(ifvalue) =	ssetifvalue $0x7FFFFFFF;
	v0 =	vld.msk [tilespmem:s14+$0x0 ss:$0x1], $0xffff;
	_ =	sdelay $0x4  }
0x2f: {  	s15 =	sadd.s32 $0x10, s14;
	vm1 =	vgt.s32 v0, $0x0  }
0x30: {  	v2 =	vld.msk [tilespmem:s15+$0x0 ss:$0x1], $0xffff;
	v1 =	vnsel vm1, $0x0, v0  }
0x31: {  	v1 =	vmin.u32 v1, $0x1869FF;
	_ =	sdelay $0x2  }
0x32: {  	s17 =	simm.s32 $0x20;
	s14 =	sadd.s32 $0xFA0, s14;
	s16 =	sadd.s32 $0x10, s15  }
0x33: {  	s15 =	sadd.s32 $0x10, s14;
	s18 =	smov.u32 s14;
	v0 =	vld.msk [tilespmem:s16+$0x0 ss:$0x1], $0xffff;
	vm1 =	vgt.s32 v2, $0x0;
	(ifvalue) =	ssetifvalue $0x7FFFFFFF  }
.LBB2_3:
0x34: {  	[tilespmem:s18], [sflag:$0x1] =	stream.indirect_vreg.gather [hbm4b:s2+s10], $0x1, v1, vm0, $0x4038;
	[tilespmem:$0x1F40] =	vst v63  }
0x35: {  	s17 =	sadd.s32 $0x10, s17  }
0x36: {  	v2 =	vnsel vm1, $0x0, v2;
	p0 =	slt.u32 s17, $0x7C0  }
.Ltmp3:
0x37: {  	s18 =	smov.u32 s15;
	v1 =	vmin.u32 v2, $0x1869FF;
	(pc) =	sbr.rel @p0 .LBB2_3-.Ltmp3, $3  }
0x38: {  	_ =	sdelay $0x1  }
0x39: {  	s16 =	sadd.s32 $0x10, s16  }
0x3a: {  	vm1 =	vgt.s32 v0, $0x0;
	s15 =	sadd.s32 $0x10, s15;
	v2 =	vmov v0;
	(ifvalue) =	ssetifvalue $0x7FFFFFFF;
	v0 =	vld.msk [tilespmem:s16+$0x0 ss:$0x1], $0xffff  }
.Ltmp4:
0x3b: {  	_ = 	snop;
	(pc) =	sbr.rel .LBB2_4-.Ltmp4, $1  }
0x3c: {  	_ =	sdelay $0x3  }
.LBB2_6:
0x3d: {  	_ =	sfence.sel $0x180000  }
0x3e: {  	s2 =	simm.s32 $0x2;
	[bflag:$0x0] =	sbarrier.arrive $0xFFFF  }
0x3f: {  	s30 =	simm.s32 $0x3;
	[sflag:s2] =	ssyncpa.u1 $0x1  }
0x40: {  	s31 =	simm.s32 $0x1;
	[sflag:s30] =	ssyncpa.u1 $0x1  }
0x41: {  	[sflag:s31] =	ssyncpa.u1 $0x1  }
0x42: {  	p0 =	sne.s32 s1, $0x0;
	_ =	strace $0x90000053  }
0x43: {  	s0 =	sadd.s32 @!p0 $0x100000, s0;
	[bflag:$0x2] =	sbarrier.arrive $0xFFFF  }
0x44: {  	[sflag:s0] =	ssyncadd.tile.s32 @!p0 $0x1;
	_ =	shalt  }
.Lfunc_end2:
_tile_overlayer_lowered:
.L_overlay_start_2:
0x45: {  	(tag) =	ssettag $0x2  }
0x46: {  	s0 =	rddreg [dreg:$0x0];
	s2 =	stileid.u32  }
0x47: {  	s1 =	rddreg [dreg:$0x1];
	p0 =	sne.s32 s2, $0x0  }
0x48: {  	s3 =	rddreg [dreg:$0x2];
	[bflag:$0x3] =	sbarrier.arrive $0xFFFF;
	s2 =	simm.s32 @!p0 $0x1C01  }
0x49: {  	[timem:s3], [sflag:s2] =	dma.local @!p0 [hbm:s0], s1  }
0x4a: {  	s0 =	simm.s32 @!p0 $0x1  }
0x4b: {  	_ =	swait.ge @!p0 [sflag:s0], s1  }
0x4c: {  	s1 =	ssub.s32 @!p0 $0x0, s1;
	[sflag:s0] =	ssyncset.done @!p0 $0x0  }
0x4d: {  	[sflag:s0] =	ssyncadd.s32 @!p0 s1  }
0x4e: {  	[bflag:$0x3] =	sbarrier.arrive $0xFFFF  }
0x4f: {  	_ =	shalt  }

// kernel: gather_offload_async_start.2
scs
__scs_entry_jumppad:
0x0: {  	(pc) =	sbr.rel $0x88, $3  }
0x1: {  	(tag) =	ssettag $0x0;
	lr =	simm.s32 $0x1  }
0x2: {  	[smem:$0x3F84] =	sst lr;
	_ =	strace $0xD0000000  }
0x3: {  	_ = 	snop  }
0x4: {  	_ = 	snop  }
0x5: {  	_ = 	snop  }
0x6: {  	_ = 	snop  }
0x7: {  	_ = 	snop  }
__scs_overlays_trampoline_lowered:
0x8: {  	[smem:$0x3F93] =	sst s0  }
0x9: {  	[smem:$0x3F94] =	sst s1  }
0xa: {  	[smem:$0x3F95] =	sst s2  }
0xb: {  	[smem:$0x3F96] =	sst s3  }
0xc: {  	[smem:$0x3F97] =	sst s4  }
0xd: {  	[smem:$0x3F98] =	sst s5  }
0xe: {  	[smem:$0x3F99] =	sst s6  }
0xf: {  	[smem:$0x3F9A] =	sst s7  }
0x10: {  	[smem:$0x3F9B] =	sst s8  }
0x11: {  	[smem:$0x3F9C] =	sst s9;
	s0 =	simm.s32 @!p0 $0x0  }
0x12: {  	s1 =	sld [smem:$0x3F82];
	s0 =	simm.s32 @p0 $0x1  }
0x13: {  	[smem:$0x3F9D] =	sst s0;
	s0 =	simm.s32 @!p1 $0x0  }
0x14: {  	s2 =	sld [smem:$0x3F81];
	s0 =	simm.s32 @p1 $0x1  }
0x15: {  	[smem:$0x3F9E] =	sst s0;
	s0 =	simm.s32 @!p2 $0x0  }
0x16: {  	s3 =	sld [smem:$0x3FDB];
	s0 =	simm.s32 @p2 $0x1  }
0x17: {  	s4 =	simm.s32 $0x1BF5;
	[smem:$0x3FA0] =	sst s0  }
0x18: {  	s0 =	sld [smem:$0x3F83];
	_ =	swait.ge [sflag:s4], $0x0  }
0x19: {  	s7 =	sld [smem:$0x3F84]  }
0x1a: {  	s8 =	sadd.s32 $0xFFFFE003, lr  }
0x1b: {  	s9 =	sadd.s32 $0xFFFFFEF7, lr;
	s5 =	simm.s32 $0xFFFFFFFF;
	p2 =	slt.u32 s8, $0xFFFFF086  }
0x1c: {  	p1 =	slt.u32 s9, $0xF7A;
	s5 =	simm.s32 @!p2 $0x0  }
0x1d: {  	s5 =	simm.s32 @p1 $0x1;
	p0 =	seq.s32 s7, s2  }
0x1e: {  	s7 =	smul.u32 @!p0 $0xF7A, s2;
	p2 =	seq.s32 @!p0 s5, $0x0  }
0x1f: {  	s9 =	smul.u32 $0xF7A, s1;
	s8 =	simm.s32 @!p0 $0x1BF5;
	p2 =	por !p2, p0  }
0x20: {  	[sflag:s8] =	ssyncset.s32 @!p0 $0xFFFFF086;
	s6 =	sadd.s32 @!p0 s3, s7;
	s7 =	simm.s32 @!p0 $0x108  }
0x21: {  	s3 =	sadd.s32 s3, s9;
	s6 =	sadd.s32 @!p0 $0x88, s6;
	s7 =	simm.s32 @p2 $0x1082  }
0x22: {  	[simem:s7], [sflag:s8] =	dma.local @!p0 [hbm:s6], $0xF7A  }
0x23: {  	s9 =	sor.u32 $0xD0000000, s2;
	s6 =	simm.s32 $0x108;
	_ =	swait.ge @!p0 [sflag:s8], $0x0  }
0x24: {  	s3 =	sadd.s32 $0x88, s3;
	s6 =	simm.s32 @!p1 $0x1082;
	[sflag:s4] =	ssyncset.s32 $0xFFFFF086  }
0x25: {  	[simem:s6], [sflag:s4] =	dma.local [hbm:s3], $0xF7A  }
0x26: {  	[smem:$0x3F84] =	sst s1;
	(tag) =	ssettag s2;
	_ =	strace s9  }
0x27: {  	s1 =	sld [smem:$0x3F94]  }
0x28: {  	s2 =	sld [smem:$0x3F95]  }
0x29: {  	s4 =	sld [smem:$0x3F97]  }
0x2a: {  	p0 =	seq.s32 s5, $0x0;
	s5 =	sld [smem:$0x3F98]  }
0x2b: {  	s6 =	sld [smem:$0x3F99]  }
0x2c: {  	s7 =	sld [smem:$0x3F9A]  }
0x2d: {  	s3 =	simm.s32 $0x108;
	s8 =	sld [smem:$0x3F9B]  }
0x2e: {  	s3 =	simm.s32 @!p0 $0x1082;
	s9 =	sld [smem:$0x3F9C]  }
0x2f: {  	lr =	sadd.s32 s0, s3;
	s0 =	sld [smem:$0x3F93]  }
0x30: {  	s3 =	sld [smem:$0x3F96]  }
0x31: {  	[smem:$0x3F9F] =	sst s10  }
0x32: {  	s10 =	sld [smem:$0x3F9D];
	_ =	sdelay $0x3  }
0x33: {  	p0 =	seq.s32 s10, $0x1;
	s10 =	sld [smem:$0x3F9F];
	_ =	sdelay $0x3  }
0x34: {  	[smem:$0x3F9F] =	sst s10  }
0x35: {  	s10 =	sld [smem:$0x3F9E];
	_ =	sdelay $0x3  }
0x36: {  	p1 =	seq.s32 s10, $0x1;
	s10 =	sld [smem:$0x3F9F];
	_ =	sdelay $0x3  }
0x37: {  	[smem:$0x3F9F] =	sst s10  }
0x38: {  	s10 =	sld [smem:$0x3FA0]  }
0x39: {  	_ = 	snop;
	(pc) =	sbr.ind lr, $3  }
0x3a: {  	_ = 	snop  }
0x3b: {  	_ = 	snop  }
0x3c: {  	p2 =	seq.s32 s10, $0x1;
	s10 =	sld [smem:$0x3F9F]  }
0x3d: {  	_ =	shalt  }
0x3e: {  	_ =	shalt  }
0x3f: {  	_ =	shalt  }
0x40: {  	_ =	shalt  }
0x41: {  	_ =	shalt  }
0x42: {  	_ =	shalt  }
0x43: {  	_ =	shalt  }
0x44: {  	_ =	shalt  }
0x45: {  	_ =	shalt  }
0x46: {  	_ =	shalt  }
0x47: {  	_ =	shalt  }
0x48: {  	_ =	shalt  }
0x49: {  	_ =	shalt  }
0x4a: {  	_ =	shalt  }
0x4b: {  	_ =	shalt  }
0x4c: {  	_ =	shalt  }
0x4d: {  	_ =	shalt  }
0x4e: {  	_ =	shalt  }
0x4f: {  	_ =	shalt  }
0x50: {  	_ =	shalt  }
0x51: {  	_ =	shalt  }
0x52: {  	_ =	shalt  }
0x53: {  	_ =	shalt  }
0x54: {  	_ =	shalt  }
0x55: {  	_ =	shalt  }
0x56: {  	_ =	shalt  }
0x57: {  	_ =	shalt  }
0x58: {  	_ =	shalt  }
0x59: {  	_ =	shalt  }
0x5a: {  	_ =	shalt  }
0x5b: {  	_ =	shalt  }
0x5c: {  	_ =	shalt  }
0x5d: {  	_ =	shalt  }
0x5e: {  	_ =	shalt  }
0x5f: {  	_ =	shalt  }
0x60: {  	_ =	shalt  }
0x61: {  	_ =	shalt  }
0x62: {  	_ =	shalt  }
0x63: {  	_ =	shalt  }
0x64: {  	_ =	shalt  }
0x65: {  	_ =	shalt  }
0x66: {  	_ =	shalt  }
0x67: {  	_ =	shalt  }
0x68: {  	_ =	shalt  }
0x69: {  	_ =	shalt  }
0x6a: {  	_ =	shalt  }
0x6b: {  	_ =	shalt  }
0x6c: {  	_ =	shalt  }
0x6d: {  	_ =	shalt  }
0x6e: {  	_ =	shalt  }
0x6f: {  	_ =	shalt  }
0x70: {  	_ =	shalt  }
0x71: {  	_ =	shalt  }
0x72: {  	_ =	shalt  }
0x73: {  	_ =	shalt  }
0x74: {  	_ =	shalt  }
0x75: {  	_ =	shalt  }
0x76: {  	_ =	shalt  }
0x77: {  	_ =	shalt  }
0x78: {  	_ =	shalt  }
0x79: {  	_ =	shalt  }
0x7a: {  	_ =	shalt  }
0x7b: {  	_ =	shalt  }
0x7c: {  	_ =	shalt  }
0x7d: {  	_ =	shalt  }
0x7e: {  	_ =	shalt  }
0x7f: {  	_ =	shalt  }
0x80: {  	_ =	shalt  }
0x81: {  	_ =	shalt  }
0x82: {  	_ =	shalt  }
0x83: {  	_ =	shalt  }
0x84: {  	_ =	shalt  }
0x85: {  	_ =	shalt  }
0x86: {  	_ =	shalt  }
0x87: {  	_ =	shalt  }
.Lfunc_end0:
.L_simem_size_0:
called_computation.2_lowered:
.L_overlay_start_0:
0x88: {  	s0 =	sld [smem:$0x3FD9]  }
0x89: {  	s1 =	sld [smem:$0x3FFE];
	_ =	sdelay $0x3  }
0x8a: {  	s0 =	sadd.s32 s1, s0  }
0x8b: {  	[smem:$0x3FAB] =	sst s0  }
0x8c: {  	_ = 	snop  }
0x8d: {  	s0 =	sld [smem:$0x3FC5];
	(tm) =	ssettm $0x1  }
0x8e: {  	s16 =	sld [smem:$0x3FFB];
	_ =	sdelay $0x3  }
0x8f: {  	_ =	strace s16  }
0x90: {  	s1 =	sld [smem:$0x3FFC];
	_ =	sdelay $0x3  }
0x91: {  	_ =	strace s1  }
0x92: {  	s1 =	sld [smem:$0x3FFD];
	_ =	sdelay $0x3  }
0x93: {  	_ =	strace s1  }
0x94: {  	_ =	strace $0x8FFFFFFF  }
0x95: {  	s17 =	sld [smem:$0x3FDB];
	_ =	sdelay $0x1  }
0x96: {  	s2 =	simm.s32 $_scs_section_size  }
0x97: {  	s3 =	simm.s32 $_size__tile_overlayer_lowered;
	s4 =	simm.s32 $_tile_overlayer_lowered  }
0x98: {  	s20 =	simm.s32 $0x1BFF;
	s19 =	sshll.u32 s4, $0x1;
	s1 =	sadd.s32 s2, s17  }
0x99: {  	s5 =	simm.s32 $0x0;
	s18 =	sshll.u32 s3, $0x1;
	s3 =	sadd.s32 s19, s1  }
0x9a: {  	[timem:s5], [sflag:s20] =	dma.local [hbm:s3], s18  }
0x9b: {  	_ =	swait.ge [sflag:s20], s18  }
0x9c: {  	s2 =	ssub.s32 $0x0, s18;
	[sflag:s20] =	ssyncset.done $0x0  }
0x9d: {  	[sflag:s20] =	ssyncadd.s32 s2;
	_ =	sdelay $0x1  }
0x9e: {  	s21 =	simm.s32 $0x1B8B  }
0x9f: {  	_ =	swait.ge [sflag:s21], $0x1  }
0xa0: {  	[sflag:s21] =	ssyncset.done $0x0  }
0xa1: {  	s23 =	simm.s32 $0x1B8E;
	s22 =	sld [smem:$0x3FFE];
	[sflag:s21] =	ssyncadd.s32 $0xFFFFFFFF  }
0xa2: {  	s24 =	simm.s32 $execute0_lowered;
	[smem:$0x3FD2] =	sst s23  }
0xa3: {  	s3 =	sshll.u32 s24, $0x1;
	_ =	strace $0x80000055;
	[dreg:$0x1] =	wrdreg $0xFFFFFFFF  }
0xa4: {  	s25 =	simm.s32 $_size_execute0_lowered;
	s1 =	sadd.s32 s1, s3;
	[dreg:$0x0] =	wrdreg $0x0  }
0xa5: {  	s3 =	sshll.u32 s25, $0x1;
	[dreg:$0x2] =	wrdreg s1  }
0xa6: {  	[dreg:$0x3] =	wrdreg s3  }
0xa7: {  	[dreg:$0x4] =	wrdreg $0xC0  }
0xa8: {  	_ =	task [dreg:s5], $0x5FFFF  }
0xa9: {  	[dreg:$0x1] =	wrdreg $0xFFFFFFFF  }
0xaa: {  	[dreg:$0x0] =	wrdreg $0x60  }
0xab: {  	[dreg:$0x2] =	wrdreg s0  }
0xac: {  	[dreg:$0x3] =	wrdreg s22  }
0xad: {  	[dreg:$0x4] =	wrdreg $0x9  }
0xae: {  	_ =	task.clear_ibuf [dreg:s5], $0x5FFFF;
	_ =	strace $0x90000055  }
0xaf: {  	s26 =	simm.s32 $0x9;
	_ =	strace $0x80000057  }
0xb0: {  	_ =	swait.ge [sflag:s26], $0x1  }
0xb1: {  	[sflag:s26] =	ssyncadd.s32 $0xFFFFFFFF  }
0xb2: {  	_ =	strace $0x90000057  }
0xb3: {  	_ =	sfence  }
0xb4: {  	s28 =	sld [smem:$0x0];
	_ =	sdelay $0x1  }
0xb5: {  	s29 =	srdreg.scid  }
0xb6: {  	s30 =	sshll.u32 s29, $0xD;
	s31 =	sshrl.u32 s29, $0x2  }
0xb7: {  	s2 =	sand.u32 $0x4000, s30;
	s1 =	sand.u32 $0x1, s29;
	s0 =	sadd.s32 s31, s28  }
0xb8: {  	s1 =	sor.u32 s2, s1;
	s0 =	sshll.u32 s0, $0x11  }
0xb9: {  	s0 =	sor.u32 s0, s1  }
0xba: {  	s0 =	sadd.s32 $0x8F2B, s0  }
0xbb: {  	[sflag:s0] =	ssyncadd.remote.s32 $0x1  }
0xbc: {  	_ =	sfence.sel $0xFFFF  }
0xbd: {  	[dreg:$0x0] =	wrdreg $0xFFFFFFFF;
	(pc) =	sbr.abs _section_cstart, $3  }
0xbe: {  	[dreg:$0x1] =	wrdreg $0xFFFFFFFF  }
0xbf: {  	_ =	task.clear_ibuf [dreg:s5], $0x2FFFF;
	_ =	strace $0x9FFFFFFF  }
0xc0: {  	(tm) =	ssettm $0x7FFFFFFF  }
0xc1: {  	_ =	shalt  }
tec
execute0_lowered:
.L_overlay_start_1:
0x0: {  	(tag) =	ssettag $0x1  }
0x1: {  	s2 =	rddreg [dreg:$0x0]  }
0x2: {  	s8 =	rddreg [dreg:$0x1]  }
0x3: {  	s0 =	rddreg [dreg:$0x2]  }
0x4: {  	_ =	strace $0x80000056;
	s4 =	simm.s32 $0x1;
	s1 =	stileid.u32  }
0x5: {  	s7 =	simm.s32 $0x1;
	s9 =	simm.s32 $0x1;
	s6 =	simm.s32 $0x2  }
0x6: {  	s10 =	simm.s32 $0x3;
	s13 =	simm.s32 $0x0;
	s12 =	simm.s32 $0x0  }
.Ltmp0:
0x7: {  	s3 =	sadd.s32 $0x30E3000, s8;
	p0 =	slt.u32 s1, $0xA;
	(pc) =	sbr.rel .LBB2_1-.Ltmp0, $4  }
0x8: {  	[sflag:s4] =	ssyncpa.u1 $0x0;
	s7 =	simm.s32 @!p0 $0x0;
	p0 =	sne.s32 s1, $0x9  }
0x9: {  	s5 =	smul.u32 $0x7D0, s1;
	[sflag:s6] =	ssyncpa.u1 $0x0;
	s9 =	simm.s32 @!p0 $0x0  }
0xa: {  	s8 =	sadd.s32 $0x30E4A00, s8;
	[sflag:s10] =	ssyncpa.u1 $0x0;
	s7 =	sadd.s32 s9, s7  }
0xb: {  	vm0 =	vmmov $0xffff;
	s10 =	simm.s32 $0x0;
	s11 =	smov.u32 s5;
	s9 =	sadd.s32 $0x1, s7  }
.LBB2_4:
0xc: {  	v2 =	vnsel vm1, $0x0, v2  }
0xd: {  	vm1 =	vgt.s32 v0, $0x0;
	v2 =	vmin.u32 v2, $0x1869FF  }
0xe: {  	v0 =	vnsel vm1, $0x0, v0  }
0xf: {  	v0 =	vmin.u32 v0, $0x1869FF  }
0x10: {  	[tilespmem:s18], [sflag:$0x1] =	stream.indirect_vreg.gather [hbm4b:s2+s10], $0x1, v1, vm0, $0x4038;
	[tilespmem:$0x1F40] =	vst v63  }
0x11: {  	(ifvalue) =	ssetifvalue $0x7FFFFFFF  }
0x12: {  	[tilespmem:s15], [sflag:$0x1] =	stream.indirect_vreg.gather [hbm4b:s2+s10], $0x1, v2, vm0, $0x4038;
	[tilespmem:$0x1F40] =	vst v63  }
0x13: {  	s29 =	sadd.s32 $0x10, s15;
	(ifvalue) =	ssetifvalue $0x7FFFFFFF  }
0x14: {  	[tilespmem:s29], [sflag:$0x1] =	stream.indirect_vreg.gather [hbm4b:s2+s10], $0x1, v0, vm0, $0x4038;
	[tilespmem:$0x1F40] =	vst v63  }
0x15: {  	_ =	swait.ge [sflag:s4], $0x7D0  }
0x16: {  	s30 =	sshrl.u32 s13, $0x3;
	[sflag:s4] =	ssyncset.done $0x0  }
0x17: {  	s31 =	sand.u32 $0x7, s13;
	s15 =	sadd.s32 s8, s30;
	[sflag:s4] =	ssyncadd.s32 $0xFFFFF830  }
0x18: {  	[hbm4b:s15+s31] =	stream.linear.scatter [tilespmem:s14], [sflag:$0x3], $0x7D0, $0x38;
	[tilespmem:$0x1F40] =	vst v63  }
.LBB2_5:
0x19: {  	s15 =	sadd.s32 $0x7D00, s11  }
0x1a: {  	p1 =	sgt.s32 s15, $0xC34F  }
0x1b: {  	s15 =	smov.u32 @p1 s5;
	p1 =	sne.s32 s12, s9  }
.Ltmp1:
0x1c: {  	p0 =	slt.u32 s12, $0x2;
	(pc) =	sbr.rel @!p1 .LBB2_6-.Ltmp1, $4  }
0x1d: {  	s14 =	simm.s32 @!p0 $0x3  }
0x1e: {  	_ =	swait.ge @!p0 [sflag:s14], $0x7D0  }
0x1f: {  	s16 =	sadd.s32 $0x1, s12;
	s13 =	smov.u32 s11;
	[sflag:s14] =	ssyncset.done @!p0 $0x0  }
0x20: {  	s12 =	smov.u32 s16;
	s11 =	smov.u32 s15;
	[sflag:s14] =	ssyncadd.s32 @!p0 $0xFFFFF830  }
.LBB2_1:
0x21: {  	p0 =	sge.u32 s12, s7  }
0x22: {  	s14 =	sxor.u32 @!p0 $0x1, s12  }
0x23: {  	s14 =	smul.u32 @!p0 $0x1F40, s14  }
0x24: {  	s31 =	sadd.s32 $0xFFFFFFFF, s12;
	s15 =	sshrl.u32 @!p0 s11, $0x3  }
0x25: {  	s16 =	sand.u32 @!p0 $0x7, s11;
	s15 =	sadd.s32 @!p0 s3, s15;
	s14 =	sshra.s32 @!p0 s14, $0x2  }
0x26: {  	[tilespmem:s14], [sflag:$0x2] =	stream.linear.gather @!p0 [hbm4b:s15+s16], $0x7D0, $0x38;
	[tilespmem:$0x1F40] =	vst v63  }
0x27: {  	p0 =	sge.u32 s31, s7  }
.Ltmp2:
0x28: {  	_ = 	snop;
	(pc) =	sbr.rel @p0 .LBB2_5-.Ltmp2, $1  }
0x29: {  	_ =	sdelay $0x3  }
0x2a: {  	s14 =	sand.u32 $0x1, s12  }
0x2b: {  	_ =	swait.ge [sflag:s6], $0x7D0;
	p0 =	seq.s32 s14, $0x1;
	s14 =	simm.s32 $0x7D0  }
0x2c: {  	[sflag:s6] =	ssyncset.done $0x0;
	s14 =	simm.s32 @!p0 $0x0  }
0x2d: {  	[sflag:s6] =	ssyncadd.s32 $0xFFFFF830;
	(ifvalue) =	ssetifvalue $0x7FFFFFFF;
	v0 =	vld.msk [tilespmem:s14+$0x0 ss:$0x1], $0xffff;
	_ =	sdelay $0x4  }
0x2e: {  	s15 =	sadd.s32 $0x10, s14;
	vm1 =	vgt.s32 v0, $0x0  }
0x2f: {  	v2 =	vld.msk [tilespmem:s15+$0x0 ss:$0x1], $0xffff;
	v1 =	vnsel vm1, $0x0, v0  }
0x30: {  	v1 =	vmin.u32 v1, $0x1869FF;
	_ =	sdelay $0x2  }
0x31: {  	s17 =	simm.s32 $0x20;
	s14 =	sadd.s32 $0xFA0, s14;
	s16 =	sadd.s32 $0x10, s15  }
0x32: {  	s15 =	sadd.s32 $0x10, s14;
	s18 =	smov.u32 s14;
	v0 =	vld.msk [tilespmem:s16+$0x0 ss:$0x1], $0xffff;
	vm1 =	vgt.s32 v2, $0x0;
	(ifvalue) =	ssetifvalue $0x7FFFFFFF  }
.LBB2_3:
0x33: {  	[tilespmem:s18], [sflag:$0x1] =	stream.indirect_vreg.gather [hbm4b:s2+s10], $0x1, v1, vm0, $0x4038;
	[tilespmem:$0x1F40] =	vst v63  }
0x34: {  	s17 =	sadd.s32 $0x10, s17  }
0x35: {  	v2 =	vnsel vm1, $0x0, v2;
	p0 =	slt.u32 s17, $0x7C0  }
.Ltmp3:
0x36: {  	s18 =	smov.u32 s15;
	v1 =	vmin.u32 v2, $0x1869FF;
	(pc) =	sbr.rel @p0 .LBB2_3-.Ltmp3, $3  }
0x37: {  	_ =	sdelay $0x1  }
0x38: {  	s16 =	sadd.s32 $0x10, s16  }
0x39: {  	vm1 =	vgt.s32 v0, $0x0;
	s15 =	sadd.s32 $0x10, s15;
	v2 =	vmov v0;
	(ifvalue) =	ssetifvalue $0x7FFFFFFF;
	v0 =	vld.msk [tilespmem:s16+$0x0 ss:$0x1], $0xffff  }
.Ltmp4:
0x3a: {  	_ = 	snop;
	(pc) =	sbr.rel .LBB2_4-.Ltmp4, $1  }
0x3b: {  	_ =	sdelay $0x3  }
.LBB2_6:
0x3c: {  	_ =	sfence.sel $0x180000  }
0x3d: {  	s2 =	simm.s32 $0x2;
	[bflag:$0x0] =	sbarrier.arrive $0xFFFF  }
0x3e: {  	s30 =	simm.s32 $0x3;
	[sflag:s2] =	ssyncpa.u1 $0x1  }
0x3f: {  	s31 =	simm.s32 $0x1;
	[sflag:s30] =	ssyncpa.u1 $0x1  }
0x40: {  	[sflag:s31] =	ssyncpa.u1 $0x1  }
0x41: {  	p0 =	sne.s32 s1, $0x0;
	_ =	strace $0x90000056  }
0x42: {  	s0 =	sadd.s32 @!p0 $0x100000, s0;
	[bflag:$0x2] =	sbarrier.arrive $0xFFFF  }
0x43: {  	[sflag:s0] =	ssyncadd.tile.s32 @!p0 $0x1;
	_ =	shalt  }
.Lfunc_end2:
_tile_overlayer_lowered:
.L_overlay_start_2:
0x44: {  	(tag) =	ssettag $0x2  }
0x45: {  	s0 =	rddreg [dreg:$0x0];
	s2 =	stileid.u32  }
0x46: {  	s1 =	rddreg [dreg:$0x1];
	p0 =	sne.s32 s2, $0x0  }
0x47: {  	s3 =	rddreg [dreg:$0x2];
	[bflag:$0x3] =	sbarrier.arrive $0xFFFF;
	s2 =	simm.s32 @!p0 $0x1C01  }
0x48: {  	[timem:s3], [sflag:s2] =	dma.local @!p0 [hbm:s0], s1  }
0x49: {  	s0 =	simm.s32 @!p0 $0x1  }
0x4a: {  	_ =	swait.ge @!p0 [sflag:s0], s1  }
0x4b: {  	s1 =	ssub.s32 @!p0 $0x0, s1;
	[sflag:s0] =	ssyncset.done @!p0 $0x0  }
0x4c: {  	[sflag:s0] =	ssyncadd.s32 @!p0 s1  }
0x4d: {  	[bflag:$0x3] =	sbarrier.arrive $0xFFFF  }
0x4e: {  	_ =	shalt  }

// kernel: gather_offload_async_start.3
scs
__scs_entry_jumppad:
0x0: {  	(pc) =	sbr.rel $0x88, $3  }
0x1: {  	(tag) =	ssettag $0x0;
	lr =	simm.s32 $0x1  }
0x2: {  	[smem:$0x3F84] =	sst lr;
	_ =	strace $0xD0000000  }
0x3: {  	_ = 	snop  }
0x4: {  	_ = 	snop  }
0x5: {  	_ = 	snop  }
0x6: {  	_ = 	snop  }
0x7: {  	_ = 	snop  }
__scs_overlays_trampoline_lowered:
0x8: {  	[smem:$0x3F93] =	sst s0  }
0x9: {  	[smem:$0x3F94] =	sst s1  }
0xa: {  	[smem:$0x3F95] =	sst s2  }
0xb: {  	[smem:$0x3F96] =	sst s3  }
0xc: {  	[smem:$0x3F97] =	sst s4  }
0xd: {  	[smem:$0x3F98] =	sst s5  }
0xe: {  	[smem:$0x3F99] =	sst s6  }
0xf: {  	[smem:$0x3F9A] =	sst s7  }
0x10: {  	[smem:$0x3F9B] =	sst s8  }
0x11: {  	[smem:$0x3F9C] =	sst s9;
	s0 =	simm.s32 @!p0 $0x0  }
0x12: {  	s1 =	sld [smem:$0x3F82];
	s0 =	simm.s32 @p0 $0x1  }
0x13: {  	[smem:$0x3F9D] =	sst s0;
	s0 =	simm.s32 @!p1 $0x0  }
0x14: {  	s2 =	sld [smem:$0x3F81];
	s0 =	simm.s32 @p1 $0x1  }
0x15: {  	[smem:$0x3F9E] =	sst s0;
	s0 =	simm.s32 @!p2 $0x0  }
0x16: {  	s3 =	sld [smem:$0x3FDB];
	s0 =	simm.s32 @p2 $0x1  }
0x17: {  	s4 =	simm.s32 $0x1BF5;
	[smem:$0x3FA0] =	sst s0  }
0x18: {  	s0 =	sld [smem:$0x3F83];
	_ =	swait.ge [sflag:s4], $0x0  }
0x19: {  	s7 =	sld [smem:$0x3F84]  }
0x1a: {  	s8 =	sadd.s32 $0xFFFFE003, lr  }
0x1b: {  	s9 =	sadd.s32 $0xFFFFFEF7, lr;
	s5 =	simm.s32 $0xFFFFFFFF;
	p2 =	slt.u32 s8, $0xFFFFF086  }
0x1c: {  	p1 =	slt.u32 s9, $0xF7A;
	s5 =	simm.s32 @!p2 $0x0  }
0x1d: {  	s5 =	simm.s32 @p1 $0x1;
	p0 =	seq.s32 s7, s2  }
0x1e: {  	s7 =	smul.u32 @!p0 $0xF7A, s2;
	p2 =	seq.s32 @!p0 s5, $0x0  }
0x1f: {  	s9 =	smul.u32 $0xF7A, s1;
	s8 =	simm.s32 @!p0 $0x1BF5;
	p2 =	por !p2, p0  }
0x20: {  	[sflag:s8] =	ssyncset.s32 @!p0 $0xFFFFF086;
	s6 =	sadd.s32 @!p0 s3, s7;
	s7 =	simm.s32 @!p0 $0x108  }
0x21: {  	s3 =	sadd.s32 s3, s9;
	s6 =	sadd.s32 @!p0 $0x88, s6;
	s7 =	simm.s32 @p2 $0x1082  }
0x22: {  	[simem:s7], [sflag:s8] =	dma.local @!p0 [hbm:s6], $0xF7A  }
0x23: {  	s9 =	sor.u32 $0xD0000000, s2;
	s6 =	simm.s32 $0x108;
	_ =	swait.ge @!p0 [sflag:s8], $0x0  }
0x24: {  	s3 =	sadd.s32 $0x88, s3;
	s6 =	simm.s32 @!p1 $0x1082;
	[sflag:s4] =	ssyncset.s32 $0xFFFFF086  }
0x25: {  	[simem:s6], [sflag:s4] =	dma.local [hbm:s3], $0xF7A  }
0x26: {  	[smem:$0x3F84] =	sst s1;
	(tag) =	ssettag s2;
	_ =	strace s9  }
0x27: {  	s1 =	sld [smem:$0x3F94]  }
0x28: {  	s2 =	sld [smem:$0x3F95]  }
0x29: {  	s4 =	sld [smem:$0x3F97]  }
0x2a: {  	p0 =	seq.s32 s5, $0x0;
	s5 =	sld [smem:$0x3F98]  }
0x2b: {  	s6 =	sld [smem:$0x3F99]  }
0x2c: {  	s7 =	sld [smem:$0x3F9A]  }
0x2d: {  	s3 =	simm.s32 $0x108;
	s8 =	sld [smem:$0x3F9B]  }
0x2e: {  	s3 =	simm.s32 @!p0 $0x1082;
	s9 =	sld [smem:$0x3F9C]  }
0x2f: {  	lr =	sadd.s32 s0, s3;
	s0 =	sld [smem:$0x3F93]  }
0x30: {  	s3 =	sld [smem:$0x3F96]  }
0x31: {  	[smem:$0x3F9F] =	sst s10  }
0x32: {  	s10 =	sld [smem:$0x3F9D];
	_ =	sdelay $0x3  }
0x33: {  	p0 =	seq.s32 s10, $0x1;
	s10 =	sld [smem:$0x3F9F];
	_ =	sdelay $0x3  }
0x34: {  	[smem:$0x3F9F] =	sst s10  }
0x35: {  	s10 =	sld [smem:$0x3F9E];
	_ =	sdelay $0x3  }
0x36: {  	p1 =	seq.s32 s10, $0x1;
	s10 =	sld [smem:$0x3F9F];
	_ =	sdelay $0x3  }
0x37: {  	[smem:$0x3F9F] =	sst s10  }
0x38: {  	s10 =	sld [smem:$0x3FA0]  }
0x39: {  	_ = 	snop;
	(pc) =	sbr.ind lr, $3  }
0x3a: {  	_ = 	snop  }
0x3b: {  	_ = 	snop  }
0x3c: {  	p2 =	seq.s32 s10, $0x1;
	s10 =	sld [smem:$0x3F9F]  }
0x3d: {  	_ =	shalt  }
0x3e: {  	_ =	shalt  }
0x3f: {  	_ =	shalt  }
0x40: {  	_ =	shalt  }
0x41: {  	_ =	shalt  }
0x42: {  	_ =	shalt  }
0x43: {  	_ =	shalt  }
0x44: {  	_ =	shalt  }
0x45: {  	_ =	shalt  }
0x46: {  	_ =	shalt  }
0x47: {  	_ =	shalt  }
0x48: {  	_ =	shalt  }
0x49: {  	_ =	shalt  }
0x4a: {  	_ =	shalt  }
0x4b: {  	_ =	shalt  }
0x4c: {  	_ =	shalt  }
0x4d: {  	_ =	shalt  }
0x4e: {  	_ =	shalt  }
0x4f: {  	_ =	shalt  }
0x50: {  	_ =	shalt  }
0x51: {  	_ =	shalt  }
0x52: {  	_ =	shalt  }
0x53: {  	_ =	shalt  }
0x54: {  	_ =	shalt  }
0x55: {  	_ =	shalt  }
0x56: {  	_ =	shalt  }
0x57: {  	_ =	shalt  }
0x58: {  	_ =	shalt  }
0x59: {  	_ =	shalt  }
0x5a: {  	_ =	shalt  }
0x5b: {  	_ =	shalt  }
0x5c: {  	_ =	shalt  }
0x5d: {  	_ =	shalt  }
0x5e: {  	_ =	shalt  }
0x5f: {  	_ =	shalt  }
0x60: {  	_ =	shalt  }
0x61: {  	_ =	shalt  }
0x62: {  	_ =	shalt  }
0x63: {  	_ =	shalt  }
0x64: {  	_ =	shalt  }
0x65: {  	_ =	shalt  }
0x66: {  	_ =	shalt  }
0x67: {  	_ =	shalt  }
0x68: {  	_ =	shalt  }
0x69: {  	_ =	shalt  }
0x6a: {  	_ =	shalt  }
0x6b: {  	_ =	shalt  }
0x6c: {  	_ =	shalt  }
0x6d: {  	_ =	shalt  }
0x6e: {  	_ =	shalt  }
0x6f: {  	_ =	shalt  }
0x70: {  	_ =	shalt  }
0x71: {  	_ =	shalt  }
0x72: {  	_ =	shalt  }
0x73: {  	_ =	shalt  }
0x74: {  	_ =	shalt  }
0x75: {  	_ =	shalt  }
0x76: {  	_ =	shalt  }
0x77: {  	_ =	shalt  }
0x78: {  	_ =	shalt  }
0x79: {  	_ =	shalt  }
0x7a: {  	_ =	shalt  }
0x7b: {  	_ =	shalt  }
0x7c: {  	_ =	shalt  }
0x7d: {  	_ =	shalt  }
0x7e: {  	_ =	shalt  }
0x7f: {  	_ =	shalt  }
0x80: {  	_ =	shalt  }
0x81: {  	_ =	shalt  }
0x82: {  	_ =	shalt  }
0x83: {  	_ =	shalt  }
0x84: {  	_ =	shalt  }
0x85: {  	_ =	shalt  }
0x86: {  	_ =	shalt  }
0x87: {  	_ =	shalt  }
.Lfunc_end0:
.L_simem_size_0:
called_computation.3_lowered:
.L_overlay_start_0:
0x88: {  	s0 =	sld [smem:$0x3FD9]  }
0x89: {  	s1 =	sld [smem:$0x3FFE];
	_ =	sdelay $0x3  }
0x8a: {  	s0 =	sadd.s32 s1, s0  }
0x8b: {  	[smem:$0x3FAB] =	sst s0  }
0x8c: {  	_ = 	snop  }
0x8d: {  	s0 =	sld [smem:$0x3FC5];
	(tm) =	ssettm $0x1  }
0x8e: {  	s16 =	sld [smem:$0x3FFB];
	_ =	sdelay $0x3  }
0x8f: {  	_ =	strace s16  }
0x90: {  	s1 =	sld [smem:$0x3FFC];
	_ =	sdelay $0x3  }
0x91: {  	_ =	strace s1  }
0x92: {  	s1 =	sld [smem:$0x3FFD];
	_ =	sdelay $0x3  }
0x93: {  	_ =	strace s1  }
0x94: {  	_ =	strace $0x8FFFFFFF  }
0x95: {  	s17 =	sld [smem:$0x3FDB];
	_ =	sdelay $0x1  }
0x96: {  	s2 =	simm.s32 $_scs_section_size  }
0x97: {  	s3 =	simm.s32 $_size__tile_overlayer_lowered;
	s4 =	simm.s32 $_tile_overlayer_lowered  }
0x98: {  	s20 =	simm.s32 $0x1BFF;
	s19 =	sshll.u32 s4, $0x1;
	s1 =	sadd.s32 s2, s17  }
0x99: {  	s5 =	simm.s32 $0x0;
	s18 =	sshll.u32 s3, $0x1;
	s3 =	sadd.s32 s19, s1  }
0x9a: {  	[timem:s5], [sflag:s20] =	dma.local [hbm:s3], s18  }
0x9b: {  	_ =	swait.ge [sflag:s20], s18  }
0x9c: {  	s2 =	ssub.s32 $0x0, s18;
	[sflag:s20] =	ssyncset.done $0x0  }
0x9d: {  	[sflag:s20] =	ssyncadd.s32 s2;
	_ =	sdelay $0x1  }
0x9e: {  	s21 =	simm.s32 $0x1B8B  }
0x9f: {  	_ =	swait.ge [sflag:s21], $0x1  }
0xa0: {  	[sflag:s21] =	ssyncset.done $0x0  }
0xa1: {  	s23 =	simm.s32 $0x1B8E;
	s22 =	sld [smem:$0x3FFE];
	[sflag:s21] =	ssyncadd.s32 $0xFFFFFFFF  }
0xa2: {  	s24 =	simm.s32 $execute0_lowered;
	[smem:$0x3FD2] =	sst s23  }
0xa3: {  	s3 =	sshll.u32 s24, $0x1;
	_ =	strace $0x80000058;
	[dreg:$0x1] =	wrdreg $0xFFFFFFFF  }
0xa4: {  	s25 =	simm.s32 $_size_execute0_lowered;
	s1 =	sadd.s32 s1, s3;
	[dreg:$0x0] =	wrdreg $0x0  }
0xa5: {  	s3 =	sshll.u32 s25, $0x1;
	[dreg:$0x2] =	wrdreg s1  }
0xa6: {  	[dreg:$0x3] =	wrdreg s3  }
0xa7: {  	[dreg:$0x4] =	wrdreg $0xC0  }
0xa8: {  	_ =	task [dreg:s5], $0x5FFFF  }
0xa9: {  	[dreg:$0x1] =	wrdreg $0xFFFFFFFF  }
0xaa: {  	[dreg:$0x0] =	wrdreg $0x60  }
0xab: {  	[dreg:$0x2] =	wrdreg s0  }
0xac: {  	[dreg:$0x3] =	wrdreg s22  }
0xad: {  	[dreg:$0x4] =	wrdreg $0x9  }
0xae: {  	_ =	task.clear_ibuf [dreg:s5], $0x5FFFF;
	_ =	strace $0x90000058  }
0xaf: {  	s26 =	simm.s32 $0x9;
	_ =	strace $0x8000005A  }
0xb0: {  	_ =	swait.ge [sflag:s26], $0x1  }
0xb1: {  	[sflag:s26] =	ssyncadd.s32 $0xFFFFFFFF  }
0xb2: {  	_ =	strace $0x9000005A  }
0xb3: {  	_ =	sfence  }
0xb4: {  	s28 =	sld [smem:$0x0];
	_ =	sdelay $0x1  }
0xb5: {  	s29 =	srdreg.scid  }
0xb6: {  	s30 =	sshll.u32 s29, $0xD;
	s31 =	sshrl.u32 s29, $0x2  }
0xb7: {  	s2 =	sand.u32 $0x4000, s30;
	s1 =	sand.u32 $0x1, s29;
	s0 =	sadd.s32 s31, s28  }
0xb8: {  	s1 =	sor.u32 s2, s1;
	s0 =	sshll.u32 s0, $0x11  }
0xb9: {  	s0 =	sor.u32 s0, s1  }
0xba: {  	s0 =	sadd.s32 $0x8F2B, s0  }
0xbb: {  	[sflag:s0] =	ssyncadd.remote.s32 $0x1  }
0xbc: {  	_ =	sfence.sel $0xFFFF  }
0xbd: {  	[dreg:$0x0] =	wrdreg $0xFFFFFFFF;
	(pc) =	sbr.abs _section_cstart, $3  }
0xbe: {  	[dreg:$0x1] =	wrdreg $0xFFFFFFFF  }
0xbf: {  	_ =	task.clear_ibuf [dreg:s5], $0x2FFFF;
	_ =	strace $0x9FFFFFFF  }
0xc0: {  	(tm) =	ssettm $0x7FFFFFFF  }
0xc1: {  	_ =	shalt  }
tec
execute0_lowered:
.L_overlay_start_1:
0x0: {  	(tag) =	ssettag $0x1  }
0x1: {  	s2 =	rddreg [dreg:$0x0]  }
0x2: {  	s8 =	rddreg [dreg:$0x1]  }
0x3: {  	s0 =	rddreg [dreg:$0x2]  }
0x4: {  	_ =	strace $0x80000059;
	s4 =	simm.s32 $0x1;
	s1 =	stileid.u32  }
0x5: {  	s7 =	simm.s32 $0x1;
	s9 =	simm.s32 $0x1;
	s6 =	simm.s32 $0x2  }
0x6: {  	s10 =	simm.s32 $0x3;
	s13 =	simm.s32 $0x0;
	s12 =	simm.s32 $0x0  }
.Ltmp0:
0x7: {  	s3 =	sadd.s32 $0x1876C00, s8;
	p0 =	slt.u32 s1, $0xA;
	(pc) =	sbr.rel .LBB2_1-.Ltmp0, $4  }
0x8: {  	[sflag:s4] =	ssyncpa.u1 $0x0;
	s7 =	simm.s32 @!p0 $0x0;
	p0 =	sne.s32 s1, $0x9  }
0x9: {  	s5 =	smul.u32 $0x7D0, s1;
	[sflag:s6] =	ssyncpa.u1 $0x0;
	s9 =	simm.s32 @!p0 $0x0  }
0xa: {  	s8 =	sadd.s32 $0x30E3000, s8;
	[sflag:s10] =	ssyncpa.u1 $0x0;
	s7 =	sadd.s32 s9, s7  }
0xb: {  	vm0 =	vmmov $0xffff;
	s10 =	simm.s32 $0x0;
	s11 =	smov.u32 s5;
	s9 =	sadd.s32 $0x1, s7  }
.LBB2_4:
0xc: {  	v2 =	vnsel vm1, $0x0, v2  }
0xd: {  	vm1 =	vgt.s32 v0, $0x0;
	v2 =	vmin.u32 v2, $0x1869FF  }
0xe: {  	v0 =	vnsel vm1, $0x0, v0  }
0xf: {  	v0 =	vmin.u32 v0, $0x1869FF  }
0x10: {  	[tilespmem:s18], [sflag:$0x1] =	stream.indirect_vreg.gather [hbm4b:s2+s10], $0x1, v1, vm0, $0x4038;
	[tilespmem:$0x1F40] =	vst v63  }
0x11: {  	(ifvalue) =	ssetifvalue $0x7FFFFFFF  }
0x12: {  	[tilespmem:s15], [sflag:$0x1] =	stream.indirect_vreg.gather [hbm4b:s2+s10], $0x1, v2, vm0, $0x4038;
	[tilespmem:$0x1F40] =	vst v63  }
0x13: {  	s29 =	sadd.s32 $0x10, s15;
	(ifvalue) =	ssetifvalue $0x7FFFFFFF  }
0x14: {  	[tilespmem:s29], [sflag:$0x1] =	stream.indirect_vreg.gather [hbm4b:s2+s10], $0x1, v0, vm0, $0x4038;
	[tilespmem:$0x1F40] =	vst v63  }
0x15: {  	_ =	swait.ge [sflag:s4], $0x7D0  }
0x16: {  	s30 =	sshrl.u32 s13, $0x3;
	[sflag:s4] =	ssyncset.done $0x0  }
0x17: {  	s31 =	sand.u32 $0x7, s13;
	s15 =	sadd.s32 s8, s30;
	[sflag:s4] =	ssyncadd.s32 $0xFFFFF830  }
0x18: {  	[hbm4b:s15+s31] =	stream.linear.scatter [tilespmem:s14], [sflag:$0x3], $0x7D0, $0x38;
	[tilespmem:$0x1F40] =	vst v63  }
.LBB2_5:
0x19: {  	s15 =	sadd.s32 $0x7D00, s11  }
0x1a: {  	p1 =	sgt.s32 s15, $0xC34F  }
0x1b: {  	s15 =	smov.u32 @p1 s5;
	p1 =	sne.s32 s12, s9  }
.Ltmp1:
0x1c: {  	p0 =	slt.u32 s12, $0x2;
	(pc) =	sbr.rel @!p1 .LBB2_6-.Ltmp1, $4  }
0x1d: {  	s14 =	simm.s32 @!p0 $0x3  }
0x1e: {  	_ =	swait.ge @!p0 [sflag:s14], $0x7D0  }
0x1f: {  	s16 =	sadd.s32 $0x1, s12;
	s13 =	smov.u32 s11;
	[sflag:s14] =	ssyncset.done @!p0 $0x0  }
0x20: {  	s12 =	smov.u32 s16;
	s11 =	smov.u32 s15;
	[sflag:s14] =	ssyncadd.s32 @!p0 $0xFFFFF830  }
.LBB2_1:
0x21: {  	p0 =	sge.u32 s12, s7  }
0x22: {  	s14 =	sxor.u32 @!p0 $0x1, s12  }
0x23: {  	s14 =	smul.u32 @!p0 $0x1F40, s14  }
0x24: {  	s31 =	sadd.s32 $0xFFFFFFFF, s12;
	s15 =	sshrl.u32 @!p0 s11, $0x3  }
0x25: {  	s16 =	sand.u32 @!p0 $0x7, s11;
	s15 =	sadd.s32 @!p0 s3, s15;
	s14 =	sshra.s32 @!p0 s14, $0x2  }
0x26: {  	[tilespmem:s14], [sflag:$0x2] =	stream.linear.gather @!p0 [hbm4b:s15+s16], $0x7D0, $0x38;
	[tilespmem:$0x1F40] =	vst v63  }
0x27: {  	p0 =	sge.u32 s31, s7  }
.Ltmp2:
0x28: {  	_ = 	snop;
	(pc) =	sbr.rel @p0 .LBB2_5-.Ltmp2, $1  }
0x29: {  	_ =	sdelay $0x3  }
0x2a: {  	s14 =	sand.u32 $0x1, s12  }
0x2b: {  	_ =	swait.ge [sflag:s6], $0x7D0;
	p0 =	seq.s32 s14, $0x1;
	s14 =	simm.s32 $0x7D0  }
0x2c: {  	[sflag:s6] =	ssyncset.done $0x0;
	s14 =	simm.s32 @!p0 $0x0  }
0x2d: {  	[sflag:s6] =	ssyncadd.s32 $0xFFFFF830;
	(ifvalue) =	ssetifvalue $0x7FFFFFFF;
	v0 =	vld.msk [tilespmem:s14+$0x0 ss:$0x1], $0xffff;
	_ =	sdelay $0x4  }
0x2e: {  	s15 =	sadd.s32 $0x10, s14;
	vm1 =	vgt.s32 v0, $0x0  }
0x2f: {  	v2 =	vld.msk [tilespmem:s15+$0x0 ss:$0x1], $0xffff;
	v1 =	vnsel vm1, $0x0, v0  }
0x30: {  	v1 =	vmin.u32 v1, $0x1869FF;
	_ =	sdelay $0x2  }
0x31: {  	s17 =	simm.s32 $0x20;
	s14 =	sadd.s32 $0xFA0, s14;
	s16 =	sadd.s32 $0x10, s15  }
0x32: {  	s15 =	sadd.s32 $0x10, s14;
	s18 =	smov.u32 s14;
	v0 =	vld.msk [tilespmem:s16+$0x0 ss:$0x1], $0xffff;
	vm1 =	vgt.s32 v2, $0x0;
	(ifvalue) =	ssetifvalue $0x7FFFFFFF  }
.LBB2_3:
0x33: {  	[tilespmem:s18], [sflag:$0x1] =	stream.indirect_vreg.gather [hbm4b:s2+s10], $0x1, v1, vm0, $0x4038;
	[tilespmem:$0x1F40] =	vst v63  }
0x34: {  	s17 =	sadd.s32 $0x10, s17  }
0x35: {  	v2 =	vnsel vm1, $0x0, v2;
	p0 =	slt.u32 s17, $0x7C0  }
.Ltmp3:
0x36: {  	s18 =	smov.u32 s15;
	v1 =	vmin.u32 v2, $0x1869FF;
	(pc) =	sbr.rel @p0 .LBB2_3-.Ltmp3, $3  }
0x37: {  	_ =	sdelay $0x1  }
0x38: {  	s16 =	sadd.s32 $0x10, s16  }
0x39: {  	vm1 =	vgt.s32 v0, $0x0;
	s15 =	sadd.s32 $0x10, s15;
	v2 =	vmov v0;
	(ifvalue) =	ssetifvalue $0x7FFFFFFF;
	v0 =	vld.msk [tilespmem:s16+$0x0 ss:$0x1], $0xffff  }
.Ltmp4:
0x3a: {  	_ = 	snop;
	(pc) =	sbr.rel .LBB2_4-.Ltmp4, $1  }
0x3b: {  	_ =	sdelay $0x3  }
.LBB2_6:
0x3c: {  	_ =	sfence.sel $0x180000  }
0x3d: {  	s2 =	simm.s32 $0x2;
	[bflag:$0x0] =	sbarrier.arrive $0xFFFF  }
0x3e: {  	s30 =	simm.s32 $0x3;
	[sflag:s2] =	ssyncpa.u1 $0x1  }
0x3f: {  	s31 =	simm.s32 $0x1;
	[sflag:s30] =	ssyncpa.u1 $0x1  }
0x40: {  	[sflag:s31] =	ssyncpa.u1 $0x1  }
0x41: {  	p0 =	sne.s32 s1, $0x0;
	_ =	strace $0x90000059  }
0x42: {  	s0 =	sadd.s32 @!p0 $0x100000, s0;
	[bflag:$0x2] =	sbarrier.arrive $0xFFFF  }
0x43: {  	[sflag:s0] =	ssyncadd.tile.s32 @!p0 $0x1;
	_ =	shalt  }
.Lfunc_end2:
_tile_overlayer_lowered:
.L_overlay_start_2:
0x44: {  	(tag) =	ssettag $0x2  }
0x45: {  	s0 =	rddreg [dreg:$0x0];
	s2 =	stileid.u32  }
0x46: {  	s1 =	rddreg [dreg:$0x1];
	p0 =	sne.s32 s2, $0x0  }
0x47: {  	s3 =	rddreg [dreg:$0x2];
	[bflag:$0x3] =	sbarrier.arrive $0xFFFF;
	s2 =	simm.s32 @!p0 $0x1C01  }
0x48: {  	[timem:s3], [sflag:s2] =	dma.local @!p0 [hbm:s0], s1  }
0x49: {  	s0 =	simm.s32 @!p0 $0x1  }
0x4a: {  	_ =	swait.ge @!p0 [sflag:s0], s1  }
0x4b: {  	s1 =	ssub.s32 @!p0 $0x0, s1;
	[sflag:s0] =	ssyncset.done @!p0 $0x0  }
0x4c: {  	[sflag:s0] =	ssyncadd.s32 @!p0 s1  }
0x4d: {  	[bflag:$0x3] =	sbarrier.arrive $0xFFFF  }
0x4e: {  	_ =	shalt  }

// kernel: gather_offload_async_start.4
scs
__scs_entry_jumppad:
0x0: {  	(pc) =	sbr.rel $0x88, $3  }
0x1: {  	(tag) =	ssettag $0x0;
	lr =	simm.s32 $0x1  }
0x2: {  	[smem:$0x3F84] =	sst lr;
	_ =	strace $0xD0000000  }
0x3: {  	_ = 	snop  }
0x4: {  	_ = 	snop  }
0x5: {  	_ = 	snop  }
0x6: {  	_ = 	snop  }
0x7: {  	_ = 	snop  }
__scs_overlays_trampoline_lowered:
0x8: {  	[smem:$0x3F93] =	sst s0  }
0x9: {  	[smem:$0x3F94] =	sst s1  }
0xa: {  	[smem:$0x3F95] =	sst s2  }
0xb: {  	[smem:$0x3F96] =	sst s3  }
0xc: {  	[smem:$0x3F97] =	sst s4  }
0xd: {  	[smem:$0x3F98] =	sst s5  }
0xe: {  	[smem:$0x3F99] =	sst s6  }
0xf: {  	[smem:$0x3F9A] =	sst s7  }
0x10: {  	[smem:$0x3F9B] =	sst s8  }
0x11: {  	[smem:$0x3F9C] =	sst s9;
	s0 =	simm.s32 @!p0 $0x0  }
0x12: {  	s1 =	sld [smem:$0x3F82];
	s0 =	simm.s32 @p0 $0x1  }
0x13: {  	[smem:$0x3F9D] =	sst s0;
	s0 =	simm.s32 @!p1 $0x0  }
0x14: {  	s2 =	sld [smem:$0x3F81];
	s0 =	simm.s32 @p1 $0x1  }
0x15: {  	[smem:$0x3F9E] =	sst s0;
	s0 =	simm.s32 @!p2 $0x0  }
0x16: {  	s3 =	sld [smem:$0x3FDB];
	s0 =	simm.s32 @p2 $0x1  }
0x17: {  	s4 =	simm.s32 $0x1BF5;
	[smem:$0x3FA0] =	sst s0  }
0x18: {  	s0 =	sld [smem:$0x3F83];
	_ =	swait.ge [sflag:s4], $0x0  }
0x19: {  	s7 =	sld [smem:$0x3F84]  }
0x1a: {  	s8 =	sadd.s32 $0xFFFFE003, lr  }
0x1b: {  	s9 =	sadd.s32 $0xFFFFFEF7, lr;
	s5 =	simm.s32 $0xFFFFFFFF;
	p2 =	slt.u32 s8, $0xFFFFF086  }
0x1c: {  	p1 =	slt.u32 s9, $0xF7A;
	s5 =	simm.s32 @!p2 $0x0  }
0x1d: {  	s5 =	simm.s32 @p1 $0x1;
	p0 =	seq.s32 s7, s2  }
0x1e: {  	s7 =	smul.u32 @!p0 $0xF7A, s2;
	p2 =	seq.s32 @!p0 s5, $0x0  }
0x1f: {  	s9 =	smul.u32 $0xF7A, s1;
	s8 =	simm.s32 @!p0 $0x1BF5;
	p2 =	por !p2, p0  }
0x20: {  	[sflag:s8] =	ssyncset.s32 @!p0 $0xFFFFF086;
	s6 =	sadd.s32 @!p0 s3, s7;
	s7 =	simm.s32 @!p0 $0x108  }
0x21: {  	s3 =	sadd.s32 s3, s9;
	s6 =	sadd.s32 @!p0 $0x88, s6;
	s7 =	simm.s32 @p2 $0x1082  }
0x22: {  	[simem:s7], [sflag:s8] =	dma.local @!p0 [hbm:s6], $0xF7A  }
0x23: {  	s9 =	sor.u32 $0xD0000000, s2;
	s6 =	simm.s32 $0x108;
	_ =	swait.ge @!p0 [sflag:s8], $0x0  }
0x24: {  	s3 =	sadd.s32 $0x88, s3;
	s6 =	simm.s32 @!p1 $0x1082;
	[sflag:s4] =	ssyncset.s32 $0xFFFFF086  }
0x25: {  	[simem:s6], [sflag:s4] =	dma.local [hbm:s3], $0xF7A  }
0x26: {  	[smem:$0x3F84] =	sst s1;
	(tag) =	ssettag s2;
	_ =	strace s9  }
0x27: {  	s1 =	sld [smem:$0x3F94]  }
0x28: {  	s2 =	sld [smem:$0x3F95]  }
0x29: {  	s4 =	sld [smem:$0x3F97]  }
0x2a: {  	p0 =	seq.s32 s5, $0x0;
	s5 =	sld [smem:$0x3F98]  }
0x2b: {  	s6 =	sld [smem:$0x3F99]  }
0x2c: {  	s7 =	sld [smem:$0x3F9A]  }
0x2d: {  	s3 =	simm.s32 $0x108;
	s8 =	sld [smem:$0x3F9B]  }
0x2e: {  	s3 =	simm.s32 @!p0 $0x1082;
	s9 =	sld [smem:$0x3F9C]  }
0x2f: {  	lr =	sadd.s32 s0, s3;
	s0 =	sld [smem:$0x3F93]  }
0x30: {  	s3 =	sld [smem:$0x3F96]  }
0x31: {  	[smem:$0x3F9F] =	sst s10  }
0x32: {  	s10 =	sld [smem:$0x3F9D];
	_ =	sdelay $0x3  }
0x33: {  	p0 =	seq.s32 s10, $0x1;
	s10 =	sld [smem:$0x3F9F];
	_ =	sdelay $0x3  }
0x34: {  	[smem:$0x3F9F] =	sst s10  }
0x35: {  	s10 =	sld [smem:$0x3F9E];
	_ =	sdelay $0x3  }
0x36: {  	p1 =	seq.s32 s10, $0x1;
	s10 =	sld [smem:$0x3F9F];
	_ =	sdelay $0x3  }
0x37: {  	[smem:$0x3F9F] =	sst s10  }
0x38: {  	s10 =	sld [smem:$0x3FA0]  }
0x39: {  	_ = 	snop;
	(pc) =	sbr.ind lr, $3  }
0x3a: {  	_ = 	snop  }
0x3b: {  	_ = 	snop  }
0x3c: {  	p2 =	seq.s32 s10, $0x1;
	s10 =	sld [smem:$0x3F9F]  }
0x3d: {  	_ =	shalt  }
0x3e: {  	_ =	shalt  }
0x3f: {  	_ =	shalt  }
0x40: {  	_ =	shalt  }
0x41: {  	_ =	shalt  }
0x42: {  	_ =	shalt  }
0x43: {  	_ =	shalt  }
0x44: {  	_ =	shalt  }
0x45: {  	_ =	shalt  }
0x46: {  	_ =	shalt  }
0x47: {  	_ =	shalt  }
0x48: {  	_ =	shalt  }
0x49: {  	_ =	shalt  }
0x4a: {  	_ =	shalt  }
0x4b: {  	_ =	shalt  }
0x4c: {  	_ =	shalt  }
0x4d: {  	_ =	shalt  }
0x4e: {  	_ =	shalt  }
0x4f: {  	_ =	shalt  }
0x50: {  	_ =	shalt  }
0x51: {  	_ =	shalt  }
0x52: {  	_ =	shalt  }
0x53: {  	_ =	shalt  }
0x54: {  	_ =	shalt  }
0x55: {  	_ =	shalt  }
0x56: {  	_ =	shalt  }
0x57: {  	_ =	shalt  }
0x58: {  	_ =	shalt  }
0x59: {  	_ =	shalt  }
0x5a: {  	_ =	shalt  }
0x5b: {  	_ =	shalt  }
0x5c: {  	_ =	shalt  }
0x5d: {  	_ =	shalt  }
0x5e: {  	_ =	shalt  }
0x5f: {  	_ =	shalt  }
0x60: {  	_ =	shalt  }
0x61: {  	_ =	shalt  }
0x62: {  	_ =	shalt  }
0x63: {  	_ =	shalt  }
0x64: {  	_ =	shalt  }
0x65: {  	_ =	shalt  }
0x66: {  	_ =	shalt  }
0x67: {  	_ =	shalt  }
0x68: {  	_ =	shalt  }
0x69: {  	_ =	shalt  }
0x6a: {  	_ =	shalt  }
0x6b: {  	_ =	shalt  }
0x6c: {  	_ =	shalt  }
0x6d: {  	_ =	shalt  }
0x6e: {  	_ =	shalt  }
0x6f: {  	_ =	shalt  }
0x70: {  	_ =	shalt  }
0x71: {  	_ =	shalt  }
0x72: {  	_ =	shalt  }
0x73: {  	_ =	shalt  }
0x74: {  	_ =	shalt  }
0x75: {  	_ =	shalt  }
0x76: {  	_ =	shalt  }
0x77: {  	_ =	shalt  }
0x78: {  	_ =	shalt  }
0x79: {  	_ =	shalt  }
0x7a: {  	_ =	shalt  }
0x7b: {  	_ =	shalt  }
0x7c: {  	_ =	shalt  }
0x7d: {  	_ =	shalt  }
0x7e: {  	_ =	shalt  }
0x7f: {  	_ =	shalt  }
0x80: {  	_ =	shalt  }
0x81: {  	_ =	shalt  }
0x82: {  	_ =	shalt  }
0x83: {  	_ =	shalt  }
0x84: {  	_ =	shalt  }
0x85: {  	_ =	shalt  }
0x86: {  	_ =	shalt  }
0x87: {  	_ =	shalt  }
.Lfunc_end0:
.L_simem_size_0:
called_computation.4_lowered:
.L_overlay_start_0:
0x88: {  	s0 =	sld [smem:$0x3FD9]  }
0x89: {  	s1 =	sld [smem:$0x3FFE];
	_ =	sdelay $0x3  }
0x8a: {  	s0 =	sadd.s32 s1, s0  }
0x8b: {  	[smem:$0x3FAB] =	sst s0  }
0x8c: {  	_ = 	snop  }
0x8d: {  	s0 =	sld [smem:$0x3FC3]  }
0x8e: {  	s16 =	sld [smem:$0x3FD0];
	(tm) =	ssettm $0x1  }
0x8f: {  	s2 =	sld [smem:$0x3FFB];
	_ =	sdelay $0x3  }
0x90: {  	_ =	strace s2  }
0x91: {  	s2 =	sld [smem:$0x3FFC];
	_ =	sdelay $0x3  }
0x92: {  	_ =	strace s2  }
0x93: {  	s2 =	sld [smem:$0x3FFD];
	_ =	sdelay $0x3  }
0x94: {  	_ =	strace s2  }
0x95: {  	_ =	strace $0x8FFFFFFF  }
0x96: {  	s17 =	sld [smem:$0x3FDB];
	_ =	sdelay $0x1  }
0x97: {  	s3 =	simm.s32 $_scs_section_size  }
0x98: {  	s4 =	simm.s32 $_size__tile_overlayer_lowered;
	s5 =	simm.s32 $_tile_overlayer_lowered  }
0x99: {  	s20 =	simm.s32 $0x1BFF;
	s19 =	sshll.u32 s5, $0x1;
	s2 =	sadd.s32 s3, s17  }
0x9a: {  	s6 =	simm.s32 $0x0;
	s18 =	sshll.u32 s4, $0x1;
	s4 =	sadd.s32 s19, s2  }
0x9b: {  	[timem:s6], [sflag:s20] =	dma.local [hbm:s4], s18  }
0x9c: {  	_ =	swait.ge [sflag:s20], s18  }
0x9d: {  	s3 =	ssub.s32 $0x0, s18;
	[sflag:s20] =	ssyncset.done $0x0  }
0x9e: {  	[sflag:s20] =	ssyncadd.s32 s3;
	_ =	sdelay $0x1  }
0x9f: {  	s21 =	simm.s32 $0x1B8B  }
0xa0: {  	_ =	swait.ge [sflag:s21], $0x1  }
0xa1: {  	[sflag:s21] =	ssyncset.done $0x0  }
0xa2: {  	s23 =	simm.s32 $0x1B8E;
	s22 =	sld [smem:$0x3FFE];
	[sflag:s21] =	ssyncadd.s32 $0xFFFFFFFF  }
0xa3: {  	s24 =	simm.s32 $execute0_lowered;
	[smem:$0x3FD2] =	sst s23  }
0xa4: {  	s4 =	sshll.u32 s24, $0x1;
	_ =	strace $0x8000005B;
	[dreg:$0x1] =	wrdreg $0xFFFFFFFF  }
0xa5: {  	s25 =	simm.s32 $_size_execute0_lowered;
	s2 =	sadd.s32 s2, s4;
	[dreg:$0x0] =	wrdreg $0x0  }
0xa6: {  	s4 =	sshll.u32 s25, $0x1;
	[dreg:$0x2] =	wrdreg s2  }
0xa7: {  	[dreg:$0x3] =	wrdreg s4  }
0xa8: {  	[dreg:$0x4] =	wrdreg $0xC0  }
0xa9: {  	_ =	task [dreg:s6], $0x5FFFF  }
0xaa: {  	[dreg:$0x1] =	wrdreg $0xFFFFFFFF  }
0xab: {  	[dreg:$0x0] =	wrdreg $0x60  }
0xac: {  	[dreg:$0x2] =	wrdreg s0  }
0xad: {  	[dreg:$0x3] =	wrdreg s16  }
0xae: {  	[dreg:$0x4] =	wrdreg s22  }
0xaf: {  	[dreg:$0x5] =	wrdreg $0x9  }
0xb0: {  	_ =	task.clear_ibuf [dreg:s6], $0x6FFFF;
	_ =	strace $0x9000005B  }
0xb1: {  	s26 =	simm.s32 $0x9;
	_ =	strace $0x8000005D  }
0xb2: {  	_ =	swait.ge [sflag:s26], $0x1  }
0xb3: {  	[sflag:s26] =	ssyncadd.s32 $0xFFFFFFFF  }
0xb4: {  	_ =	strace $0x9000005D  }
0xb5: {  	_ =	sfence  }
0xb6: {  	s28 =	sld [smem:$0x0];
	_ =	sdelay $0x1  }
0xb7: {  	s29 =	srdreg.scid  }
0xb8: {  	s30 =	sshll.u32 s29, $0xD;
	s31 =	sshrl.u32 s29, $0x2  }
0xb9: {  	s1 =	sand.u32 $0x1, s29;
	s2 =	sand.u32 $0x4000, s30;
	s0 =	sadd.s32 s31, s28  }
0xba: {  	s1 =	sor.u32 s2, s1;
	s0 =	sshll.u32 s0, $0x11  }
0xbb: {  	s0 =	sor.u32 s0, s1  }
0xbc: {  	s0 =	sadd.s32 $0x8F2B, s0  }
0xbd: {  	[sflag:s0] =	ssyncadd.remote.s32 $0x1  }
0xbe: {  	_ =	sfence.sel $0xFFFF  }
0xbf: {  	[dreg:$0x0] =	wrdreg $0xFFFFFFFF;
	(pc) =	sbr.abs _section_cstart, $3  }
0xc0: {  	[dreg:$0x1] =	wrdreg $0xFFFFFFFF  }
0xc1: {  	_ =	task.clear_ibuf [dreg:s6], $0x2FFFF;
	_ =	strace $0x9FFFFFFF  }
0xc2: {  	(tm) =	ssettm $0x7FFFFFFF  }
0xc3: {  	_ =	shalt  }
tec
execute0_lowered:
.L_overlay_start_1:
0x0: {  	(tag) =	ssettag $0x1  }
0x1: {  	s2 =	rddreg [dreg:$0x0]  }
0x2: {  	s3 =	rddreg [dreg:$0x1]  }
0x3: {  	s8 =	rddreg [dreg:$0x2]  }
0x4: {  	s0 =	rddreg [dreg:$0x3];
	_ =	strace $0x8000005C;
	s4 =	simm.s32 $0x1  }
0x5: {  	s1 =	stileid.u32;
	s7 =	simm.s32 $0x1;
	s9 =	simm.s32 $0x1  }
0x6: {  	s6 =	simm.s32 $0x2;
	s10 =	simm.s32 $0x3;
	s13 =	simm.s32 $0x0  }
.Ltmp0:
0x7: {  	s12 =	simm.s32 $0x0;
	p0 =	slt.u32 s1, $0xA;
	(pc) =	sbr.rel .LBB2_1-.Ltmp0, $4  }
0x8: {  	[sflag:s4] =	ssyncpa.u1 $0x0;
	s7 =	simm.s32 @!p0 $0x0;
	p0 =	sne.s32 s1, $0x9  }
0x9: {  	s5 =	smul.u32 $0x190, s1;
	[sflag:s6] =	ssyncpa.u1 $0x0;
	s9 =	simm.s32 @!p0 $0x0  }
0xa: {  	s8 =	sadd.s32 $0x255A00, s8;
	[sflag:s10] =	ssyncpa.u1 $0x0;
	s7 =	sadd.s32 s9, s7  }
0xb: {  	vm0 =	vmmov $0xffff;
	s10 =	simm.s32 $0x0;
	s11 =	smov.u32 s5;
	s9 =	sadd.s32 $0x1, s7  }
.LBB2_4:
0xc: {  	v2 =	vnsel vm1, $0x0, v2  }
0xd: {  	vm1 =	vgt.s32 v0, $0x0;
	v2 =	vmin.u32 v2, $0xC34F  }
0xe: {  	v0 =	vnsel vm1, $0x0, v0  }
0xf: {  	v0 =	vmin.u32 v0, $0xC34F  }
0x10: {  	[tilespmem:s18], [sflag:$0x1] =	stream.indirect_vreg.gather [hbm4b:s2+s10], $0x1, v1, vm0, $0x4038;
	[tilespmem:$0x640] =	vst v63  }
0x11: {  	(ifvalue) =	ssetifvalue $0x7FFFFFFF  }
0x12: {  	[tilespmem:s15], [sflag:$0x1] =	stream.indirect_vreg.gather [hbm4b:s2+s10], $0x1, v2, vm0, $0x4038;
	[tilespmem:$0x640] =	vst v63  }
0x13: {  	s29 =	sadd.s32 $0x10, s15;
	(ifvalue) =	ssetifvalue $0x7FFFFFFF  }
0x14: {  	[tilespmem:s29], [sflag:$0x1] =	stream.indirect_vreg.gather [hbm4b:s2+s10], $0x1, v0, vm0, $0x4038;
	[tilespmem:$0x640] =	vst v63  }
0x15: {  	_ =	swait.ge [sflag:s4], $0x190  }
0x16: {  	s30 =	sshrl.u32 s13, $0x3;
	[sflag:s4] =	ssyncset.done $0x0  }
0x17: {  	s31 =	sand.u32 $0x7, s13;
	s15 =	sadd.s32 s8, s30;
	[sflag:s4] =	ssyncadd.s32 $0xFFFFFE70  }
0x18: {  	[hbm4b:s15+s31] =	stream.linear.scatter [tilespmem:s14], [sflag:$0x3], $0x190, $0x38;
	[tilespmem:$0x640] =	vst v63  }
.LBB2_5:
0x19: {  	s15 =	sadd.s32 $0x1900, s11  }
0x1a: {  	p1 =	sgt.s32 s15, $0x270F  }
0x1b: {  	s15 =	smov.u32 @p1 s5;
	p1 =	sne.s32 s12, s9  }
.Ltmp1:
0x1c: {  	p0 =	slt.u32 s12, $0x2;
	(pc) =	sbr.rel @!p1 .LBB2_6-.Ltmp1, $4  }
0x1d: {  	s14 =	simm.s32 @!p0 $0x3  }
0x1e: {  	_ =	swait.ge @!p0 [sflag:s14], $0x190  }
0x1f: {  	s16 =	sadd.s32 $0x1, s12;
	s13 =	smov.u32 s11;
	[sflag:s14] =	ssyncset.done @!p0 $0x0  }
0x20: {  	s12 =	smov.u32 s16;
	s11 =	smov.u32 s15;
	[sflag:s14] =	ssyncadd.s32 @!p0 $0xFFFFFE70  }
.LBB2_1:
0x21: {  	p0 =	sge.u32 s12, s7  }
0x22: {  	s14 =	sxor.u32 @!p0 $0x1, s12  }
0x23: {  	s14 =	smul.u32 @!p0 $0x640, s14  }
0x24: {  	s31 =	sadd.s32 $0xFFFFFFFF, s12;
	s15 =	sshrl.u32 @!p0 s11, $0x3  }
0x25: {  	s16 =	sand.u32 @!p0 $0x7, s11;
	s15 =	sadd.s32 @!p0 s3, s15;
	s14 =	sshra.s32 @!p0 s14, $0x2  }
0x26: {  	[tilespmem:s14], [sflag:$0x2] =	stream.linear.gather @!p0 [hbm4b:s15+s16], $0x190, $0x38;
	[tilespmem:$0x640] =	vst v63  }
0x27: {  	p0 =	sge.u32 s31, s7  }
.Ltmp2:
0x28: {  	_ = 	snop;
	(pc) =	sbr.rel @p0 .LBB2_5-.Ltmp2, $1  }
0x29: {  	_ =	sdelay $0x3  }
0x2a: {  	s14 =	sand.u32 $0x1, s12  }
0x2b: {  	_ =	swait.ge [sflag:s6], $0x190;
	p0 =	seq.s32 s14, $0x1;
	s14 =	simm.s32 $0x190  }
0x2c: {  	[sflag:s6] =	ssyncset.done $0x0;
	s14 =	simm.s32 @!p0 $0x0  }
0x2d: {  	[sflag:s6] =	ssyncadd.s32 $0xFFFFFE70;
	(ifvalue) =	ssetifvalue $0x7FFFFFFF;
	v0 =	vld.msk [tilespmem:s14+$0x0 ss:$0x1], $0xffff;
	_ =	sdelay $0x4  }
0x2e: {  	s15 =	sadd.s32 $0x10, s14;
	vm1 =	vgt.s32 v0, $0x0  }
0x2f: {  	v2 =	vld.msk [tilespmem:s15+$0x0 ss:$0x1], $0xffff;
	v1 =	vnsel vm1, $0x0, v0  }
0x30: {  	v1 =	vmin.u32 v1, $0xC34F;
	_ =	sdelay $0x2  }
0x31: {  	s17 =	simm.s32 $0x20;
	s14 =	sadd.s32 $0x320, s14;
	s16 =	sadd.s32 $0x10, s15  }
0x32: {  	s15 =	sadd.s32 $0x10, s14;
	s18 =	smov.u32 s14;
	v0 =	vld.msk [tilespmem:s16+$0x0 ss:$0x1], $0xffff;
	vm1 =	vgt.s32 v2, $0x0;
	(ifvalue) =	ssetifvalue $0x7FFFFFFF  }
.LBB2_3:
0x33: {  	[tilespmem:s18], [sflag:$0x1] =	stream.indirect_vreg.gather [hbm4b:s2+s10], $0x1, v1, vm0, $0x4038;
	[tilespmem:$0x640] =	vst v63  }
0x34: {  	s17 =	sadd.s32 $0x10, s17  }
0x35: {  	v2 =	vnsel vm1, $0x0, v2;
	p0 =	slt.u32 s17, $0x180  }
.Ltmp3:
0x36: {  	s18 =	smov.u32 s15;
	v1 =	vmin.u32 v2, $0xC34F;
	(pc) =	sbr.rel @p0 .LBB2_3-.Ltmp3, $3  }
0x37: {  	_ =	sdelay $0x1  }
0x38: {  	s16 =	sadd.s32 $0x10, s16  }
0x39: {  	vm1 =	vgt.s32 v0, $0x0;
	s15 =	sadd.s32 $0x10, s15;
	v2 =	vmov v0;
	(ifvalue) =	ssetifvalue $0x7FFFFFFF;
	v0 =	vld.msk [tilespmem:s16+$0x0 ss:$0x1], $0xffff  }
.Ltmp4:
0x3a: {  	_ = 	snop;
	(pc) =	sbr.rel .LBB2_4-.Ltmp4, $1  }
0x3b: {  	_ =	sdelay $0x3  }
.LBB2_6:
0x3c: {  	_ =	sfence.sel $0x180000  }
0x3d: {  	s2 =	simm.s32 $0x2;
	[bflag:$0x0] =	sbarrier.arrive $0xFFFF  }
0x3e: {  	s30 =	simm.s32 $0x3;
	[sflag:s2] =	ssyncpa.u1 $0x1  }
0x3f: {  	s31 =	simm.s32 $0x1;
	[sflag:s30] =	ssyncpa.u1 $0x1  }
0x40: {  	[sflag:s31] =	ssyncpa.u1 $0x1  }
0x41: {  	p0 =	sne.s32 s1, $0x0;
	_ =	strace $0x9000005C  }
0x42: {  	s0 =	sadd.s32 @!p0 $0x100000, s0;
	[bflag:$0x2] =	sbarrier.arrive $0xFFFF  }
0x43: {  	[sflag:s0] =	ssyncadd.tile.s32 @!p0 $0x1;
	_ =	shalt  }
.Lfunc_end2:
_tile_overlayer_lowered:
.L_overlay_start_2:
0x44: {  	(tag) =	ssettag $0x2  }
0x45: {  	s0 =	rddreg [dreg:$0x0];
	s2 =	stileid.u32  }
0x46: {  	s1 =	rddreg [dreg:$0x1];
	p0 =	sne.s32 s2, $0x0  }
0x47: {  	s3 =	rddreg [dreg:$0x2];
	[bflag:$0x3] =	sbarrier.arrive $0xFFFF;
	s2 =	simm.s32 @!p0 $0x1C01  }
0x48: {  	[timem:s3], [sflag:s2] =	dma.local @!p0 [hbm:s0], s1  }
0x49: {  	s0 =	simm.s32 @!p0 $0x1  }
0x4a: {  	_ =	swait.ge @!p0 [sflag:s0], s1  }
0x4b: {  	s1 =	ssub.s32 @!p0 $0x0, s1;
	[sflag:s0] =	ssyncset.done @!p0 $0x0  }
0x4c: {  	[sflag:s0] =	ssyncadd.s32 @!p0 s1  }
0x4d: {  	[bflag:$0x3] =	sbarrier.arrive $0xFFFF  }
0x4e: {  	_ =	shalt  }

// kernel: gather_offload_async_start.5
scs
__scs_entry_jumppad:
0x0: {  	(pc) =	sbr.rel $0x88, $3  }
0x1: {  	(tag) =	ssettag $0x0;
	lr =	simm.s32 $0x1  }
0x2: {  	[smem:$0x3F84] =	sst lr;
	_ =	strace $0xD0000000  }
0x3: {  	_ = 	snop  }
0x4: {  	_ = 	snop  }
0x5: {  	_ = 	snop  }
0x6: {  	_ = 	snop  }
0x7: {  	_ = 	snop  }
__scs_overlays_trampoline_lowered:
0x8: {  	[smem:$0x3F93] =	sst s0  }
0x9: {  	[smem:$0x3F94] =	sst s1  }
0xa: {  	[smem:$0x3F95] =	sst s2  }
0xb: {  	[smem:$0x3F96] =	sst s3  }
0xc: {  	[smem:$0x3F97] =	sst s4  }
0xd: {  	[smem:$0x3F98] =	sst s5  }
0xe: {  	[smem:$0x3F99] =	sst s6  }
0xf: {  	[smem:$0x3F9A] =	sst s7  }
0x10: {  	[smem:$0x3F9B] =	sst s8  }
0x11: {  	[smem:$0x3F9C] =	sst s9;
	s0 =	simm.s32 @!p0 $0x0  }
0x12: {  	s1 =	sld [smem:$0x3F82];
	s0 =	simm.s32 @p0 $0x1  }
0x13: {  	[smem:$0x3F9D] =	sst s0;
	s0 =	simm.s32 @!p1 $0x0  }
0x14: {  	s2 =	sld [smem:$0x3F81];
	s0 =	simm.s32 @p1 $0x1  }
0x15: {  	[smem:$0x3F9E] =	sst s0;
	s0 =	simm.s32 @!p2 $0x0  }
0x16: {  	s3 =	sld [smem:$0x3FDB];
	s0 =	simm.s32 @p2 $0x1  }
0x17: {  	s4 =	simm.s32 $0x1BF5;
	[smem:$0x3FA0] =	sst s0  }
0x18: {  	s0 =	sld [smem:$0x3F83];
	_ =	swait.ge [sflag:s4], $0x0  }
0x19: {  	s7 =	sld [smem:$0x3F84]  }
0x1a: {  	s8 =	sadd.s32 $0xFFFFE003, lr  }
0x1b: {  	s9 =	sadd.s32 $0xFFFFFEF7, lr;
	s5 =	simm.s32 $0xFFFFFFFF;
	p2 =	slt.u32 s8, $0xFFFFF086  }
0x1c: {  	p1 =	slt.u32 s9, $0xF7A;
	s5 =	simm.s32 @!p2 $0x0  }
0x1d: {  	s5 =	simm.s32 @p1 $0x1;
	p0 =	seq.s32 s7, s2  }
0x1e: {  	s7 =	smul.u32 @!p0 $0xF7A, s2;
	p2 =	seq.s32 @!p0 s5, $0x0  }
0x1f: {  	s9 =	smul.u32 $0xF7A, s1;
	s8 =	simm.s32 @!p0 $0x1BF5;
	p2 =	por !p2, p0  }
0x20: {  	[sflag:s8] =	ssyncset.s32 @!p0 $0xFFFFF086;
	s6 =	sadd.s32 @!p0 s3, s7;
	s7 =	simm.s32 @!p0 $0x108  }
0x21: {  	s3 =	sadd.s32 s3, s9;
	s6 =	sadd.s32 @!p0 $0x88, s6;
	s7 =	simm.s32 @p2 $0x1082  }
0x22: {  	[simem:s7], [sflag:s8] =	dma.local @!p0 [hbm:s6], $0xF7A  }
0x23: {  	s9 =	sor.u32 $0xD0000000, s2;
	s6 =	simm.s32 $0x108;
	_ =	swait.ge @!p0 [sflag:s8], $0x0  }
0x24: {  	s3 =	sadd.s32 $0x88, s3;
	s6 =	simm.s32 @!p1 $0x1082;
	[sflag:s4] =	ssyncset.s32 $0xFFFFF086  }
0x25: {  	[simem:s6], [sflag:s4] =	dma.local [hbm:s3], $0xF7A  }
0x26: {  	[smem:$0x3F84] =	sst s1;
	(tag) =	ssettag s2;
	_ =	strace s9  }
0x27: {  	s1 =	sld [smem:$0x3F94]  }
0x28: {  	s2 =	sld [smem:$0x3F95]  }
0x29: {  	s4 =	sld [smem:$0x3F97]  }
0x2a: {  	p0 =	seq.s32 s5, $0x0;
	s5 =	sld [smem:$0x3F98]  }
0x2b: {  	s6 =	sld [smem:$0x3F99]  }
0x2c: {  	s7 =	sld [smem:$0x3F9A]  }
0x2d: {  	s3 =	simm.s32 $0x108;
	s8 =	sld [smem:$0x3F9B]  }
0x2e: {  	s3 =	simm.s32 @!p0 $0x1082;
	s9 =	sld [smem:$0x3F9C]  }
0x2f: {  	lr =	sadd.s32 s0, s3;
	s0 =	sld [smem:$0x3F93]  }
0x30: {  	s3 =	sld [smem:$0x3F96]  }
0x31: {  	[smem:$0x3F9F] =	sst s10  }
0x32: {  	s10 =	sld [smem:$0x3F9D];
	_ =	sdelay $0x3  }
0x33: {  	p0 =	seq.s32 s10, $0x1;
	s10 =	sld [smem:$0x3F9F];
	_ =	sdelay $0x3  }
0x34: {  	[smem:$0x3F9F] =	sst s10  }
0x35: {  	s10 =	sld [smem:$0x3F9E];
	_ =	sdelay $0x3  }
0x36: {  	p1 =	seq.s32 s10, $0x1;
	s10 =	sld [smem:$0x3F9F];
	_ =	sdelay $0x3  }
0x37: {  	[smem:$0x3F9F] =	sst s10  }
0x38: {  	s10 =	sld [smem:$0x3FA0]  }
0x39: {  	_ = 	snop;
	(pc) =	sbr.ind lr, $3  }
0x3a: {  	_ = 	snop  }
0x3b: {  	_ = 	snop  }
0x3c: {  	p2 =	seq.s32 s10, $0x1;
	s10 =	sld [smem:$0x3F9F]  }
0x3d: {  	_ =	shalt  }
0x3e: {  	_ =	shalt  }
0x3f: {  	_ =	shalt  }
0x40: {  	_ =	shalt  }
0x41: {  	_ =	shalt  }
0x42: {  	_ =	shalt  }
0x43: {  	_ =	shalt  }
0x44: {  	_ =	shalt  }
0x45: {  	_ =	shalt  }
0x46: {  	_ =	shalt  }
0x47: {  	_ =	shalt  }
0x48: {  	_ =	shalt  }
0x49: {  	_ =	shalt  }
0x4a: {  	_ =	shalt  }
0x4b: {  	_ =	shalt  }
0x4c: {  	_ =	shalt  }
0x4d: {  	_ =	shalt  }
0x4e: {  	_ =	shalt  }
0x4f: {  	_ =	shalt  }
0x50: {  	_ =	shalt  }
0x51: {  	_ =	shalt  }
0x52: {  	_ =	shalt  }
0x53: {  	_ =	shalt  }
0x54: {  	_ =	shalt  }
0x55: {  	_ =	shalt  }
0x56: {  	_ =	shalt  }
0x57: {  	_ =	shalt  }
0x58: {  	_ =	shalt  }
0x59: {  	_ =	shalt  }
0x5a: {  	_ =	shalt  }
0x5b: {  	_ =	shalt  }
0x5c: {  	_ =	shalt  }
0x5d: {  	_ =	shalt  }
0x5e: {  	_ =	shalt  }
0x5f: {  	_ =	shalt  }
0x60: {  	_ =	shalt  }
0x61: {  	_ =	shalt  }
0x62: {  	_ =	shalt  }
0x63: {  	_ =	shalt  }
0x64: {  	_ =	shalt  }
0x65: {  	_ =	shalt  }
0x66: {  	_ =	shalt  }
0x67: {  	_ =	shalt  }
0x68: {  	_ =	shalt  }
0x69: {  	_ =	shalt  }
0x6a: {  	_ =	shalt  }
0x6b: {  	_ =	shalt  }
0x6c: {  	_ =	shalt  }
0x6d: {  	_ =	shalt  }
0x6e: {  	_ =	shalt  }
0x6f: {  	_ =	shalt  }
0x70: {  	_ =	shalt  }
0x71: {  	_ =	shalt  }
0x72: {  	_ =	shalt  }
0x73: {  	_ =	shalt  }
0x74: {  	_ =	shalt  }
0x75: {  	_ =	shalt  }
0x76: {  	_ =	shalt  }
0x77: {  	_ =	shalt  }
0x78: {  	_ =	shalt  }
0x79: {  	_ =	shalt  }
0x7a: {  	_ =	shalt  }
0x7b: {  	_ =	shalt  }
0x7c: {  	_ =	shalt  }
0x7d: {  	_ =	shalt  }
0x7e: {  	_ =	shalt  }
0x7f: {  	_ =	shalt  }
0x80: {  	_ =	shalt  }
0x81: {  	_ =	shalt  }
0x82: {  	_ =	shalt  }
0x83: {  	_ =	shalt  }
0x84: {  	_ =	shalt  }
0x85: {  	_ =	shalt  }
0x86: {  	_ =	shalt  }
0x87: {  	_ =	shalt  }
.Lfunc_end0:
.L_simem_size_0:
called_computation.5_lowered:
.L_overlay_start_0:
0x88: {  	s0 =	sld [smem:$0x3FD9]  }
0x89: {  	s1 =	sld [smem:$0x3FFE];
	_ =	sdelay $0x3  }
0x8a: {  	s0 =	sadd.s32 s1, s0  }
0x8b: {  	[smem:$0x3FAB] =	sst s0  }
0x8c: {  	_ = 	snop  }
0x8d: {  	s0 =	sld [smem:$0x3FC3];
	(tm) =	ssettm $0x1  }
0x8e: {  	s16 =	sld [smem:$0x3FFB];
	_ =	sdelay $0x3  }
0x8f: {  	_ =	strace s16  }
0x90: {  	s1 =	sld [smem:$0x3FFC];
	_ =	sdelay $0x3  }
0x91: {  	_ =	strace s1  }
0x92: {  	s1 =	sld [smem:$0x3FFD];
	_ =	sdelay $0x3  }
0x93: {  	_ =	strace s1  }
0x94: {  	_ =	strace $0x8FFFFFFF  }
0x95: {  	s17 =	sld [smem:$0x3FDB];
	_ =	sdelay $0x1  }
0x96: {  	s2 =	simm.s32 $_scs_section_size  }
0x97: {  	s3 =	simm.s32 $_size__tile_overlayer_lowered;
	s4 =	simm.s32 $_tile_overlayer_lowered  }
0x98: {  	s20 =	simm.s32 $0x1BFF;
	s19 =	sshll.u32 s4, $0x1;
	s1 =	sadd.s32 s2, s17  }
0x99: {  	s5 =	simm.s32 $0x0;
	s18 =	sshll.u32 s3, $0x1;
	s3 =	sadd.s32 s19, s1  }
0x9a: {  	[timem:s5], [sflag:s20] =	dma.local [hbm:s3], s18  }
0x9b: {  	_ =	swait.ge [sflag:s20], s18  }
0x9c: {  	s2 =	ssub.s32 $0x0, s18;
	[sflag:s20] =	ssyncset.done $0x0  }
0x9d: {  	[sflag:s20] =	ssyncadd.s32 s2;
	_ =	sdelay $0x1  }
0x9e: {  	s21 =	simm.s32 $0x1B8B  }
0x9f: {  	_ =	swait.ge [sflag:s21], $0x1  }
0xa0: {  	[sflag:s21] =	ssyncset.done $0x0  }
0xa1: {  	s23 =	simm.s32 $0x1B8E;
	s22 =	sld [smem:$0x3FFE];
	[sflag:s21] =	ssyncadd.s32 $0xFFFFFFFF  }
0xa2: {  	s24 =	simm.s32 $execute0_lowered;
	[smem:$0x3FD2] =	sst s23  }
0xa3: {  	s3 =	sshll.u32 s24, $0x1;
	_ =	strace $0x8000005E;
	[dreg:$0x1] =	wrdreg $0xFFFFFFFF  }
0xa4: {  	s25 =	simm.s32 $_size_execute0_lowered;
	s1 =	sadd.s32 s1, s3;
	[dreg:$0x0] =	wrdreg $0x0  }
0xa5: {  	s3 =	sshll.u32 s25, $0x1;
	[dreg:$0x2] =	wrdreg s1  }
0xa6: {  	[dreg:$0x3] =	wrdreg s3  }
0xa7: {  	[dreg:$0x4] =	wrdreg $0xC0  }
0xa8: {  	_ =	task [dreg:s5], $0x5FFFF  }
0xa9: {  	[dreg:$0x1] =	wrdreg $0xFFFFFFFF  }
0xaa: {  	[dreg:$0x0] =	wrdreg $0x60  }
0xab: {  	[dreg:$0x2] =	wrdreg s0  }
0xac: {  	[dreg:$0x3] =	wrdreg s22  }
0xad: {  	[dreg:$0x4] =	wrdreg $0x9  }
0xae: {  	_ =	task.clear_ibuf [dreg:s5], $0x5FFFF;
	_ =	strace $0x9000005E  }
0xaf: {  	s26 =	simm.s32 $0x9;
	_ =	strace $0x80000060  }
0xb0: {  	_ =	swait.ge [sflag:s26], $0x1  }
0xb1: {  	[sflag:s26] =	ssyncadd.s32 $0xFFFFFFFF  }
0xb2: {  	_ =	strace $0x90000060  }
0xb3: {  	_ =	sfence  }
0xb4: {  	s28 =	sld [smem:$0x0];
	_ =	sdelay $0x1  }
0xb5: {  	s29 =	srdreg.scid  }
0xb6: {  	s30 =	sshll.u32 s29, $0xD;
	s31 =	sshrl.u32 s29, $0x2  }
0xb7: {  	s2 =	sand.u32 $0x4000, s30;
	s1 =	sand.u32 $0x1, s29;
	s0 =	sadd.s32 s31, s28  }
0xb8: {  	s1 =	sor.u32 s2, s1;
	s0 =	sshll.u32 s0, $0x11  }
0xb9: {  	s0 =	sor.u32 s0, s1  }
0xba: {  	s0 =	sadd.s32 $0x8F2B, s0  }
0xbb: {  	[sflag:s0] =	ssyncadd.remote.s32 $0x1  }
0xbc: {  	_ =	sfence.sel $0xFFFF  }
0xbd: {  	[dreg:$0x0] =	wrdreg $0xFFFFFFFF;
	(pc) =	sbr.abs _section_cstart, $3  }
0xbe: {  	[dreg:$0x1] =	wrdreg $0xFFFFFFFF  }
0xbf: {  	_ =	task.clear_ibuf [dreg:s5], $0x2FFFF;
	_ =	strace $0x9FFFFFFF  }
0xc0: {  	(tm) =	ssettm $0x7FFFFFFF  }
0xc1: {  	_ =	shalt  }
tec
execute0_lowered:
.L_overlay_start_1:
0x0: {  	(tag) =	ssettag $0x1  }
0x1: {  	s2 =	rddreg [dreg:$0x0]  }
0x2: {  	s8 =	rddreg [dreg:$0x1]  }
0x3: {  	s0 =	rddreg [dreg:$0x2]  }
0x4: {  	_ =	strace $0x8000005F;
	s4 =	simm.s32 $0x1;
	s1 =	stileid.u32  }
0x5: {  	s7 =	simm.s32 $0x1;
	s9 =	simm.s32 $0x1;
	s6 =	simm.s32 $0x2  }
0x6: {  	s10 =	simm.s32 $0x3;
	s13 =	simm.s32 $0x0;
	s12 =	simm.s32 $0x0  }
.Ltmp0:
0x7: {  	s3 =	sadd.s32 $0xCD800, s8;
	p0 =	slt.u32 s1, $0xA;
	(pc) =	sbr.rel .LBB2_1-.Ltmp0, $4  }
0x8: {  	[sflag:s4] =	ssyncpa.u1 $0x0;
	s7 =	simm.s32 @!p0 $0x0;
	p0 =	sne.s32 s1, $0x9  }
0x9: {  	s5 =	smul.u32 $0x190, s1;
	[sflag:s6] =	ssyncpa.u1 $0x0;
	s9 =	simm.s32 @!p0 $0x0  }
0xa: {  	s8 =	sadd.s32 $0xCDE00, s8;
	[sflag:s10] =	ssyncpa.u1 $0x0;
	s7 =	sadd.s32 s9, s7  }
0xb: {  	vm0 =	vmmov $0xffff;
	s10 =	simm.s32 $0x0;
	s11 =	smov.u32 s5;
	s9 =	sadd.s32 $0x1, s7  }
.LBB2_4:
0xc: {  	v2 =	vnsel vm1, $0x0, v2  }
0xd: {  	vm1 =	vgt.s32 v0, $0x0;
	v2 =	vmin.u32 v2, $0xC34F  }
0xe: {  	v0 =	vnsel vm1, $0x0, v0  }
0xf: {  	v0 =	vmin.u32 v0, $0xC34F  }
0x10: {  	[tilespmem:s18], [sflag:$0x1] =	stream.indirect_vreg.gather [hbm4b:s2+s10], $0x1, v1, vm0, $0x4038;
	[tilespmem:$0x640] =	vst v63  }
0x11: {  	(ifvalue) =	ssetifvalue $0x7FFFFFFF  }
0x12: {  	[tilespmem:s15], [sflag:$0x1] =	stream.indirect_vreg.gather [hbm4b:s2+s10], $0x1, v2, vm0, $0x4038;
	[tilespmem:$0x640] =	vst v63  }
0x13: {  	s29 =	sadd.s32 $0x10, s15;
	(ifvalue) =	ssetifvalue $0x7FFFFFFF  }
0x14: {  	[tilespmem:s29], [sflag:$0x1] =	stream.indirect_vreg.gather [hbm4b:s2+s10], $0x1, v0, vm0, $0x4038;
	[tilespmem:$0x640] =	vst v63  }
0x15: {  	_ =	swait.ge [sflag:s4], $0x190  }
0x16: {  	s30 =	sshrl.u32 s13, $0x3;
	[sflag:s4] =	ssyncset.done $0x0  }
0x17: {  	s31 =	sand.u32 $0x7, s13;
	s15 =	sadd.s32 s8, s30;
	[sflag:s4] =	ssyncadd.s32 $0xFFFFFE70  }
0x18: {  	[hbm4b:s15+s31] =	stream.linear.scatter [tilespmem:s14], [sflag:$0x3], $0x190, $0x38;
	[tilespmem:$0x640] =	vst v63  }
.LBB2_5:
0x19: {  	s15 =	sadd.s32 $0x1900, s11  }
0x1a: {  	p1 =	sgt.s32 s15, $0x270F  }
0x1b: {  	s15 =	smov.u32 @p1 s5;
	p1 =	sne.s32 s12, s9  }
.Ltmp1:
0x1c: {  	p0 =	slt.u32 s12, $0x2;
	(pc) =	sbr.rel @!p1 .LBB2_6-.Ltmp1, $4  }
0x1d: {  	s14 =	simm.s32 @!p0 $0x3  }
0x1e: {  	_ =	swait.ge @!p0 [sflag:s14], $0x190  }
0x1f: {  	s16 =	sadd.s32 $0x1, s12;
	s13 =	smov.u32 s11;
	[sflag:s14] =	ssyncset.done @!p0 $0x0  }
0x20: {  	s12 =	smov.u32 s16;
	s11 =	smov.u32 s15;
	[sflag:s14] =	ssyncadd.s32 @!p0 $0xFFFFFE70  }
.LBB2_1:
0x21: {  	p0 =	sge.u32 s12, s7  }
0x22: {  	s14 =	sxor.u32 @!p0 $0x1, s12  }
0x23: {  	s14 =	smul.u32 @!p0 $0x640, s14  }
0x24: {  	s31 =	sadd.s32 $0xFFFFFFFF, s12;
	s15 =	sshrl.u32 @!p0 s11, $0x3  }
0x25: {  	s16 =	sand.u32 @!p0 $0x7, s11;
	s15 =	sadd.s32 @!p0 s3, s15;
	s14 =	sshra.s32 @!p0 s14, $0x2  }
0x26: {  	[tilespmem:s14], [sflag:$0x2] =	stream.linear.gather @!p0 [hbm4b:s15+s16], $0x190, $0x38;
	[tilespmem:$0x640] =	vst v63  }
0x27: {  	p0 =	sge.u32 s31, s7  }
.Ltmp2:
0x28: {  	_ = 	snop;
	(pc) =	sbr.rel @p0 .LBB2_5-.Ltmp2, $1  }
0x29: {  	_ =	sdelay $0x3  }
0x2a: {  	s14 =	sand.u32 $0x1, s12  }
0x2b: {  	_ =	swait.ge [sflag:s6], $0x190;
	p0 =	seq.s32 s14, $0x1;
	s14 =	simm.s32 $0x190  }
0x2c: {  	[sflag:s6] =	ssyncset.done $0x0;
	s14 =	simm.s32 @!p0 $0x0  }
0x2d: {  	[sflag:s6] =	ssyncadd.s32 $0xFFFFFE70;
	(ifvalue) =	ssetifvalue $0x7FFFFFFF;
	v0 =	vld.msk [tilespmem:s14+$0x0 ss:$0x1], $0xffff;
	_ =	sdelay $0x4  }
0x2e: {  	s15 =	sadd.s32 $0x10, s14;
	vm1 =	vgt.s32 v0, $0x0  }
0x2f: {  	v2 =	vld.msk [tilespmem:s15+$0x0 ss:$0x1], $0xffff;
	v1 =	vnsel vm1, $0x0, v0  }
0x30: {  	v1 =	vmin.u32 v1, $0xC34F;
	_ =	sdelay $0x2  }
0x31: {  	s17 =	simm.s32 $0x20;
	s14 =	sadd.s32 $0x320, s14;
	s16 =	sadd.s32 $0x10, s15  }
0x32: {  	s15 =	sadd.s32 $0x10, s14;
	s18 =	smov.u32 s14;
	v0 =	vld.msk [tilespmem:s16+$0x0 ss:$0x1], $0xffff;
	vm1 =	vgt.s32 v2, $0x0;
	(ifvalue) =	ssetifvalue $0x7FFFFFFF  }
.LBB2_3:
0x33: {  	[tilespmem:s18], [sflag:$0x1] =	stream.indirect_vreg.gather [hbm4b:s2+s10], $0x1, v1, vm0, $0x4038;
	[tilespmem:$0x640] =	vst v63  }
0x34: {  	s17 =	sadd.s32 $0x10, s17  }
0x35: {  	v2 =	vnsel vm1, $0x0, v2;
	p0 =	slt.u32 s17, $0x180  }
.Ltmp3:
0x36: {  	s18 =	smov.u32 s15;
	v1 =	vmin.u32 v2, $0xC34F;
	(pc) =	sbr.rel @p0 .LBB2_3-.Ltmp3, $3  }
0x37: {  	_ =	sdelay $0x1  }
0x38: {  	s16 =	sadd.s32 $0x10, s16  }
0x39: {  	vm1 =	vgt.s32 v0, $0x0;
	s15 =	sadd.s32 $0x10, s15;
	v2 =	vmov v0;
	(ifvalue) =	ssetifvalue $0x7FFFFFFF;
	v0 =	vld.msk [tilespmem:s16+$0x0 ss:$0x1], $0xffff  }
.Ltmp4:
0x3a: {  	_ = 	snop;
	(pc) =	sbr.rel .LBB2_4-.Ltmp4, $1  }
0x3b: {  	_ =	sdelay $0x3  }
.LBB2_6:
0x3c: {  	_ =	sfence.sel $0x180000  }
0x3d: {  	s2 =	simm.s32 $0x2;
	[bflag:$0x0] =	sbarrier.arrive $0xFFFF  }
0x3e: {  	s30 =	simm.s32 $0x3;
	[sflag:s2] =	ssyncpa.u1 $0x1  }
0x3f: {  	s31 =	simm.s32 $0x1;
	[sflag:s30] =	ssyncpa.u1 $0x1  }
0x40: {  	[sflag:s31] =	ssyncpa.u1 $0x1  }
0x41: {  	p0 =	sne.s32 s1, $0x0;
	_ =	strace $0x9000005F  }
0x42: {  	s0 =	sadd.s32 @!p0 $0x100000, s0;
	[bflag:$0x2] =	sbarrier.arrive $0xFFFF  }
0x43: {  	[sflag:s0] =	ssyncadd.tile.s32 @!p0 $0x1;
	_ =	shalt  }
.Lfunc_end2:
_tile_overlayer_lowered:
.L_overlay_start_2:
0x44: {  	(tag) =	ssettag $0x2  }
0x45: {  	s0 =	rddreg [dreg:$0x0];
	s2 =	stileid.u32  }
0x46: {  	s1 =	rddreg [dreg:$0x1];
	p0 =	sne.s32 s2, $0x0  }
0x47: {  	s3 =	rddreg [dreg:$0x2];
	[bflag:$0x3] =	sbarrier.arrive $0xFFFF;
	s2 =	simm.s32 @!p0 $0x1C01  }
0x48: {  	[timem:s3], [sflag:s2] =	dma.local @!p0 [hbm:s0], s1  }
0x49: {  	s0 =	simm.s32 @!p0 $0x1  }
0x4a: {  	_ =	swait.ge @!p0 [sflag:s0], s1  }
0x4b: {  	s1 =	ssub.s32 @!p0 $0x0, s1;
	[sflag:s0] =	ssyncset.done @!p0 $0x0  }
0x4c: {  	[sflag:s0] =	ssyncadd.s32 @!p0 s1  }
0x4d: {  	[bflag:$0x3] =	sbarrier.arrive $0xFFFF  }
0x4e: {  	_ =	shalt  }

// kernel: gather_offload_async_start
scs
__scs_entry_jumppad:
0x0: {  	(pc) =	sbr.rel $0x88, $3  }
0x1: {  	(tag) =	ssettag $0x0;
	lr =	simm.s32 $0x1  }
0x2: {  	[smem:$0x3F84] =	sst lr;
	_ =	strace $0xD0000000  }
0x3: {  	_ = 	snop  }
0x4: {  	_ = 	snop  }
0x5: {  	_ = 	snop  }
0x6: {  	_ = 	snop  }
0x7: {  	_ = 	snop  }
__scs_overlays_trampoline_lowered:
0x8: {  	[smem:$0x3F93] =	sst s0  }
0x9: {  	[smem:$0x3F94] =	sst s1  }
0xa: {  	[smem:$0x3F95] =	sst s2  }
0xb: {  	[smem:$0x3F96] =	sst s3  }
0xc: {  	[smem:$0x3F97] =	sst s4  }
0xd: {  	[smem:$0x3F98] =	sst s5  }
0xe: {  	[smem:$0x3F99] =	sst s6  }
0xf: {  	[smem:$0x3F9A] =	sst s7  }
0x10: {  	[smem:$0x3F9B] =	sst s8  }
0x11: {  	[smem:$0x3F9C] =	sst s9;
	s0 =	simm.s32 @!p0 $0x0  }
0x12: {  	s1 =	sld [smem:$0x3F82];
	s0 =	simm.s32 @p0 $0x1  }
0x13: {  	[smem:$0x3F9D] =	sst s0;
	s0 =	simm.s32 @!p1 $0x0  }
0x14: {  	s2 =	sld [smem:$0x3F81];
	s0 =	simm.s32 @p1 $0x1  }
0x15: {  	[smem:$0x3F9E] =	sst s0;
	s0 =	simm.s32 @!p2 $0x0  }
0x16: {  	s3 =	sld [smem:$0x3FDB];
	s0 =	simm.s32 @p2 $0x1  }
0x17: {  	s4 =	simm.s32 $0x1BF5;
	[smem:$0x3FA0] =	sst s0  }
0x18: {  	s0 =	sld [smem:$0x3F83];
	_ =	swait.ge [sflag:s4], $0x0  }
0x19: {  	s7 =	sld [smem:$0x3F84]  }
0x1a: {  	s8 =	sadd.s32 $0xFFFFE003, lr  }
0x1b: {  	s9 =	sadd.s32 $0xFFFFFEF7, lr;
	s5 =	simm.s32 $0xFFFFFFFF;
	p2 =	slt.u32 s8, $0xFFFFF086  }
0x1c: {  	p1 =	slt.u32 s9, $0xF7A;
	s5 =	simm.s32 @!p2 $0x0  }
0x1d: {  	s5 =	simm.s32 @p1 $0x1;
	p0 =	seq.s32 s7, s2  }
0x1e: {  	s7 =	smul.u32 @!p0 $0xF7A, s2;
	p2 =	seq.s32 @!p0 s5, $0x0  }
0x1f: {  	s9 =	smul.u32 $0xF7A, s1;
	s8 =	simm.s32 @!p0 $0x1BF5;
	p2 =	por !p2, p0  }
0x20: {  	[sflag:s8] =	ssyncset.s32 @!p0 $0xFFFFF086;
	s6 =	sadd.s32 @!p0 s3, s7;
	s7 =	simm.s32 @!p0 $0x108  }
0x21: {  	s3 =	sadd.s32 s3, s9;
	s6 =	sadd.s32 @!p0 $0x88, s6;
	s7 =	simm.s32 @p2 $0x1082  }
0x22: {  	[simem:s7], [sflag:s8] =	dma.local @!p0 [hbm:s6], $0xF7A  }
0x23: {  	s9 =	sor.u32 $0xD0000000, s2;
	s6 =	simm.s32 $0x108;
	_ =	swait.ge @!p0 [sflag:s8], $0x0  }
0x24: {  	s3 =	sadd.s32 $0x88, s3;
	s6 =	simm.s32 @!p1 $0x1082;
	[sflag:s4] =	ssyncset.s32 $0xFFFFF086  }
0x25: {  	[simem:s6], [sflag:s4] =	dma.local [hbm:s3], $0xF7A  }
0x26: {  	[smem:$0x3F84] =	sst s1;
	(tag) =	ssettag s2;
	_ =	strace s9  }
0x27: {  	s1 =	sld [smem:$0x3F94]  }
0x28: {  	s2 =	sld [smem:$0x3F95]  }
0x29: {  	s4 =	sld [smem:$0x3F97]  }
0x2a: {  	p0 =	seq.s32 s5, $0x0;
	s5 =	sld [smem:$0x3F98]  }
0x2b: {  	s6 =	sld [smem:$0x3F99]  }
0x2c: {  	s7 =	sld [smem:$0x3F9A]  }
0x2d: {  	s3 =	simm.s32 $0x108;
	s8 =	sld [smem:$0x3F9B]  }
0x2e: {  	s3 =	simm.s32 @!p0 $0x1082;
	s9 =	sld [smem:$0x3F9C]  }
0x2f: {  	lr =	sadd.s32 s0, s3;
	s0 =	sld [smem:$0x3F93]  }
0x30: {  	s3 =	sld [smem:$0x3F96]  }
0x31: {  	[smem:$0x3F9F] =	sst s10  }
0x32: {  	s10 =	sld [smem:$0x3F9D];
	_ =	sdelay $0x3  }
0x33: {  	p0 =	seq.s32 s10, $0x1;
	s10 =	sld [smem:$0x3F9F];
	_ =	sdelay $0x3  }
0x34: {  	[smem:$0x3F9F] =	sst s10  }
0x35: {  	s10 =	sld [smem:$0x3F9E];
	_ =	sdelay $0x3  }
0x36: {  	p1 =	seq.s32 s10, $0x1;
	s10 =	sld [smem:$0x3F9F];
	_ =	sdelay $0x3  }
0x37: {  	[smem:$0x3F9F] =	sst s10  }
0x38: {  	s10 =	sld [smem:$0x3FA0]  }
0x39: {  	_ = 	snop;
	(pc) =	sbr.ind lr, $3  }
0x3a: {  	_ = 	snop  }
0x3b: {  	_ = 	snop  }
0x3c: {  	p2 =	seq.s32 s10, $0x1;
	s10 =	sld [smem:$0x3F9F]  }
0x3d: {  	_ =	shalt  }
0x3e: {  	_ =	shalt  }
0x3f: {  	_ =	shalt  }
0x40: {  	_ =	shalt  }
0x41: {  	_ =	shalt  }
0x42: {  	_ =	shalt  }
0x43: {  	_ =	shalt  }
0x44: {  	_ =	shalt  }
0x45: {  	_ =	shalt  }
0x46: {  	_ =	shalt  }
0x47: {  	_ =	shalt  }
0x48: {  	_ =	shalt  }
0x49: {  	_ =	shalt  }
0x4a: {  	_ =	shalt  }
0x4b: {  	_ =	shalt  }
0x4c: {  	_ =	shalt  }
0x4d: {  	_ =	shalt  }
0x4e: {  	_ =	shalt  }
0x4f: {  	_ =	shalt  }
0x50: {  	_ =	shalt  }
0x51: {  	_ =	shalt  }
0x52: {  	_ =	shalt  }
0x53: {  	_ =	shalt  }
0x54: {  	_ =	shalt  }
0x55: {  	_ =	shalt  }
0x56: {  	_ =	shalt  }
0x57: {  	_ =	shalt  }
0x58: {  	_ =	shalt  }
0x59: {  	_ =	shalt  }
0x5a: {  	_ =	shalt  }
0x5b: {  	_ =	shalt  }
0x5c: {  	_ =	shalt  }
0x5d: {  	_ =	shalt  }
0x5e: {  	_ =	shalt  }
0x5f: {  	_ =	shalt  }
0x60: {  	_ =	shalt  }
0x61: {  	_ =	shalt  }
0x62: {  	_ =	shalt  }
0x63: {  	_ =	shalt  }
0x64: {  	_ =	shalt  }
0x65: {  	_ =	shalt  }
0x66: {  	_ =	shalt  }
0x67: {  	_ =	shalt  }
0x68: {  	_ =	shalt  }
0x69: {  	_ =	shalt  }
0x6a: {  	_ =	shalt  }
0x6b: {  	_ =	shalt  }
0x6c: {  	_ =	shalt  }
0x6d: {  	_ =	shalt  }
0x6e: {  	_ =	shalt  }
0x6f: {  	_ =	shalt  }
0x70: {  	_ =	shalt  }
0x71: {  	_ =	shalt  }
0x72: {  	_ =	shalt  }
0x73: {  	_ =	shalt  }
0x74: {  	_ =	shalt  }
0x75: {  	_ =	shalt  }
0x76: {  	_ =	shalt  }
0x77: {  	_ =	shalt  }
0x78: {  	_ =	shalt  }
0x79: {  	_ =	shalt  }
0x7a: {  	_ =	shalt  }
0x7b: {  	_ =	shalt  }
0x7c: {  	_ =	shalt  }
0x7d: {  	_ =	shalt  }
0x7e: {  	_ =	shalt  }
0x7f: {  	_ =	shalt  }
0x80: {  	_ =	shalt  }
0x81: {  	_ =	shalt  }
0x82: {  	_ =	shalt  }
0x83: {  	_ =	shalt  }
0x84: {  	_ =	shalt  }
0x85: {  	_ =	shalt  }
0x86: {  	_ =	shalt  }
0x87: {  	_ =	shalt  }
.Lfunc_end0:
.L_simem_size_0:
called_computation_lowered:
.L_overlay_start_0:
0x88: {  	s2 =	sld [smem:$0x3FD9]  }
0x89: {  	s3 =	sld [smem:$0x3FFE];
	_ =	sdelay $0x1  }
0x8a: {  	s1 =	srdreg.scid  }
0x8b: {  	s0 =	sand.u32 $0x1, s1  }
0x8c: {  	s17 =	sshll.u32 s0, $0xA;
	s2 =	sadd.s32 s3, s2  }
0x8d: {  	s2 =	sadd.s32 s2, s17  }
0x8e: {  	[smem:$0x3FAB] =	sst s2  }
0x8f: {  	_ = 	snop  }
0x90: {  	s2 =	sld [smem:$0x3FC8];
	(tm) =	ssettm $0x1  }
0x91: {  	s18 =	sld [smem:$0x3FFB];
	_ =	sdelay $0x3  }
0x92: {  	_ =	strace s18  }
0x93: {  	s3 =	sld [smem:$0x3FFC];
	_ =	sdelay $0x3  }
0x94: {  	_ =	strace s3  }
0x95: {  	s3 =	sld [smem:$0x3FFD];
	_ =	sdelay $0x3  }
0x96: {  	_ =	strace s3  }
0x97: {  	_ =	strace $0x8FFFFFFF  }
0x98: {  	s19 =	sld [smem:$0x3FDB];
	_ =	sdelay $0x1  }
0x99: {  	s4 =	simm.s32 $_scs_section_size  }
0x9a: {  	s5 =	simm.s32 $_size__tile_overlayer_lowered;
	s6 =	simm.s32 $_tile_overlayer_lowered  }
0x9b: {  	s22 =	simm.s32 $0x1BFF;
	s21 =	sshll.u32 s6, $0x1;
	s3 =	sadd.s32 s4, s19  }
0x9c: {  	s7 =	simm.s32 $0x0;
	s20 =	sshll.u32 s5, $0x1;
	s5 =	sadd.s32 s21, s3  }
0x9d: {  	[timem:s7], [sflag:s22] =	dma.local [hbm:s5], s20  }
0x9e: {  	_ =	swait.ge [sflag:s22], s20  }
0x9f: {  	s4 =	ssub.s32 $0x0, s20;
	[sflag:s22] =	ssyncset.done $0x0  }
0xa0: {  	[sflag:s22] =	ssyncadd.s32 s4;
	_ =	sdelay $0x1  }
0xa1: {  	s23 =	simm.s32 $0x1B8B  }
0xa2: {  	_ =	swait.ge [sflag:s23], $0x1  }
0xa3: {  	[sflag:s23] =	ssyncset.done $0x0  }
0xa4: {  	s25 =	simm.s32 $0x1B8E;
	s24 =	sld [smem:$0x3FFE];
	[sflag:s23] =	ssyncadd.s32 $0xFFFFFFFF  }
0xa5: {  	s26 =	simm.s32 $execute0_lowered;
	[smem:$0x3FD2] =	sst s25  }
0xa6: {  	s5 =	sshll.u32 s26, $0x1;
	_ =	strace $0x8000004F;
	[dreg:$0x1] =	wrdreg $0xFFFFFFFF  }
0xa7: {  	s28 =	simm.s32 $_size_execute0_lowered;
	s3 =	sadd.s32 s3, s5;
	[dreg:$0x0] =	wrdreg $0x0  }
0xa8: {  	s5 =	sshll.u32 s28, $0x1;
	[dreg:$0x2] =	wrdreg s3  }
0xa9: {  	[dreg:$0x3] =	wrdreg s5  }
0xaa: {  	[dreg:$0x4] =	wrdreg $0xC0  }
0xab: {  	_ =	task [dreg:s7], $0x5FFFF  }
0xac: {  	[dreg:$0x1] =	wrdreg $0xFFFFFFFF  }
0xad: {  	[dreg:$0x0] =	wrdreg $0x60  }
0xae: {  	[dreg:$0x2] =	wrdreg s2  }
0xaf: {  	[dreg:$0x3] =	wrdreg s24  }
0xb0: {  	[dreg:$0x4] =	wrdreg $0x9  }
0xb1: {  	_ =	task.clear_ibuf [dreg:s7], $0x5FFFF;
	_ =	strace $0x9000004F  }
0xb2: {  	s29 =	simm.s32 $0x9;
	_ =	strace $0x80000051  }
0xb3: {  	_ =	swait.ge [sflag:s29], $0x1  }
0xb4: {  	[sflag:s29] =	ssyncadd.s32 $0xFFFFFFFF  }
0xb5: {  	_ =	strace $0x90000051  }
0xb6: {  	_ =	sfence  }
0xb7: {  	s30 =	sld [smem:$0x0];
	_ =	sdelay $0x2  }
0xb8: {  	s31 =	sshll.u32 s1, $0xD;
	s1 =	sshrl.u32 s1, $0x2  }
0xb9: {  	s3 =	sand.u32 $0x4000, s31;
	s1 =	sadd.s32 s1, s30  }
0xba: {  	s0 =	sor.u32 s3, s0;
	s1 =	sshll.u32 s1, $0x11  }
0xbb: {  	s0 =	sor.u32 s1, s0  }
0xbc: {  	s0 =	sadd.s32 $0x8F2B, s0  }
0xbd: {  	[sflag:s0] =	ssyncadd.remote.s32 $0x1  }
0xbe: {  	_ =	sfence.sel $0xFFFF  }
0xbf: {  	[dreg:$0x0] =	wrdreg $0xFFFFFFFF;
	(pc) =	sbr.abs _section_cstart, $3  }
0xc0: {  	[dreg:$0x1] =	wrdreg $0xFFFFFFFF  }
0xc1: {  	_ =	task.clear_ibuf [dreg:s7], $0x2FFFF;
	_ =	strace $0x9FFFFFFF  }
0xc2: {  	(tm) =	ssettm $0x7FFFFFFF  }
0xc3: {  	_ =	shalt  }
tec
execute0_lowered:
.L_overlay_start_1:
0x0: {  	(tag) =	ssettag $0x1  }
0x1: {  	s2 =	rddreg [dreg:$0x0]  }
0x2: {  	s8 =	rddreg [dreg:$0x1]  }
0x3: {  	s0 =	rddreg [dreg:$0x2];
	s1 =	stileid.u32  }
0x4: {  	s3 =	srdreg.scid;
	_ =	strace $0x80000050;
	s4 =	simm.s32 $0x1  }
0x5: {  	s7 =	simm.s32 $0x1;
	s9 =	simm.s32 $0x1;
	s10 =	simm.s32 $0x3  }
0x6: {  	s13 =	simm.s32 $0x0;
	s5 =	sand.u32 $0x1, s3;
	s6 =	sshll.u32 s1, $0x1  }
0x7: {  	s12 =	simm.s32 $0x0;
	s3 =	sadd.s32 $0x3118400, s8;
	s5 =	sor.u32 s6, s5  }
.Ltmp0:
0x8: {  	[sflag:s4] =	ssyncpa.u1 $0x0;
	p0 =	slt.u32 s5, $0x13;
	(pc) =	sbr.rel .LBB2_1-.Ltmp0, $4  }
0x9: {  	s6 =	simm.s32 $0x2;
	s7 =	simm.s32 @!p0 $0x0;
	p0 =	sne.s32 s5, $0x12  }
0xa: {  	[sflag:s6] =	ssyncpa.u1 $0x0;
	s5 =	smul.u32 $0x7D0, s5;
	s9 =	simm.s32 @!p0 $0x0  }
0xb: {  	s8 =	sadd.s32 $0x311B600, s8;
	[sflag:s10] =	ssyncpa.u1 $0x0;
	s7 =	sadd.s32 s9, s7  }
0xc: {  	vm0 =	vmmov $0xffff;
	s10 =	simm.s32 $0x0;
	s11 =	smov.u32 s5;
	s9 =	sadd.s32 $0x1, s7  }
.LBB2_4:
0xd: {  	v2 =	vnsel vm1, $0x0, v2  }
0xe: {  	vm1 =	vgt.s32 v0, $0x0;
	v2 =	vmin.u32 v2, $0x1869FF  }
0xf: {  	v0 =	vnsel vm1, $0x0, v0  }
0x10: {  	v0 =	vmin.u32 v0, $0x1869FF  }
0x11: {  	[tilespmem:s18], [sflag:$0x1] =	stream.indirect_vreg.gather [hbm4b:s2+s10], $0x1, v1, vm0, $0x4038;
	[tilespmem:$0x1F40] =	vst v63  }
0x12: {  	(ifvalue) =	ssetifvalue $0x7FFFFFFF  }
0x13: {  	[tilespmem:s15], [sflag:$0x1] =	stream.indirect_vreg.gather [hbm4b:s2+s10], $0x1, v2, vm0, $0x4038;
	[tilespmem:$0x1F40] =	vst v63  }
0x14: {  	s29 =	sadd.s32 $0x10, s15;
	(ifvalue) =	ssetifvalue $0x7FFFFFFF  }
0x15: {  	[tilespmem:s29], [sflag:$0x1] =	stream.indirect_vreg.gather [hbm4b:s2+s10], $0x1, v0, vm0, $0x4038;
	[tilespmem:$0x1F40] =	vst v63  }
0x16: {  	_ =	swait.ge [sflag:s4], $0x7D0  }
0x17: {  	s30 =	sshrl.u32 s13, $0x3;
	[sflag:s4] =	ssyncset.done $0x0  }
0x18: {  	s31 =	sand.u32 $0x7, s13;
	s15 =	sadd.s32 s8, s30;
	[sflag:s4] =	ssyncadd.s32 $0xFFFFF830  }
0x19: {  	[hbm4b:s15+s31] =	stream.linear.scatter [tilespmem:s14], [sflag:$0x3], $0x7D0, $0x38;
	[tilespmem:$0x1F40] =	vst v63  }
.LBB2_5:
0x1a: {  	s15 =	sadd.s32 $0xFA00, s11  }
0x1b: {  	p1 =	sgt.s32 s15, $0x1869F  }
0x1c: {  	s15 =	smov.u32 @p1 s5;
	p1 =	sne.s32 s12, s9  }
.Ltmp1:
0x1d: {  	p0 =	slt.u32 s12, $0x2;
	(pc) =	sbr.rel @!p1 .LBB2_6-.Ltmp1, $4  }
0x1e: {  	s14 =	simm.s32 @!p0 $0x3  }
0x1f: {  	_ =	swait.ge @!p0 [sflag:s14], $0x7D0  }
0x20: {  	s16 =	sadd.s32 $0x1, s12;
	s13 =	smov.u32 s11;
	[sflag:s14] =	ssyncset.done @!p0 $0x0  }
0x21: {  	s12 =	smov.u32 s16;
	s11 =	smov.u32 s15;
	[sflag:s14] =	ssyncadd.s32 @!p0 $0xFFFFF830  }
.LBB2_1:
0x22: {  	p0 =	sge.u32 s12, s7  }
0x23: {  	s14 =	sxor.u32 @!p0 $0x1, s12  }
0x24: {  	s14 =	smul.u32 @!p0 $0x1F40, s14  }
0x25: {  	s31 =	sadd.s32 $0xFFFFFFFF, s12;
	s15 =	sshrl.u32 @!p0 s11, $0x3  }
0x26: {  	s16 =	sand.u32 @!p0 $0x7, s11;
	s15 =	sadd.s32 @!p0 s3, s15;
	s14 =	sshra.s32 @!p0 s14, $0x2  }
0x27: {  	[tilespmem:s14], [sflag:$0x2] =	stream.linear.gather @!p0 [hbm4b:s15+s16], $0x7D0, $0x38;
	[tilespmem:$0x1F40] =	vst v63  }
0x28: {  	p0 =	sge.u32 s31, s7  }
.Ltmp2:
0x29: {  	_ = 	snop;
	(pc) =	sbr.rel @p0 .LBB2_5-.Ltmp2, $1  }
0x2a: {  	_ =	sdelay $0x3  }
0x2b: {  	s14 =	sand.u32 $0x1, s12  }
0x2c: {  	_ =	swait.ge [sflag:s6], $0x7D0;
	p0 =	seq.s32 s14, $0x1;
	s14 =	simm.s32 $0x7D0  }
0x2d: {  	[sflag:s6] =	ssyncset.done $0x0;
	s14 =	simm.s32 @!p0 $0x0  }
0x2e: {  	[sflag:s6] =	ssyncadd.s32 $0xFFFFF830;
	(ifvalue) =	ssetifvalue $0x7FFFFFFF;
	v0 =	vld.msk [tilespmem:s14+$0x0 ss:$0x1], $0xffff;
	_ =	sdelay $0x4  }
0x2f: {  	s15 =	sadd.s32 $0x10, s14;
	vm1 =	vgt.s32 v0, $0x0  }
0x30: {  	v2 =	vld.msk [tilespmem:s15+$0x0 ss:$0x1], $0xffff;
	v1 =	vnsel vm1, $0x0, v0  }
0x31: {  	v1 =	vmin.u32 v1, $0x1869FF;
	_ =	sdelay $0x2  }
0x32: {  	s17 =	simm.s32 $0x20;
	s14 =	sadd.s32 $0xFA0, s14;
	s16 =	sadd.s32 $0x10, s15  }
0x33: {  	s15 =	sadd.s32 $0x10, s14;
	s18 =	smov.u32 s14;
	v0 =	vld.msk [tilespmem:s16+$0x0 ss:$0x1], $0xffff;
	vm1 =	vgt.s32 v2, $0x0;
	(ifvalue) =	ssetifvalue $0x7FFFFFFF  }
.LBB2_3:
0x34: {  	[tilespmem:s18], [sflag:$0x1] =	stream.indirect_vreg.gather [hbm4b:s2+s10], $0x1, v1, vm0, $0x4038;
	[tilespmem:$0x1F40] =	vst v63  }
0x35: {  	s17 =	sadd.s32 $0x10, s17  }
0x36: {  	v2 =	vnsel vm1, $0x0, v2;
	p0 =	slt.u32 s17, $0x7C0  }
.Ltmp3:
0x37: {  	s18 =	smov.u32 s15;
	v1 =	vmin.u32 v2, $0x1869FF;
	(pc) =	sbr.rel @p0 .LBB2_3-.Ltmp3, $3  }
0x38: {  	_ =	sdelay $0x1  }
0x39: {  	s16 =	sadd.s32 $0x10, s16  }
0x3a: {  	vm1 =	vgt.s32 v0, $0x0;
	s15 =	sadd.s32 $0x10, s15;
	v2 =	vmov v0;
	(ifvalue) =	ssetifvalue $0x7FFFFFFF;
	v0 =	vld.msk [tilespmem:s16+$0x0 ss:$0x1], $0xffff  }
.Ltmp4:
0x3b: {  	_ = 	snop;
	(pc) =	sbr.rel .LBB2_4-.Ltmp4, $1  }
0x3c: {  	_ =	sdelay $0x3  }
.LBB2_6:
0x3d: {  	_ =	sfence.sel $0x180000  }
0x3e: {  	s2 =	simm.s32 $0x2;
	[bflag:$0x0] =	sbarrier.arrive $0xFFFF  }
0x3f: {  	s30 =	simm.s32 $0x3;
	[sflag:s2] =	ssyncpa.u1 $0x1  }
0x40: {  	s31 =	simm.s32 $0x1;
	[sflag:s30] =	ssyncpa.u1 $0x1  }
0x41: {  	[sflag:s31] =	ssyncpa.u1 $0x1  }
0x42: {  	p0 =	sne.s32 s1, $0x0;
	_ =	strace $0x90000050  }
0x43: {  	s0 =	sadd.s32 @!p0 $0x100000, s0;
	[bflag:$0x2] =	sbarrier.arrive $0xFFFF  }
0x44: {  	[sflag:s0] =	ssyncadd.tile.s32 @!p0 $0x1;
	_ =	shalt  }
.Lfunc_end2:
_tile_overlayer_lowered:
.L_overlay_start_2:
0x45: {  	(tag) =	ssettag $0x2  }
0x46: {  	s0 =	rddreg [dreg:$0x0];
	s2 =	stileid.u32  }
0x47: {  	s1 =	rddreg [dreg:$0x1];
	p0 =	sne.s32 s2, $0x0  }
0x48: {  	s3 =	rddreg [dreg:$0x2];
	[bflag:$0x3] =	sbarrier.arrive $0xFFFF;
	s2 =	simm.s32 @!p0 $0x1C01  }
0x49: {  	[timem:s3], [sflag:s2] =	dma.local @!p0 [hbm:s0], s1  }
0x4a: {  	s0 =	simm.s32 @!p0 $0x1  }
0x4b: {  	_ =	swait.ge @!p0 [sflag:s0], s1  }
0x4c: {  	s1 =	ssub.s32 @!p0 $0x0, s1;
	[sflag:s0] =	ssyncset.done @!p0 $0x0  }
0x4d: {  	[sflag:s0] =	ssyncadd.s32 @!p0 s1  }
0x4e: {  	[bflag:$0x3] =	sbarrier.arrive $0xFFFF  }
0x4f: {  	_ =	shalt  }

// kernel: kernel.11.cloned.1.call-start
scs
__scs_entry_jumppad:
0x0: {  	(pc) =	sbr.rel $0x88, $3  }
0x1: {  	(tag) =	ssettag $0x0;
	lr =	simm.s32 $0x1  }
0x2: {  	[smem:$0x3F84] =	sst lr;
	_ =	strace $0xD0000000  }
0x3: {  	_ = 	snop  }
0x4: {  	_ = 	snop  }
0x5: {  	_ = 	snop  }
0x6: {  	_ = 	snop  }
0x7: {  	_ = 	snop  }
__scs_overlays_trampoline_lowered:
0x8: {  	[smem:$0x3F93] =	sst s0  }
0x9: {  	[smem:$0x3F94] =	sst s1  }
0xa: {  	[smem:$0x3F95] =	sst s2  }
0xb: {  	[smem:$0x3F96] =	sst s3  }
0xc: {  	[smem:$0x3F97] =	sst s4  }
0xd: {  	[smem:$0x3F98] =	sst s5  }
0xe: {  	[smem:$0x3F99] =	sst s6  }
0xf: {  	[smem:$0x3F9A] =	sst s7  }
0x10: {  	[smem:$0x3F9B] =	sst s8  }
0x11: {  	[smem:$0x3F9C] =	sst s9;
	s0 =	simm.s32 @!p0 $0x0  }
0x12: {  	s1 =	sld [smem:$0x3F82];
	s0 =	simm.s32 @p0 $0x1  }
0x13: {  	[smem:$0x3F9D] =	sst s0;
	s0 =	simm.s32 @!p1 $0x0  }
0x14: {  	s2 =	sld [smem:$0x3F81];
	s0 =	simm.s32 @p1 $0x1  }
0x15: {  	[smem:$0x3F9E] =	sst s0;
	s0 =	simm.s32 @!p2 $0x0  }
0x16: {  	s3 =	sld [smem:$0x3FDB];
	s0 =	simm.s32 @p2 $0x1  }
0x17: {  	s4 =	simm.s32 $0x1BF5;
	[smem:$0x3FA0] =	sst s0  }
0x18: {  	s0 =	sld [smem:$0x3F83];
	_ =	swait.ge [sflag:s4], $0x0  }
0x19: {  	s7 =	sld [smem:$0x3F84]  }
0x1a: {  	s8 =	sadd.s32 $0xFFFFE003, lr  }
0x1b: {  	s9 =	sadd.s32 $0xFFFFFEF7, lr;
	s5 =	simm.s32 $0xFFFFFFFF;
	p2 =	slt.u32 s8, $0xFFFFF086  }
0x1c: {  	p1 =	slt.u32 s9, $0xF7A;
	s5 =	simm.s32 @!p2 $0x0  }
0x1d: {  	s5 =	simm.s32 @p1 $0x1;
	p0 =	seq.s32 s7, s2  }
0x1e: {  	s7 =	smul.u32 @!p0 $0xF7A, s2;
	p2 =	seq.s32 @!p0 s5, $0x0  }
0x1f: {  	s9 =	smul.u32 $0xF7A, s1;
	s8 =	simm.s32 @!p0 $0x1BF5;
	p2 =	por !p2, p0  }
0x20: {  	[sflag:s8] =	ssyncset.s32 @!p0 $0xFFFFF086;
	s6 =	sadd.s32 @!p0 s3, s7;
	s7 =	simm.s32 @!p0 $0x108  }
0x21: {  	s3 =	sadd.s32 s3, s9;
	s6 =	sadd.s32 @!p0 $0x88, s6;
	s7 =	simm.s32 @p2 $0x1082  }
0x22: {  	[simem:s7], [sflag:s8] =	dma.local @!p0 [hbm:s6], $0xF7A  }
0x23: {  	s9 =	sor.u32 $0xD0000000, s2;
	s6 =	simm.s32 $0x108;
	_ =	swait.ge @!p0 [sflag:s8], $0x0  }
0x24: {  	s3 =	sadd.s32 $0x88, s3;
	s6 =	simm.s32 @!p1 $0x1082;
	[sflag:s4] =	ssyncset.s32 $0xFFFFF086  }
0x25: {  	[simem:s6], [sflag:s4] =	dma.local [hbm:s3], $0xF7A  }
0x26: {  	[smem:$0x3F84] =	sst s1;
	(tag) =	ssettag s2;
	_ =	strace s9  }
0x27: {  	s1 =	sld [smem:$0x3F94]  }
0x28: {  	s2 =	sld [smem:$0x3F95]  }
0x29: {  	s4 =	sld [smem:$0x3F97]  }
0x2a: {  	p0 =	seq.s32 s5, $0x0;
	s5 =	sld [smem:$0x3F98]  }
0x2b: {  	s6 =	sld [smem:$0x3F99]  }
0x2c: {  	s7 =	sld [smem:$0x3F9A]  }
0x2d: {  	s3 =	simm.s32 $0x108;
	s8 =	sld [smem:$0x3F9B]  }
0x2e: {  	s3 =	simm.s32 @!p0 $0x1082;
	s9 =	sld [smem:$0x3F9C]  }
0x2f: {  	lr =	sadd.s32 s0, s3;
	s0 =	sld [smem:$0x3F93]  }
0x30: {  	s3 =	sld [smem:$0x3F96]  }
0x31: {  	[smem:$0x3F9F] =	sst s10  }
0x32: {  	s10 =	sld [smem:$0x3F9D];
	_ =	sdelay $0x3  }
0x33: {  	p0 =	seq.s32 s10, $0x1;
	s10 =	sld [smem:$0x3F9F];
	_ =	sdelay $0x3  }
0x34: {  	[smem:$0x3F9F] =	sst s10  }
0x35: {  	s10 =	sld [smem:$0x3F9E];
	_ =	sdelay $0x3  }
0x36: {  	p1 =	seq.s32 s10, $0x1;
	s10 =	sld [smem:$0x3F9F];
	_ =	sdelay $0x3  }
0x37: {  	[smem:$0x3F9F] =	sst s10  }
0x38: {  	s10 =	sld [smem:$0x3FA0]  }
0x39: {  	_ = 	snop;
	(pc) =	sbr.ind lr, $3  }
0x3a: {  	_ = 	snop  }
0x3b: {  	_ = 	snop  }
0x3c: {  	p2 =	seq.s32 s10, $0x1;
	s10 =	sld [smem:$0x3F9F]  }
0x3d: {  	_ =	shalt  }
0x3e: {  	_ =	shalt  }
0x3f: {  	_ =	shalt  }
0x40: {  	_ =	shalt  }
0x41: {  	_ =	shalt  }
0x42: {  	_ =	shalt  }
0x43: {  	_ =	shalt  }
0x44: {  	_ =	shalt  }
0x45: {  	_ =	shalt  }
0x46: {  	_ =	shalt  }
0x47: {  	_ =	shalt  }
0x48: {  	_ =	shalt  }
0x49: {  	_ =	shalt  }
0x4a: {  	_ =	shalt  }
0x4b: {  	_ =	shalt  }
0x4c: {  	_ =	shalt  }
0x4d: {  	_ =	shalt  }
0x4e: {  	_ =	shalt  }
0x4f: {  	_ =	shalt  }
0x50: {  	_ =	shalt  }
0x51: {  	_ =	shalt  }
0x52: {  	_ =	shalt  }
0x53: {  	_ =	shalt  }
0x54: {  	_ =	shalt  }
0x55: {  	_ =	shalt  }
0x56: {  	_ =	shalt  }
0x57: {  	_ =	shalt  }
0x58: {  	_ =	shalt  }
0x59: {  	_ =	shalt  }
0x5a: {  	_ =	shalt  }
0x5b: {  	_ =	shalt  }
0x5c: {  	_ =	shalt  }
0x5d: {  	_ =	shalt  }
0x5e: {  	_ =	shalt  }
0x5f: {  	_ =	shalt  }
0x60: {  	_ =	shalt  }
0x61: {  	_ =	shalt  }
0x62: {  	_ =	shalt  }
0x63: {  	_ =	shalt  }
0x64: {  	_ =	shalt  }
0x65: {  	_ =	shalt  }
0x66: {  	_ =	shalt  }
0x67: {  	_ =	shalt  }
0x68: {  	_ =	shalt  }
0x69: {  	_ =	shalt  }
0x6a: {  	_ =	shalt  }
0x6b: {  	_ =	shalt  }
0x6c: {  	_ =	shalt  }
0x6d: {  	_ =	shalt  }
0x6e: {  	_ =	shalt  }
0x6f: {  	_ =	shalt  }
0x70: {  	_ =	shalt  }
0x71: {  	_ =	shalt  }
0x72: {  	_ =	shalt  }
0x73: {  	_ =	shalt  }
0x74: {  	_ =	shalt  }
0x75: {  	_ =	shalt  }
0x76: {  	_ =	shalt  }
0x77: {  	_ =	shalt  }
0x78: {  	_ =	shalt  }
0x79: {  	_ =	shalt  }
0x7a: {  	_ =	shalt  }
0x7b: {  	_ =	shalt  }
0x7c: {  	_ =	shalt  }
0x7d: {  	_ =	shalt  }
0x7e: {  	_ =	shalt  }
0x7f: {  	_ =	shalt  }
0x80: {  	_ =	shalt  }
0x81: {  	_ =	shalt  }
0x82: {  	_ =	shalt  }
0x83: {  	_ =	shalt  }
0x84: {  	_ =	shalt  }
0x85: {  	_ =	shalt  }
0x86: {  	_ =	shalt  }
0x87: {  	_ =	shalt  }
.Lfunc_end0:
.L_simem_size_0:
called_computation.7_lowered:
.L_overlay_start_0:
0x88: {  	s2 =	sld [smem:$0x3FD9]  }
0x89: {  	s3 =	sld [smem:$0x3FFE];
	_ =	sdelay $0x1  }
0x8a: {  	s1 =	srdreg.scid  }
0x8b: {  	s0 =	sand.u32 $0x1, s1  }
0x8c: {  	s17 =	sshll.u32 s0, $0xA;
	s2 =	sadd.s32 s3, s2  }
0x8d: {  	s2 =	sadd.s32 s2, s17  }
0x8e: {  	[smem:$0x3FAB] =	sst s2  }
0x8f: {  	_ = 	snop  }
0x90: {  	s2 =	sld [smem:$0x3FD0];
	(tm) =	ssettm $0x1  }
0x91: {  	s18 =	sld [smem:$0x3FFB];
	_ =	sdelay $0x3  }
0x92: {  	_ =	strace s18  }
0x93: {  	s3 =	sld [smem:$0x3FFC];
	_ =	sdelay $0x3  }
0x94: {  	_ =	strace s3  }
0x95: {  	s3 =	sld [smem:$0x3FFD];
	_ =	sdelay $0x3  }
0x96: {  	_ =	strace s3  }
0x97: {  	_ =	strace $0x8FFFFFFF  }
0x98: {  	s19 =	sld [smem:$0x3FDB];
	_ =	sdelay $0x1  }
0x99: {  	s4 =	simm.s32 $_scs_section_size  }
0x9a: {  	s5 =	simm.s32 $_size__tile_overlayer_lowered;
	s6 =	simm.s32 $_tile_overlayer_lowered  }
0x9b: {  	s22 =	simm.s32 $0x1BFF;
	s21 =	sshll.u32 s6, $0x1;
	s3 =	sadd.s32 s4, s19  }
0x9c: {  	s7 =	simm.s32 $0x0;
	s20 =	sshll.u32 s5, $0x1;
	s5 =	sadd.s32 s21, s3  }
0x9d: {  	[timem:s7], [sflag:s22] =	dma.local [hbm:s5], s20  }
0x9e: {  	_ =	swait.ge [sflag:s22], s20  }
0x9f: {  	s4 =	ssub.s32 $0x0, s20;
	[sflag:s22] =	ssyncset.done $0x0  }
0xa0: {  	[sflag:s22] =	ssyncadd.s32 s4;
	_ =	sdelay $0x1  }
0xa1: {  	s23 =	simm.s32 $0x1B8B  }
0xa2: {  	_ =	swait.ge [sflag:s23], $0x1  }
0xa3: {  	[sflag:s23] =	ssyncset.done $0x0  }
0xa4: {  	s25 =	simm.s32 $0x1B8E;
	s24 =	sld [smem:$0x3FFE];
	[sflag:s23] =	ssyncadd.s32 $0xFFFFFFFF  }
0xa5: {  	s26 =	simm.s32 $execute0_lowered;
	[smem:$0x3FD2] =	sst s25  }
0xa6: {  	s5 =	sshll.u32 s26, $0x1;
	_ =	strace $0x80000049;
	[dreg:$0x1] =	wrdreg $0xFFFFFFFF  }
0xa7: {  	s28 =	simm.s32 $_size_execute0_lowered;
	s3 =	sadd.s32 s3, s5;
	[dreg:$0x0] =	wrdreg $0x0  }
0xa8: {  	s5 =	sshll.u32 s28, $0x1;
	[dreg:$0x2] =	wrdreg s3  }
0xa9: {  	[dreg:$0x3] =	wrdreg s5  }
0xaa: {  	[dreg:$0x4] =	wrdreg $0xC0  }
0xab: {  	_ =	task [dreg:s7], $0x5FFFF  }
0xac: {  	[dreg:$0x1] =	wrdreg $0xFFFFFFFF  }
0xad: {  	[dreg:$0x0] =	wrdreg $0x60  }
0xae: {  	[dreg:$0x2] =	wrdreg s24  }
0xaf: {  	[dreg:$0x3] =	wrdreg s2  }
0xb0: {  	[dreg:$0x4] =	wrdreg $0x9  }
0xb1: {  	_ =	task.clear_ibuf [dreg:s7], $0x5FFFF;
	_ =	strace $0x90000049  }
0xb2: {  	s29 =	simm.s32 $0x9;
	_ =	strace $0x8000004B  }
0xb3: {  	_ =	swait.ge [sflag:s29], $0x1  }
0xb4: {  	[sflag:s29] =	ssyncadd.s32 $0xFFFFFFFF  }
0xb5: {  	_ =	strace $0x9000004B  }
0xb6: {  	_ =	sfence  }
0xb7: {  	s30 =	sld [smem:$0x0];
	_ =	sdelay $0x2  }
0xb8: {  	s31 =	sshll.u32 s1, $0xD;
	s1 =	sshrl.u32 s1, $0x2  }
0xb9: {  	s3 =	sand.u32 $0x4000, s31;
	s1 =	sadd.s32 s1, s30  }
0xba: {  	s0 =	sor.u32 s3, s0;
	s1 =	sshll.u32 s1, $0x11  }
0xbb: {  	s0 =	sor.u32 s1, s0  }
0xbc: {  	s0 =	sadd.s32 $0x8F2B, s0  }
0xbd: {  	[sflag:s0] =	ssyncadd.remote.s32 $0x1  }
0xbe: {  	_ =	sfence.sel $0xFFFF  }
0xbf: {  	[dreg:$0x0] =	wrdreg $0xFFFFFFFF;
	(pc) =	sbr.abs _section_cstart, $3  }
0xc0: {  	[dreg:$0x1] =	wrdreg $0xFFFFFFFF  }
0xc1: {  	_ =	task.clear_ibuf [dreg:s7], $0x2FFFF;
	_ =	strace $0x9FFFFFFF  }
0xc2: {  	(tm) =	ssettm $0x7FFFFFFF  }
0xc3: {  	_ =	shalt  }
tec
execute0_lowered:
.L_overlay_start_1:
0x0: {  	(tag) =	ssettag $0x1  }
0x1: {  	s1 =	srdreg.scid;
	s0 =	stileid.u32  }
0x2: {  	s15 =	sand.u32 $0x1, s1;
	s26 =	sshll.u32 s0, $0x1  }
0x3: {  	s9 =	rddreg [dreg:$0x0];
	s10 =	sor.u32 s15, s26  }
0x4: {  	s14 =	rddreg [dreg:$0x1];
	s16 =	smul.u32 $0x620, s10  }
0x5: {  	s2 =	simm.s32 $0x0;
	s1 =	rddreg [dreg:$0x2]  }
0x6: {  	[smem:$0x7FF] =	sst s2;
	s3 =	sshrl.u32 s16, $0x3  }
0x7: {  	_ =	strace $0x8000004A;
	s4 =	sadd.s32 s14, s3;
	s3 =	simm.s32 $0x2  }
0x8: {  	[tilespmem:s2], [sflag:$0x2] =	stream.linear.gather [hbm4b:s4+s2], $0x188, $0x38;
	[tilespmem:$0xC600] =	vst v63  }
0x9: {  	_ =	swait.ge [sflag:s3], $0x188  }
0xa: {  	s6 =	simm.s32 $0x188;
	s7 =	simm.s32 $0x200;
	[sflag:s3] =	ssyncset.done $0x0  }
0xb: {  	s8 =	simm.s32 $0x1;
	s5 =	sadd.s32 $0x30E2A00, s9;
	[sflag:s3] =	ssyncadd.s32 $0xFFFFFE78  }
0xc: {  	[tilespmem:s7], [sflag:$0x1] =	stream.indirect.gather [hbm4b:s5+s6], $0x80, s2, s6, $0xb8;
	[tilespmem:$0xC600] =	vst v63  }
0xd: {  	s10 =	smul.u32 $0x6200, s10;
	_ =	swait.ge [sflag:s8], $0xC400  }
0xe: {  	s17 =	sadd.s32 $0x9800, s9;
	[sflag:s8] =	ssyncset.done $0x0  }
0xf: {  	s9 =	sadd.s32 s17, s10;
	[sflag:s8] =	ssyncadd.s32 $0xFFFF3C00  }
0x10: {  	[hbm4b:s9+s2] =	stream.linear.scatter [tilespmem:s7], [sflag:$0x2], $0xC400, $0x38;
	[tilespmem:$0xC600] =	vst v63  }
0x11: {  	s11 =	sadd.s32 $0x188, s16;
	_ =	swait.ge [sflag:s3], $0xC400  }
0x12: {  	s28 =	sshrl.u32 s11, $0x3;
	[sflag:s3] =	ssyncset.done $0x0  }
0x13: {  	s10 =	sadd.s32 s14, s28;
	[sflag:s3] =	ssyncadd.s32 $0xFFFF3C00  }
0x14: {  	[tilespmem:s2], [sflag:$0x2] =	stream.linear.gather [hbm4b:s10+s2], $0x188, $0x38;
	[tilespmem:$0xC600] =	vst v63  }
0x15: {  	_ =	swait.ge [sflag:s3], $0x188  }
0x16: {  	[sflag:s3] =	ssyncset.done $0x0  }
0x17: {  	[sflag:s3] =	ssyncadd.s32 $0xFFFFFE78  }
0x18: {  	[tilespmem:s7], [sflag:$0x1] =	stream.indirect.gather [hbm4b:s5+s6], $0x80, s2, s6, $0xb8;
	[tilespmem:$0xC600] =	vst v63  }
0x19: {  	_ =	swait.ge [sflag:s8], $0xC400  }
0x1a: {  	s11 =	sshll.u32 s11, $0x4;
	[sflag:s8] =	ssyncset.done $0x0  }
0x1b: {  	s11 =	sadd.s32 s17, s11;
	[sflag:s8] =	ssyncadd.s32 $0xFFFF3C00  }
0x1c: {  	[hbm4b:s11+s2] =	stream.linear.scatter [tilespmem:s7], [sflag:$0x2], $0xC400, $0x38;
	[tilespmem:$0xC600] =	vst v63  }
0x1d: {  	s13 =	sadd.s32 $0x310, s16;
	_ =	swait.ge [sflag:s3], $0xC400  }
0x1e: {  	s12 =	sshrl.u32 s13, $0x3;
	[sflag:s3] =	ssyncset.done $0x0  }
0x1f: {  	s12 =	sadd.s32 s14, s12;
	[sflag:s3] =	ssyncadd.s32 $0xFFFF3C00  }
0x20: {  	[tilespmem:s2], [sflag:$0x2] =	stream.linear.gather [hbm4b:s12+s2], $0x188, $0x38;
	[tilespmem:$0xC600] =	vst v63  }
0x21: {  	_ =	swait.ge [sflag:s3], $0x188  }
0x22: {  	[sflag:s3] =	ssyncset.done $0x0  }
0x23: {  	[sflag:s3] =	ssyncadd.s32 $0xFFFFFE78  }
0x24: {  	[tilespmem:s7], [sflag:$0x1] =	stream.indirect.gather [hbm4b:s5+s6], $0x80, s2, s6, $0xb8;
	[tilespmem:$0xC600] =	vst v63  }
0x25: {  	_ =	swait.ge [sflag:s8], $0xC400  }
0x26: {  	s13 =	sshll.u32 s13, $0x4;
	[sflag:s8] =	ssyncset.done $0x0  }
0x27: {  	s13 =	sadd.s32 s17, s13;
	[sflag:s8] =	ssyncadd.s32 $0xFFFF3C00  }
0x28: {  	[hbm4b:s13+s2] =	stream.linear.scatter [tilespmem:s7], [sflag:$0x2], $0xC400, $0x38;
	[tilespmem:$0xC600] =	vst v63  }
0x29: {  	s16 =	sadd.s32 $0x498, s16;
	_ =	swait.ge [sflag:s3], $0xC400  }
0x2a: {  	s18 =	sshrl.u32 s16, $0x3;
	[sflag:s3] =	ssyncset.done $0x0  }
0x2b: {  	s15 =	ssub.s32 $0x2, s15;
	s14 =	sadd.s32 s14, s18;
	[sflag:s3] =	ssyncadd.s32 $0xFFFF3C00  }
0x2c: {  	[tilespmem:s2], [sflag:$0x2] =	stream.linear.gather [hbm4b:s14+s2], $0x188, $0x38;
	[tilespmem:$0xC600] =	vst v63  }
0x2d: {  	s29 =	sshrl.u32 s15, $0x1;
	_ =	swait.ge [sflag:s3], $0x188  }
0x2e: {  	s18 =	ssub.s32 s15, s29;
	[sflag:s3] =	ssyncset.done $0x0  }
0x2f: {  	s31 =	smax.u32 s18, $0x1;
	[sflag:s3] =	ssyncadd.s32 $0xFFFFFE78  }
0x30: {  	[tilespmem:s7], [sflag:$0x1] =	stream.indirect.gather [hbm4b:s5+s6], $0x80, s2, s6, $0xb8;
	[tilespmem:$0xC600] =	vst v63  }
0x31: {  	p0 =	sne.s32 s31, $0x1;
	_ =	swait.ge [sflag:s8], $0xC400  }
.Ltmp0:
0x32: {  	s30 =	sshll.u32 s16, $0x4;
	[sflag:s8] =	ssyncset.done $0x0;
	(pc) =	sbr.rel @!p0 .LBB2_2-.Ltmp0, $4  }
0x33: {  	s15 =	sadd.s32 s17, s30;
	[sflag:s8] =	ssyncadd.s32 $0xFFFF3C00  }
0x34: {  	[hbm4b:s15+s2] =	stream.linear.scatter [tilespmem:s7], [sflag:$0x2], $0xC400, $0x38;
	[tilespmem:$0xC600] =	vst v63  }
0x35: {  	_ =	swait.ge [sflag:s3], $0xC400  }
0x36: {  	s16 =	sadd.s32 $0xFFFFFFFF, s31;
	[sflag:s3] =	ssyncset.done $0x0  }
.LBB2_1:
0x37: {  	p0 =	sne.s32 s16, $0x1;
	s16 =	sadd.s32 $0xFFFFFFFF, s16;
	[sflag:s3] =	ssyncadd.s32 $0xFFFF3C00  }
0x38: {  	[tilespmem:s2], [sflag:$0x2] =	stream.linear.gather [hbm4b:s4+s2], $0x188, $0x38;
	[tilespmem:$0xC600] =	vst v63  }
0x39: {  	_ =	swait.ge [sflag:s3], $0x188  }
0x3a: {  	[sflag:s3] =	ssyncset.done $0x0  }
0x3b: {  	[sflag:s3] =	ssyncadd.s32 $0xFFFFFE78  }
0x3c: {  	[tilespmem:s7], [sflag:$0x1] =	stream.indirect.gather [hbm4b:s5+s6], $0x80, s2, s6, $0xb8;
	[tilespmem:$0xC600] =	vst v63  }
0x3d: {  	_ =	swait.ge [sflag:s8], $0xC400  }
0x3e: {  	[sflag:s8] =	ssyncset.done $0x0  }
0x3f: {  	[sflag:s8] =	ssyncadd.s32 $0xFFFF3C00  }
0x40: {  	[hbm4b:s9+s2] =	stream.linear.scatter [tilespmem:s7], [sflag:$0x2], $0xC400, $0x38;
	[tilespmem:$0xC600] =	vst v63  }
0x41: {  	_ =	swait.ge [sflag:s3], $0xC400  }
0x42: {  	[sflag:s3] =	ssyncset.done $0x0  }
0x43: {  	[sflag:s3] =	ssyncadd.s32 $0xFFFF3C00  }
0x44: {  	[tilespmem:s2], [sflag:$0x2] =	stream.linear.gather [hbm4b:s10+s2], $0x188, $0x38;
	[tilespmem:$0xC600] =	vst v63  }
0x45: {  	_ =	swait.ge [sflag:s3], $0x188  }
0x46: {  	[sflag:s3] =	ssyncset.done $0x0  }
0x47: {  	[sflag:s3] =	ssyncadd.s32 $0xFFFFFE78  }
0x48: {  	[tilespmem:s7], [sflag:$0x1] =	stream.indirect.gather [hbm4b:s5+s6], $0x80, s2, s6, $0xb8;
	[tilespmem:$0xC600] =	vst v63  }
0x49: {  	_ =	swait.ge [sflag:s8], $0xC400  }
0x4a: {  	[sflag:s8] =	ssyncset.done $0x0  }
0x4b: {  	[sflag:s8] =	ssyncadd.s32 $0xFFFF3C00  }
0x4c: {  	[hbm4b:s11+s2] =	stream.linear.scatter [tilespmem:s7], [sflag:$0x2], $0xC400, $0x38;
	[tilespmem:$0xC600] =	vst v63  }
0x4d: {  	_ =	swait.ge [sflag:s3], $0xC400  }
0x4e: {  	[sflag:s3] =	ssyncset.done $0x0  }
0x4f: {  	[sflag:s3] =	ssyncadd.s32 $0xFFFF3C00  }
0x50: {  	[tilespmem:s2], [sflag:$0x2] =	stream.linear.gather [hbm4b:s12+s2], $0x188, $0x38;
	[tilespmem:$0xC600] =	vst v63  }
0x51: {  	_ =	swait.ge [sflag:s3], $0x188  }
0x52: {  	[sflag:s3] =	ssyncset.done $0x0  }
0x53: {  	[sflag:s3] =	ssyncadd.s32 $0xFFFFFE78  }
0x54: {  	[tilespmem:s7], [sflag:$0x1] =	stream.indirect.gather [hbm4b:s5+s6], $0x80, s2, s6, $0xb8;
	[tilespmem:$0xC600] =	vst v63  }
0x55: {  	_ =	swait.ge [sflag:s8], $0xC400  }
0x56: {  	[sflag:s8] =	ssyncset.done $0x0  }
0x57: {  	[sflag:s8] =	ssyncadd.s32 $0xFFFF3C00  }
0x58: {  	[hbm4b:s13+s2] =	stream.linear.scatter [tilespmem:s7], [sflag:$0x2], $0xC400, $0x38;
	[tilespmem:$0xC600] =	vst v63  }
0x59: {  	_ =	swait.ge [sflag:s3], $0xC400  }
0x5a: {  	[sflag:s3] =	ssyncset.done $0x0  }
0x5b: {  	[sflag:s3] =	ssyncadd.s32 $0xFFFF3C00  }
0x5c: {  	[tilespmem:s2], [sflag:$0x2] =	stream.linear.gather [hbm4b:s14+s2], $0x188, $0x38;
	[tilespmem:$0xC600] =	vst v63  }
0x5d: {  	_ =	swait.ge [sflag:s3], $0x188  }
0x5e: {  	[sflag:s3] =	ssyncset.done $0x0  }
0x5f: {  	[sflag:s3] =	ssyncadd.s32 $0xFFFFFE78  }
0x60: {  	[tilespmem:s7], [sflag:$0x1] =	stream.indirect.gather [hbm4b:s5+s6], $0x80, s2, s6, $0xb8;
	[tilespmem:$0xC600] =	vst v63  }
0x61: {  	_ =	swait.ge [sflag:s8], $0xC400  }
.Ltmp1:
0x62: {  	[sflag:s8] =	ssyncset.done $0x0;
	(pc) =	sbr.rel @p0 .LBB2_1-.Ltmp1, $4  }
0x63: {  	[sflag:s8] =	ssyncadd.s32 $0xFFFF3C00  }
0x64: {  	[hbm4b:s15+s2] =	stream.linear.scatter [tilespmem:s7], [sflag:$0x2], $0xC400, $0x38;
	[tilespmem:$0xC600] =	vst v63  }
0x65: {  	_ =	swait.ge [sflag:s3], $0xC400  }
0x66: {  	[sflag:s3] =	ssyncset.done $0x0  }
.LBB2_2:
0x67: {  	[sflag:s3] =	ssyncadd.s32 $0xFFFF3C00  }
0x68: {  	_ =	sfence.sel $0x180000  }
0x69: {  	[bflag:$0x0] =	sbarrier.arrive $0xFFFF  }
0x6a: {  	p0 =	sne.s32 s0, $0x0;
	_ =	strace $0x9000004A  }
0x6b: {  	s0 =	sadd.s32 @!p0 $0x100000, s1;
	[bflag:$0x2] =	sbarrier.arrive $0xFFFF  }
0x6c: {  	[sflag:s0] =	ssyncadd.tile.s32 @!p0 $0x1;
	_ =	shalt  }
.Lfunc_end2:
_tile_overlayer_lowered:
.L_overlay_start_2:
0x6d: {  	(tag) =	ssettag $0x2  }
0x6e: {  	s0 =	rddreg [dreg:$0x0];
	s2 =	stileid.u32  }
0x6f: {  	s1 =	rddreg [dreg:$0x1];
	p0 =	sne.s32 s2, $0x0  }
0x70: {  	s3 =	rddreg [dreg:$0x2];
	[bflag:$0x3] =	sbarrier.arrive $0xFFFF;
	s2 =	simm.s32 @!p0 $0x1C02  }
0x71: {  	[timem:s3], [sflag:s2] =	dma.local @!p0 [hbm:s0], s1  }
0x72: {  	s0 =	simm.s32 @!p0 $0x2  }
0x73: {  	_ =	swait.ge @!p0 [sflag:s0], s1  }
0x74: {  	s1 =	ssub.s32 @!p0 $0x0, s1;
	[sflag:s0] =	ssyncset.done @!p0 $0x0  }
0x75: {  	[sflag:s0] =	ssyncadd.s32 @!p0 s1  }
0x76: {  	[bflag:$0x3] =	sbarrier.arrive $0xFFFF  }
0x77: {  	_ =	shalt  }

// kernel: kernel.14.cloned.1.call-start
scs
__scs_entry_jumppad:
0x0: {  	(pc) =	sbr.rel $0x88, $3  }
0x1: {  	(tag) =	ssettag $0x0;
	lr =	simm.s32 $0x1  }
0x2: {  	[smem:$0x3F84] =	sst lr;
	_ =	strace $0xD0000000  }
0x3: {  	_ = 	snop  }
0x4: {  	_ = 	snop  }
0x5: {  	_ = 	snop  }
0x6: {  	_ = 	snop  }
0x7: {  	_ = 	snop  }
__scs_overlays_trampoline_lowered:
0x8: {  	[smem:$0x3F93] =	sst s0  }
0x9: {  	[smem:$0x3F94] =	sst s1  }
0xa: {  	[smem:$0x3F95] =	sst s2  }
0xb: {  	[smem:$0x3F96] =	sst s3  }
0xc: {  	[smem:$0x3F97] =	sst s4  }
0xd: {  	[smem:$0x3F98] =	sst s5  }
0xe: {  	[smem:$0x3F99] =	sst s6  }
0xf: {  	[smem:$0x3F9A] =	sst s7  }
0x10: {  	[smem:$0x3F9B] =	sst s8  }
0x11: {  	[smem:$0x3F9C] =	sst s9;
	s0 =	simm.s32 @!p0 $0x0  }
0x12: {  	s1 =	sld [smem:$0x3F82];
	s0 =	simm.s32 @p0 $0x1  }
0x13: {  	[smem:$0x3F9D] =	sst s0;
	s0 =	simm.s32 @!p1 $0x0  }
0x14: {  	s2 =	sld [smem:$0x3F81];
	s0 =	simm.s32 @p1 $0x1  }
0x15: {  	[smem:$0x3F9E] =	sst s0;
	s0 =	simm.s32 @!p2 $0x0  }
0x16: {  	s3 =	sld [smem:$0x3FDB];
	s0 =	simm.s32 @p2 $0x1  }
0x17: {  	s4 =	simm.s32 $0x1BF5;
	[smem:$0x3FA0] =	sst s0  }
0x18: {  	s0 =	sld [smem:$0x3F83];
	_ =	swait.ge [sflag:s4], $0x0  }
0x19: {  	s7 =	sld [smem:$0x3F84]  }
0x1a: {  	s8 =	sadd.s32 $0xFFFFE003, lr  }
0x1b: {  	s9 =	sadd.s32 $0xFFFFFEF7, lr;
	s5 =	simm.s32 $0xFFFFFFFF;
	p2 =	slt.u32 s8, $0xFFFFF086  }
0x1c: {  	p1 =	slt.u32 s9, $0xF7A;
	s5 =	simm.s32 @!p2 $0x0  }
0x1d: {  	s5 =	simm.s32 @p1 $0x1;
	p0 =	seq.s32 s7, s2  }
0x1e: {  	s7 =	smul.u32 @!p0 $0xF7A, s2;
	p2 =	seq.s32 @!p0 s5, $0x0  }
0x1f: {  	s9 =	smul.u32 $0xF7A, s1;
	s8 =	simm.s32 @!p0 $0x1BF5;
	p2 =	por !p2, p0  }
0x20: {  	[sflag:s8] =	ssyncset.s32 @!p0 $0xFFFFF086;
	s6 =	sadd.s32 @!p0 s3, s7;
	s7 =	simm.s32 @!p0 $0x108  }
0x21: {  	s3 =	sadd.s32 s3, s9;
	s6 =	sadd.s32 @!p0 $0x88, s6;
	s7 =	simm.s32 @p2 $0x1082  }
0x22: {  	[simem:s7], [sflag:s8] =	dma.local @!p0 [hbm:s6], $0xF7A  }
0x23: {  	s9 =	sor.u32 $0xD0000000, s2;
	s6 =	simm.s32 $0x108;
	_ =	swait.ge @!p0 [sflag:s8], $0x0  }
0x24: {  	s3 =	sadd.s32 $0x88, s3;
	s6 =	simm.s32 @!p1 $0x1082;
	[sflag:s4] =	ssyncset.s32 $0xFFFFF086  }
0x25: {  	[simem:s6], [sflag:s4] =	dma.local [hbm:s3], $0xF7A  }
0x26: {  	[smem:$0x3F84] =	sst s1;
	(tag) =	ssettag s2;
	_ =	strace s9  }
0x27: {  	s1 =	sld [smem:$0x3F94]  }
0x28: {  	s2 =	sld [smem:$0x3F95]  }
0x29: {  	s4 =	sld [smem:$0x3F97]  }
0x2a: {  	p0 =	seq.s32 s5, $0x0;
	s5 =	sld [smem:$0x3F98]  }
0x2b: {  	s6 =	sld [smem:$0x3F99]  }
0x2c: {  	s7 =	sld [smem:$0x3F9A]  }
0x2d: {  	s3 =	simm.s32 $0x108;
	s8 =	sld [smem:$0x3F9B]  }
0x2e: {  	s3 =	simm.s32 @!p0 $0x1082;
	s9 =	sld [smem:$0x3F9C]  }
0x2f: {  	lr =	sadd.s32 s0, s3;
	s0 =	sld [smem:$0x3F93]  }
0x30: {  	s3 =	sld [smem:$0x3F96]  }
0x31: {  	[smem:$0x3F9F] =	sst s10  }
0x32: {  	s10 =	sld [smem:$0x3F9D];
	_ =	sdelay $0x3  }
0x33: {  	p0 =	seq.s32 s10, $0x1;
	s10 =	sld [smem:$0x3F9F];
	_ =	sdelay $0x3  }
0x34: {  	[smem:$0x3F9F] =	sst s10  }
0x35: {  	s10 =	sld [smem:$0x3F9E];
	_ =	sdelay $0x3  }
0x36: {  	p1 =	seq.s32 s10, $0x1;
	s10 =	sld [smem:$0x3F9F];
	_ =	sdelay $0x3  }
0x37: {  	[smem:$0x3F9F] =	sst s10  }
0x38: {  	s10 =	sld [smem:$0x3FA0]  }
0x39: {  	_ = 	snop;
	(pc) =	sbr.ind lr, $3  }
0x3a: {  	_ = 	snop  }
0x3b: {  	_ = 	snop  }
0x3c: {  	p2 =	seq.s32 s10, $0x1;
	s10 =	sld [smem:$0x3F9F]  }
0x3d: {  	_ =	shalt  }
0x3e: {  	_ =	shalt  }
0x3f: {  	_ =	shalt  }
0x40: {  	_ =	shalt  }
0x41: {  	_ =	shalt  }
0x42: {  	_ =	shalt  }
0x43: {  	_ =	shalt  }
0x44: {  	_ =	shalt  }
0x45: {  	_ =	shalt  }
0x46: {  	_ =	shalt  }
0x47: {  	_ =	shalt  }
0x48: {  	_ =	shalt  }
0x49: {  	_ =	shalt  }
0x4a: {  	_ =	shalt  }
0x4b: {  	_ =	shalt  }
0x4c: {  	_ =	shalt  }
0x4d: {  	_ =	shalt  }
0x4e: {  	_ =	shalt  }
0x4f: {  	_ =	shalt  }
0x50: {  	_ =	shalt  }
0x51: {  	_ =	shalt  }
0x52: {  	_ =	shalt  }
0x53: {  	_ =	shalt  }
0x54: {  	_ =	shalt  }
0x55: {  	_ =	shalt  }
0x56: {  	_ =	shalt  }
0x57: {  	_ =	shalt  }
0x58: {  	_ =	shalt  }
0x59: {  	_ =	shalt  }
0x5a: {  	_ =	shalt  }
0x5b: {  	_ =	shalt  }
0x5c: {  	_ =	shalt  }
0x5d: {  	_ =	shalt  }
0x5e: {  	_ =	shalt  }
0x5f: {  	_ =	shalt  }
0x60: {  	_ =	shalt  }
0x61: {  	_ =	shalt  }
0x62: {  	_ =	shalt  }
0x63: {  	_ =	shalt  }
0x64: {  	_ =	shalt  }
0x65: {  	_ =	shalt  }
0x66: {  	_ =	shalt  }
0x67: {  	_ =	shalt  }
0x68: {  	_ =	shalt  }
0x69: {  	_ =	shalt  }
0x6a: {  	_ =	shalt  }
0x6b: {  	_ =	shalt  }
0x6c: {  	_ =	shalt  }
0x6d: {  	_ =	shalt  }
0x6e: {  	_ =	shalt  }
0x6f: {  	_ =	shalt  }
0x70: {  	_ =	shalt  }
0x71: {  	_ =	shalt  }
0x72: {  	_ =	shalt  }
0x73: {  	_ =	shalt  }
0x74: {  	_ =	shalt  }
0x75: {  	_ =	shalt  }
0x76: {  	_ =	shalt  }
0x77: {  	_ =	shalt  }
0x78: {  	_ =	shalt  }
0x79: {  	_ =	shalt  }
0x7a: {  	_ =	shalt  }
0x7b: {  	_ =	shalt  }
0x7c: {  	_ =	shalt  }
0x7d: {  	_ =	shalt  }
0x7e: {  	_ =	shalt  }
0x7f: {  	_ =	shalt  }
0x80: {  	_ =	shalt  }
0x81: {  	_ =	shalt  }
0x82: {  	_ =	shalt  }
0x83: {  	_ =	shalt  }
0x84: {  	_ =	shalt  }
0x85: {  	_ =	shalt  }
0x86: {  	_ =	shalt  }
0x87: {  	_ =	shalt  }
.Lfunc_end0:
.L_simem_size_0:
called_computation.8_lowered:
.L_overlay_start_0:
0x88: {  	s2 =	sld [smem:$0x3FD9]  }
0x89: {  	s3 =	sld [smem:$0x3FFE];
	_ =	sdelay $0x1  }
0x8a: {  	s1 =	srdreg.scid  }
0x8b: {  	s0 =	sand.u32 $0x1, s1  }
0x8c: {  	s17 =	sshll.u32 s0, $0xA;
	s2 =	sadd.s32 s3, s2  }
0x8d: {  	s2 =	sadd.s32 s2, s17  }
0x8e: {  	[smem:$0x3FAB] =	sst s2  }
0x8f: {  	_ = 	snop  }
0x90: {  	s2 =	sld [smem:$0x3FD0];
	(tm) =	ssettm $0x1  }
0x91: {  	s18 =	sld [smem:$0x3FFB];
	_ =	sdelay $0x3  }
0x92: {  	_ =	strace s18  }
0x93: {  	s3 =	sld [smem:$0x3FFC];
	_ =	sdelay $0x3  }
0x94: {  	_ =	strace s3  }
0x95: {  	s3 =	sld [smem:$0x3FFD];
	_ =	sdelay $0x3  }
0x96: {  	_ =	strace s3  }
0x97: {  	_ =	strace $0x8FFFFFFF  }
0x98: {  	s19 =	sld [smem:$0x3FDB];
	_ =	sdelay $0x1  }
0x99: {  	s4 =	simm.s32 $_scs_section_size  }
0x9a: {  	s5 =	simm.s32 $_size__tile_overlayer_lowered;
	s6 =	simm.s32 $_tile_overlayer_lowered  }
0x9b: {  	s22 =	simm.s32 $0x1BFF;
	s21 =	sshll.u32 s6, $0x1;
	s3 =	sadd.s32 s4, s19  }
0x9c: {  	s7 =	simm.s32 $0x0;
	s20 =	sshll.u32 s5, $0x1;
	s5 =	sadd.s32 s21, s3  }
0x9d: {  	[timem:s7], [sflag:s22] =	dma.local [hbm:s5], s20  }
0x9e: {  	_ =	swait.ge [sflag:s22], s20  }
0x9f: {  	s4 =	ssub.s32 $0x0, s20;
	[sflag:s22] =	ssyncset.done $0x0  }
0xa0: {  	[sflag:s22] =	ssyncadd.s32 s4;
	_ =	sdelay $0x1  }
0xa1: {  	s23 =	simm.s32 $0x1B8B  }
0xa2: {  	_ =	swait.ge [sflag:s23], $0x1  }
0xa3: {  	[sflag:s23] =	ssyncset.done $0x0  }
0xa4: {  	s25 =	simm.s32 $0x1B8E;
	s24 =	sld [smem:$0x3FFE];
	[sflag:s23] =	ssyncadd.s32 $0xFFFFFFFF  }
0xa5: {  	s26 =	simm.s32 $execute0_lowered;
	[smem:$0x3FD2] =	sst s25  }
0xa6: {  	s5 =	sshll.u32 s26, $0x1;
	_ =	strace $0x8000004C;
	[dreg:$0x1] =	wrdreg $0xFFFFFFFF  }
0xa7: {  	s28 =	simm.s32 $_size_execute0_lowered;
	s3 =	sadd.s32 s3, s5;
	[dreg:$0x0] =	wrdreg $0x0  }
0xa8: {  	s5 =	sshll.u32 s28, $0x1;
	[dreg:$0x2] =	wrdreg s3  }
0xa9: {  	[dreg:$0x3] =	wrdreg s5  }
0xaa: {  	[dreg:$0x4] =	wrdreg $0xC0  }
0xab: {  	_ =	task [dreg:s7], $0x5FFFF  }
0xac: {  	[dreg:$0x1] =	wrdreg $0xFFFFFFFF  }
0xad: {  	[dreg:$0x0] =	wrdreg $0x60  }
0xae: {  	[dreg:$0x2] =	wrdreg s24  }
0xaf: {  	[dreg:$0x3] =	wrdreg s2  }
0xb0: {  	[dreg:$0x4] =	wrdreg $0x9  }
0xb1: {  	_ =	task.clear_ibuf [dreg:s7], $0x5FFFF;
	_ =	strace $0x9000004C  }
0xb2: {  	s29 =	simm.s32 $0x9;
	_ =	strace $0x8000004E  }
0xb3: {  	_ =	swait.ge [sflag:s29], $0x1  }
0xb4: {  	[sflag:s29] =	ssyncadd.s32 $0xFFFFFFFF  }
0xb5: {  	_ =	strace $0x9000004E  }
0xb6: {  	_ =	sfence  }
0xb7: {  	s30 =	sld [smem:$0x0];
	_ =	sdelay $0x2  }
0xb8: {  	s31 =	sshll.u32 s1, $0xD;
	s1 =	sshrl.u32 s1, $0x2  }
0xb9: {  	s3 =	sand.u32 $0x4000, s31;
	s1 =	sadd.s32 s1, s30  }
0xba: {  	s0 =	sor.u32 s3, s0;
	s1 =	sshll.u32 s1, $0x11  }
0xbb: {  	s0 =	sor.u32 s1, s0  }
0xbc: {  	s0 =	sadd.s32 $0x8F2B, s0  }
0xbd: {  	[sflag:s0] =	ssyncadd.remote.s32 $0x1  }
0xbe: {  	_ =	sfence.sel $0xFFFF  }
0xbf: {  	[dreg:$0x0] =	wrdreg $0xFFFFFFFF;
	(pc) =	sbr.abs _section_cstart, $3  }
0xc0: {  	[dreg:$0x1] =	wrdreg $0xFFFFFFFF  }
0xc1: {  	_ =	task.clear_ibuf [dreg:s7], $0x2FFFF;
	_ =	strace $0x9FFFFFFF  }
0xc2: {  	(tm) =	ssettm $0x7FFFFFFF  }
0xc3: {  	_ =	shalt  }
tec
execute0_lowered:
.L_overlay_start_1:
0x0: {  	(tag) =	ssettag $0x1  }
0x1: {  	s1 =	srdreg.scid  }
0x2: {  	s0 =	stileid.u32;
	s9 =	rddreg [dreg:$0x0]  }
0x3: {  	s3 =	rddreg [dreg:$0x1];
	s6 =	sand.u32 $0x1, s1;
	s30 =	sshll.u32 s0, $0x1  }
0x4: {  	s2 =	simm.s32 $0x0;
	s1 =	rddreg [dreg:$0x2];
	s7 =	sor.u32 s6, s30  }
0x5: {  	s8 =	simm.s32 $0x1;
	[smem:$0x7FF] =	sst s2;
	s4 =	smul.u32 $0x28, s7  }
0x6: {  	s5 =	sadd.s32 $0x319000, s9;
	_ =	strace $0x8000004D;
	s11 =	ssub.s32 $0x2, s6  }
0x7: {  	s6 =	simm.s32 $0x140;
	s4 =	sadd.s32 s3, s4;
	s3 =	simm.s32 $0x2  }
0x8: {  	[tilespmem:s2], [sflag:$0x2] =	stream.linear.gather [hbm4b:s4+s2], $0x140, $0x38;
	[tilespmem:$0xA180] =	vst v63  }
0x9: {  	s10 =	smul.u32 $0x1400, s7;
	s12 =	sshrl.u32 s11, $0x1;
	_ =	swait.ge [sflag:s3], $0x140  }
0xa: {  	s7 =	simm.s32 $0x180;
	s31 =	ssub.s32 s11, s12;
	[sflag:s3] =	ssyncset.done $0x0  }
0xb: {  	s9 =	sadd.s32 s10, s9;
	s10 =	smax.u32 s31, $0x1;
	[sflag:s3] =	ssyncadd.s32 $0xFFFFFEC0  }
0xc: {  	[tilespmem:s7], [sflag:$0x1] =	stream.indirect.gather [hbm4b:s5+s6], $0x80, s2, s6, $0xb8;
	[tilespmem:$0xA180] =	vst v63  }
0xd: {  	p0 =	sne.s32 s10, $0x1;
	_ =	swait.ge [sflag:s8], $0xA000  }
.Ltmp0:
0xe: {  	[sflag:s8] =	ssyncset.done $0x0;
	(pc) =	sbr.rel @!p0 .LBB2_2-.Ltmp0, $4  }
0xf: {  	s9 =	sadd.s32 $0x9800, s9;
	[sflag:s8] =	ssyncadd.s32 $0xFFFF6000  }
0x10: {  	[hbm4b:s9+s2] =	stream.linear.scatter [tilespmem:s7], [sflag:$0x2], $0xA000, $0x38;
	[tilespmem:$0xA180] =	vst v63  }
0x11: {  	_ =	swait.ge [sflag:s3], $0xA000  }
0x12: {  	s10 =	sadd.s32 $0xFFFFFFFF, s10;
	[sflag:s3] =	ssyncset.done $0x0  }
.LBB2_1:
0x13: {  	p0 =	sne.s32 s10, $0x1;
	s10 =	sadd.s32 $0xFFFFFFFF, s10;
	[sflag:s3] =	ssyncadd.s32 $0xFFFF6000  }
0x14: {  	[tilespmem:s2], [sflag:$0x2] =	stream.linear.gather [hbm4b:s4+s2], $0x140, $0x38;
	[tilespmem:$0xA180] =	vst v63  }
0x15: {  	_ =	swait.ge [sflag:s3], $0x140  }
0x16: {  	[sflag:s3] =	ssyncset.done $0x0  }
0x17: {  	[sflag:s3] =	ssyncadd.s32 $0xFFFFFEC0  }
0x18: {  	[tilespmem:s7], [sflag:$0x1] =	stream.indirect.gather [hbm4b:s5+s6], $0x80, s2, s6, $0xb8;
	[tilespmem:$0xA180] =	vst v63  }
0x19: {  	_ =	swait.ge [sflag:s8], $0xA000  }
.Ltmp1:
0x1a: {  	[sflag:s8] =	ssyncset.done $0x0;
	(pc) =	sbr.rel @p0 .LBB2_1-.Ltmp1, $4  }
0x1b: {  	[sflag:s8] =	ssyncadd.s32 $0xFFFF6000  }
0x1c: {  	[hbm4b:s9+s2] =	stream.linear.scatter [tilespmem:s7], [sflag:$0x2], $0xA000, $0x38;
	[tilespmem:$0xA180] =	vst v63  }
0x1d: {  	_ =	swait.ge [sflag:s3], $0xA000  }
0x1e: {  	[sflag:s3] =	ssyncset.done $0x0  }
.LBB2_2:
0x1f: {  	[sflag:s3] =	ssyncadd.s32 $0xFFFF6000  }
0x20: {  	_ =	sfence.sel $0x180000  }
0x21: {  	[bflag:$0x0] =	sbarrier.arrive $0xFFFF  }
0x22: {  	p0 =	sne.s32 s0, $0x0;
	_ =	strace $0x9000004D  }
0x23: {  	s0 =	sadd.s32 @!p0 $0x100000, s1;
	[bflag:$0x2] =	sbarrier.arrive $0xFFFF  }
0x24: {  	[sflag:s0] =	ssyncadd.tile.s32 @!p0 $0x1;
	_ =	shalt  }
.Lfunc_end2:
_tile_overlayer_lowered:
.L_overlay_start_2:
0x25: {  	(tag) =	ssettag $0x2  }
0x26: {  	s0 =	rddreg [dreg:$0x0];
	s2 =	stileid.u32  }
0x27: {  	s1 =	rddreg [dreg:$0x1];
	p0 =	sne.s32 s2, $0x0  }
0x28: {  	s3 =	rddreg [dreg:$0x2];
	[bflag:$0x3] =	sbarrier.arrive $0xFFFF;
	s2 =	simm.s32 @!p0 $0x1C02  }
0x29: {  	[timem:s3], [sflag:s2] =	dma.local @!p0 [hbm:s0], s1  }
0x2a: {  	s0 =	simm.s32 @!p0 $0x2  }
0x2b: {  	_ =	swait.ge @!p0 [sflag:s0], s1  }
0x2c: {  	s1 =	ssub.s32 @!p0 $0x0, s1;
	[sflag:s0] =	ssyncset.done @!p0 $0x0  }
0x2d: {  	[sflag:s0] =	ssyncadd.s32 @!p0 s1  }
0x2e: {  	[bflag:$0x3] =	sbarrier.arrive $0xFFFF  }
0x2f: {  	_ =	shalt  }

// kernel: kernel.8.cloned.1.call-start
scs
__scs_entry_jumppad:
0x0: {  	(pc) =	sbr.rel $0x88, $3  }
0x1: {  	(tag) =	ssettag $0x0;
	lr =	simm.s32 $0x1  }
0x2: {  	[smem:$0x3F84] =	sst lr;
	_ =	strace $0xD0000000  }
0x3: {  	_ = 	snop  }
0x4: {  	_ = 	snop  }
0x5: {  	_ = 	snop  }
0x6: {  	_ = 	snop  }
0x7: {  	_ = 	snop  }
__scs_overlays_trampoline_lowered:
0x8: {  	[smem:$0x3F93] =	sst s0  }
0x9: {  	[smem:$0x3F94] =	sst s1  }
0xa: {  	[smem:$0x3F95] =	sst s2  }
0xb: {  	[smem:$0x3F96] =	sst s3  }
0xc: {  	[smem:$0x3F97] =	sst s4  }
0xd: {  	[smem:$0x3F98] =	sst s5  }
0xe: {  	[smem:$0x3F99] =	sst s6  }
0xf: {  	[smem:$0x3F9A] =	sst s7  }
0x10: {  	[smem:$0x3F9B] =	sst s8  }
0x11: {  	[smem:$0x3F9C] =	sst s9;
	s0 =	simm.s32 @!p0 $0x0  }
0x12: {  	s1 =	sld [smem:$0x3F82];
	s0 =	simm.s32 @p0 $0x1  }
0x13: {  	[smem:$0x3F9D] =	sst s0;
	s0 =	simm.s32 @!p1 $0x0  }
0x14: {  	s2 =	sld [smem:$0x3F81];
	s0 =	simm.s32 @p1 $0x1  }
0x15: {  	[smem:$0x3F9E] =	sst s0;
	s0 =	simm.s32 @!p2 $0x0  }
0x16: {  	s3 =	sld [smem:$0x3FDB];
	s0 =	simm.s32 @p2 $0x1  }
0x17: {  	s4 =	simm.s32 $0x1BF5;
	[smem:$0x3FA0] =	sst s0  }
0x18: {  	s0 =	sld [smem:$0x3F83];
	_ =	swait.ge [sflag:s4], $0x0  }
0x19: {  	s7 =	sld [smem:$0x3F84]  }
0x1a: {  	s8 =	sadd.s32 $0xFFFFE003, lr  }
0x1b: {  	s9 =	sadd.s32 $0xFFFFFEF7, lr;
	s5 =	simm.s32 $0xFFFFFFFF;
	p2 =	slt.u32 s8, $0xFFFFF086  }
0x1c: {  	p1 =	slt.u32 s9, $0xF7A;
	s5 =	simm.s32 @!p2 $0x0  }
0x1d: {  	s5 =	simm.s32 @p1 $0x1;
	p0 =	seq.s32 s7, s2  }
0x1e: {  	s7 =	smul.u32 @!p0 $0xF7A, s2;
	p2 =	seq.s32 @!p0 s5, $0x0  }
0x1f: {  	s9 =	smul.u32 $0xF7A, s1;
	s8 =	simm.s32 @!p0 $0x1BF5;
	p2 =	por !p2, p0  }
0x20: {  	[sflag:s8] =	ssyncset.s32 @!p0 $0xFFFFF086;
	s6 =	sadd.s32 @!p0 s3, s7;
	s7 =	simm.s32 @!p0 $0x108  }
0x21: {  	s3 =	sadd.s32 s3, s9;
	s6 =	sadd.s32 @!p0 $0x88, s6;
	s7 =	simm.s32 @p2 $0x1082  }
0x22: {  	[simem:s7], [sflag:s8] =	dma.local @!p0 [hbm:s6], $0xF7A  }
0x23: {  	s9 =	sor.u32 $0xD0000000, s2;
	s6 =	simm.s32 $0x108;
	_ =	swait.ge @!p0 [sflag:s8], $0x0  }
0x24: {  	s3 =	sadd.s32 $0x88, s3;
	s6 =	simm.s32 @!p1 $0x1082;
	[sflag:s4] =	ssyncset.s32 $0xFFFFF086  }
0x25: {  	[simem:s6], [sflag:s4] =	dma.local [hbm:s3], $0xF7A  }
0x26: {  	[smem:$0x3F84] =	sst s1;
	(tag) =	ssettag s2;
	_ =	strace s9  }
0x27: {  	s1 =	sld [smem:$0x3F94]  }
0x28: {  	s2 =	sld [smem:$0x3F95]  }
0x29: {  	s4 =	sld [smem:$0x3F97]  }
0x2a: {  	p0 =	seq.s32 s5, $0x0;
	s5 =	sld [smem:$0x3F98]  }
0x2b: {  	s6 =	sld [smem:$0x3F99]  }
0x2c: {  	s7 =	sld [smem:$0x3F9A]  }
0x2d: {  	s3 =	simm.s32 $0x108;
	s8 =	sld [smem:$0x3F9B]  }
0x2e: {  	s3 =	simm.s32 @!p0 $0x1082;
	s9 =	sld [smem:$0x3F9C]  }
0x2f: {  	lr =	sadd.s32 s0, s3;
	s0 =	sld [smem:$0x3F93]  }
0x30: {  	s3 =	sld [smem:$0x3F96]  }
0x31: {  	[smem:$0x3F9F] =	sst s10  }
0x32: {  	s10 =	sld [smem:$0x3F9D];
	_ =	sdelay $0x3  }
0x33: {  	p0 =	seq.s32 s10, $0x1;
	s10 =	sld [smem:$0x3F9F];
	_ =	sdelay $0x3  }
0x34: {  	[smem:$0x3F9F] =	sst s10  }
0x35: {  	s10 =	sld [smem:$0x3F9E];
	_ =	sdelay $0x3  }
0x36: {  	p1 =	seq.s32 s10, $0x1;
	s10 =	sld [smem:$0x3F9F];
	_ =	sdelay $0x3  }
0x37: {  	[smem:$0x3F9F] =	sst s10  }
0x38: {  	s10 =	sld [smem:$0x3FA0]  }
0x39: {  	_ = 	snop;
	(pc) =	sbr.ind lr, $3  }
0x3a: {  	_ = 	snop  }
0x3b: {  	_ = 	snop  }
0x3c: {  	p2 =	seq.s32 s10, $0x1;
	s10 =	sld [smem:$0x3F9F]  }
0x3d: {  	_ =	shalt  }
0x3e: {  	_ =	shalt  }
0x3f: {  	_ =	shalt  }
0x40: {  	_ =	shalt  }
0x41: {  	_ =	shalt  }
0x42: {  	_ =	shalt  }
0x43: {  	_ =	shalt  }
0x44: {  	_ =	shalt  }
0x45: {  	_ =	shalt  }
0x46: {  	_ =	shalt  }
0x47: {  	_ =	shalt  }
0x48: {  	_ =	shalt  }
0x49: {  	_ =	shalt  }
0x4a: {  	_ =	shalt  }
0x4b: {  	_ =	shalt  }
0x4c: {  	_ =	shalt  }
0x4d: {  	_ =	shalt  }
0x4e: {  	_ =	shalt  }
0x4f: {  	_ =	shalt  }
0x50: {  	_ =	shalt  }
0x51: {  	_ =	shalt  }
0x52: {  	_ =	shalt  }
0x53: {  	_ =	shalt  }
0x54: {  	_ =	shalt  }
0x55: {  	_ =	shalt  }
0x56: {  	_ =	shalt  }
0x57: {  	_ =	shalt  }
0x58: {  	_ =	shalt  }
0x59: {  	_ =	shalt  }
0x5a: {  	_ =	shalt  }
0x5b: {  	_ =	shalt  }
0x5c: {  	_ =	shalt  }
0x5d: {  	_ =	shalt  }
0x5e: {  	_ =	shalt  }
0x5f: {  	_ =	shalt  }
0x60: {  	_ =	shalt  }
0x61: {  	_ =	shalt  }
0x62: {  	_ =	shalt  }
0x63: {  	_ =	shalt  }
0x64: {  	_ =	shalt  }
0x65: {  	_ =	shalt  }
0x66: {  	_ =	shalt  }
0x67: {  	_ =	shalt  }
0x68: {  	_ =	shalt  }
0x69: {  	_ =	shalt  }
0x6a: {  	_ =	shalt  }
0x6b: {  	_ =	shalt  }
0x6c: {  	_ =	shalt  }
0x6d: {  	_ =	shalt  }
0x6e: {  	_ =	shalt  }
0x6f: {  	_ =	shalt  }
0x70: {  	_ =	shalt  }
0x71: {  	_ =	shalt  }
0x72: {  	_ =	shalt  }
0x73: {  	_ =	shalt  }
0x74: {  	_ =	shalt  }
0x75: {  	_ =	shalt  }
0x76: {  	_ =	shalt  }
0x77: {  	_ =	shalt  }
0x78: {  	_ =	shalt  }
0x79: {  	_ =	shalt  }
0x7a: {  	_ =	shalt  }
0x7b: {  	_ =	shalt  }
0x7c: {  	_ =	shalt  }
0x7d: {  	_ =	shalt  }
0x7e: {  	_ =	shalt  }
0x7f: {  	_ =	shalt  }
0x80: {  	_ =	shalt  }
0x81: {  	_ =	shalt  }
0x82: {  	_ =	shalt  }
0x83: {  	_ =	shalt  }
0x84: {  	_ =	shalt  }
0x85: {  	_ =	shalt  }
0x86: {  	_ =	shalt  }
0x87: {  	_ =	shalt  }
.Lfunc_end0:
.L_simem_size_0:
called_computation.6_lowered:
.L_overlay_start_0:
0x88: {  	s2 =	sld [smem:$0x3FD9]  }
0x89: {  	s3 =	sld [smem:$0x3FFE];
	_ =	sdelay $0x1  }
0x8a: {  	s1 =	srdreg.scid  }
0x8b: {  	s0 =	sand.u32 $0x1, s1  }
0x8c: {  	s16 =	sshll.u32 s0, $0xA;
	s2 =	sadd.s32 s3, s2  }
0x8d: {  	s2 =	sadd.s32 s2, s16  }
0x8e: {  	[smem:$0x3FAB] =	sst s2  }
0x8f: {  	_ = 	snop  }
0x90: {  	(tm) =	ssettm $0x1  }
0x91: {  	s17 =	sld [smem:$0x3FFB];
	_ =	sdelay $0x3  }
0x92: {  	_ =	strace s17  }
0x93: {  	s2 =	sld [smem:$0x3FFC];
	_ =	sdelay $0x3  }
0x94: {  	_ =	strace s2  }
0x95: {  	s2 =	sld [smem:$0x3FFD];
	_ =	sdelay $0x3  }
0x96: {  	_ =	strace s2  }
0x97: {  	_ =	strace $0x8FFFFFFF  }
0x98: {  	s18 =	sld [smem:$0x3FDB];
	_ =	sdelay $0x1  }
0x99: {  	s19 =	simm.s32 $_scs_section_size  }
0x9a: {  	s4 =	simm.s32 $_size__tile_overlayer_lowered;
	s5 =	simm.s32 $_tile_overlayer_lowered  }
0x9b: {  	s22 =	simm.s32 $0x1BFF;
	s21 =	sshll.u32 s5, $0x1;
	s2 =	sadd.s32 s19, s18  }
0x9c: {  	s6 =	simm.s32 $0x0;
	s20 =	sshll.u32 s4, $0x1;
	s4 =	sadd.s32 s21, s2  }
0x9d: {  	[timem:s6], [sflag:s22] =	dma.local [hbm:s4], s20  }
0x9e: {  	_ =	swait.ge [sflag:s22], s20  }
0x9f: {  	s3 =	ssub.s32 $0x0, s20;
	[sflag:s22] =	ssyncset.done $0x0  }
0xa0: {  	[sflag:s22] =	ssyncadd.s32 s3;
	_ =	sdelay $0x1  }
0xa1: {  	s23 =	simm.s32 $0x1B8B  }
0xa2: {  	_ =	swait.ge [sflag:s23], $0x1  }
0xa3: {  	[sflag:s23] =	ssyncset.done $0x0  }
0xa4: {  	s25 =	simm.s32 $0x1B8E;
	s24 =	sld [smem:$0x3FFE];
	[sflag:s23] =	ssyncadd.s32 $0xFFFFFFFF  }
0xa5: {  	s26 =	simm.s32 $execute0_lowered;
	[smem:$0x3FD2] =	sst s25  }
0xa6: {  	s4 =	sshll.u32 s26, $0x1;
	_ =	strace $0x80000046;
	[dreg:$0x1] =	wrdreg $0xFFFFFFFF  }
0xa7: {  	s28 =	simm.s32 $_size_execute0_lowered;
	s2 =	sadd.s32 s2, s4;
	[dreg:$0x0] =	wrdreg $0x0  }
0xa8: {  	s4 =	sshll.u32 s28, $0x1;
	[dreg:$0x2] =	wrdreg s2  }
0xa9: {  	[dreg:$0x3] =	wrdreg s4  }
0xaa: {  	[dreg:$0x4] =	wrdreg $0xC0  }
0xab: {  	_ =	task [dreg:s6], $0x5FFFF  }
0xac: {  	[dreg:$0x1] =	wrdreg $0xFFFFFFFF  }
0xad: {  	[dreg:$0x0] =	wrdreg $0x60  }
0xae: {  	[dreg:$0x2] =	wrdreg s24  }
0xaf: {  	[dreg:$0x3] =	wrdreg $0x9  }
0xb0: {  	_ =	task.clear_ibuf [dreg:s6], $0x4FFFF;
	_ =	strace $0x90000046  }
0xb1: {  	s29 =	simm.s32 $0x9;
	_ =	strace $0x80000048  }
0xb2: {  	_ =	swait.ge [sflag:s29], $0x1  }
0xb3: {  	[sflag:s29] =	ssyncadd.s32 $0xFFFFFFFF  }
0xb4: {  	_ =	strace $0x90000048  }
0xb5: {  	_ =	sfence  }
0xb6: {  	s30 =	sld [smem:$0x0];
	_ =	sdelay $0x2  }
0xb7: {  	s31 =	sshll.u32 s1, $0xD;
	s1 =	sshrl.u32 s1, $0x2  }
0xb8: {  	s3 =	sand.u32 $0x4000, s31;
	s1 =	sadd.s32 s1, s30  }
0xb9: {  	s0 =	sor.u32 s3, s0;
	s1 =	sshll.u32 s1, $0x11  }
0xba: {  	s0 =	sor.u32 s1, s0  }
0xbb: {  	s0 =	sadd.s32 $0x8F2B, s0  }
0xbc: {  	[sflag:s0] =	ssyncadd.remote.s32 $0x1  }
0xbd: {  	_ =	sfence.sel $0xFFFF  }
0xbe: {  	[dreg:$0x0] =	wrdreg $0xFFFFFFFF;
	(pc) =	sbr.abs _section_cstart, $3  }
0xbf: {  	[dreg:$0x1] =	wrdreg $0xFFFFFFFF  }
0xc0: {  	_ =	task.clear_ibuf [dreg:s6], $0x2FFFF;
	_ =	strace $0x9FFFFFFF  }
0xc1: {  	(tm) =	ssettm $0x7FFFFFFF  }
tec
execute0_lowered:
.L_overlay_start_1:
0x0: {  	(tag) =	ssettag $0x1  }
0x1: {  	s4 =	rddreg [dreg:$0x0]  }
0x2: {  	s0 =	rddreg [dreg:$0x1]  }
0x3: {  	s3 =	srdreg.scid;
	s1 =	stileid.u32;
	s2 =	simm.s32 $0x0  }
0x4: {  	s10 =	simm.s32 $0x1;
	s11 =	simm.s32 $0x0;
	s6 =	smul.u32 $0x186A0, s1  }
0x5: {  	s5 =	sand.u32 $0x1, s3;
	[smem:$0x7FF] =	sst s2;
	s8 =	smul.u32 $0x186A00, s1  }
0x6: {  	s3 =	sadd.s32 $0x3118400, s4;
	s7 =	smul.u32 $0xC350, s5;
	s9 =	ssub.s32 $0x2, s5  }
0x7: {  	_ =	strace $0x80000047;
	s5 =	smul.u32 $0xC3500, s5;
	s31 =	sshrl.u32 s9, $0x1  }
0x8: {  	s30 =	sadd.s32 s8, s4;
	s6 =	sadd.s32 s7, s6;
	s8 =	ssub.s32 s9, s31  }
0x9: {  	s5 =	sadd.s32 s5, s30;
	s7 =	simm.s32 $0x2;
	s6 =	sshrl.u32 s6, $0x3  }
0xa: {  	s9 =	simm.s32 $0x200;
	s5 =	sadd.s32 $0x9800, s5;
	s6 =	sadd.s32 s6, s4  }
0xb: {  	s4 =	smax.u32 s8, $0x1;
	s8 =	simm.s32 $0x190;
	s6 =	sadd.s32 $0x30E7600, s6  }
.LBB2_1:
0xc: {  	s12 =	sadd.s32 $0x0, s6  }
0xd: {  	[tilespmem:s2], [sflag:$0x2] =	stream.linear.gather [hbm4b:s12+s2], $0x190, $0x38;
	[tilespmem:$0xCA00] =	vst v63  }
0xe: {  	_ =	swait.ge [sflag:s7], $0x190  }
0xf: {  	[sflag:s7] =	ssyncset.done $0x0  }
0x10: {  	[sflag:s7] =	ssyncadd.s32 $0xFFFFFE70  }
0x11: {  	[tilespmem:s9], [sflag:$0x1] =	stream.indirect.gather [hbm4b:s3+s8], $0x80, s2, s8, $0xb8;
	[tilespmem:$0xCA00] =	vst v63  }
0x12: {  	_ =	swait.ge [sflag:s10], $0xC800  }
0x13: {  	[sflag:s10] =	ssyncset.done $0x0  }
0x14: {  	[sflag:s10] =	ssyncadd.s32 $0xFFFF3800  }
0x15: {  	[hbm4b:s5+s2] =	stream.linear.scatter [tilespmem:s9], [sflag:$0x2], $0xC800, $0x38;
	[tilespmem:$0xCA00] =	vst v63  }
0x16: {  	s13 =	simm.s32 $0x32;
	_ =	swait.ge [sflag:s7], $0xC800  }
0x17: {  	s14 =	simm.s32 $0x64;
	s12 =	sadd.s32 $0x1900, s5;
	[sflag:s7] =	ssyncset.done $0x0  }
.LBB2_2:
0x18: {  	s15 =	sadd.s32 s13, s6  }
0x19: {  	[sflag:s7] =	ssyncadd.s32 $0xFFFF3800;
	s13 =	smov.u32 s14;
	s16 =	sadd.s32 $0x32, s14  }
0x1a: {  	[tilespmem:s2], [sflag:$0x2] =	stream.linear.gather [hbm4b:s15+s2], $0x190, $0x38;
	[tilespmem:$0xCA00] =	vst v63  }
0x1b: {  	p0 =	sne.s32 s14, $0x1838;
	_ =	swait.ge [sflag:s7], $0x190  }
0x1c: {  	[sflag:s7] =	ssyncset.done $0x0  }
0x1d: {  	[sflag:s7] =	ssyncadd.s32 $0xFFFFFE70  }
0x1e: {  	[tilespmem:s9], [sflag:$0x1] =	stream.indirect.gather [hbm4b:s3+s8], $0x80, s2, s8, $0xb8;
	[tilespmem:$0xCA00] =	vst v63  }
0x1f: {  	_ =	swait.ge [sflag:s10], $0xC800  }
.Ltmp0:
0x20: {  	[sflag:s10] =	ssyncset.done $0x0;
	(pc) =	sbr.rel @p0 .LBB2_2-.Ltmp0, $4  }
0x21: {  	[sflag:s10] =	ssyncadd.s32 $0xFFFF3800  }
0x22: {  	[hbm4b:s12+s2] =	stream.linear.scatter [tilespmem:s9], [sflag:$0x2], $0xC800, $0x38;
	[tilespmem:$0xCA00] =	vst v63  }
0x23: {  	_ =	swait.ge [sflag:s7], $0xC800  }
0x24: {  	s14 =	smov.u32 s16;
	s12 =	sadd.s32 $0x1900, s12;
	[sflag:s7] =	ssyncset.done $0x0  }
0x25: {  	s13 =	sadd.s32 s13, s6;
	[sflag:s7] =	ssyncadd.s32 $0xFFFF3800  }
0x26: {  	[tilespmem:s2], [sflag:$0x2] =	stream.linear.gather [hbm4b:s13+s2], $0x190, $0x38;
	[tilespmem:$0xCA00] =	vst v63  }
0x27: {  	_ =	swait.ge [sflag:s7], $0x190  }
0x28: {  	[sflag:s7] =	ssyncset.done $0x0  }
0x29: {  	[sflag:s7] =	ssyncadd.s32 $0xFFFFFE70  }
0x2a: {  	[tilespmem:s9], [sflag:$0x1] =	stream.indirect.gather [hbm4b:s3+s8], $0x80, s2, s8, $0xb8;
	[tilespmem:$0xCA00] =	vst v63  }
0x2b: {  	s11 =	sadd.s32 $0x1, s11;
	_ =	swait.ge [sflag:s10], $0xC800  }
0x2c: {  	p0 =	sne.s32 s11, s4;
	[sflag:s10] =	ssyncset.done $0x0  }
.Ltmp1:
0x2d: {  	[sflag:s10] =	ssyncadd.s32 $0xFFFF3800;
	(pc) =	sbr.rel @p0 .LBB2_1-.Ltmp1, $4  }
0x2e: {  	[hbm4b:s12+s2] =	stream.linear.scatter [tilespmem:s9], [sflag:$0x2], $0xC800, $0x38;
	[tilespmem:$0xCA00] =	vst v63  }
0x2f: {  	_ =	swait.ge [sflag:s7], $0xC800  }
0x30: {  	[sflag:s7] =	ssyncset.done $0x0  }
0x31: {  	[sflag:s7] =	ssyncadd.s32 $0xFFFF3800  }
0x32: {  	_ =	sfence.sel $0x180000  }
0x33: {  	[bflag:$0x0] =	sbarrier.arrive $0xFFFF  }
0x34: {  	p0 =	sne.s32 s1, $0x0;
	_ =	strace $0x90000047  }
0x35: {  	s0 =	sadd.s32 @!p0 $0x100000, s0;
	[bflag:$0x2] =	sbarrier.arrive $0xFFFF  }
0x36: {  	[sflag:s0] =	ssyncadd.tile.s32 @!p0 $0x1;
	_ =	shalt  }
.Lfunc_end2:
_tile_overlayer_lowered:
.L_overlay_start_2:
0x37: {  	(tag) =	ssettag $0x2  }
0x38: {  	s0 =	rddreg [dreg:$0x0];
	s2 =	stileid.u32  }
0x39: {  	s1 =	rddreg [dreg:$0x1];
	p0 =	sne.s32 s2, $0x0  }
0x3a: {  	s3 =	rddreg [dreg:$0x2];
	[bflag:$0x3] =	sbarrier.arrive $0xFFFF;
	s2 =	simm.s32 @!p0 $0x1C02  }
0x3b: {  	[timem:s3], [sflag:s2] =	dma.local @!p0 [hbm:s0], s1  }
0x3c: {  	s0 =	simm.s32 @!p0 $0x2  }
0x3d: {  	_ =	swait.ge @!p0 [sflag:s0], s1  }
0x3e: {  	s1 =	ssub.s32 @!p0 $0x0, s1;
	[sflag:s0] =	ssyncset.done @!p0 $0x0  }
0x3f: {  	[sflag:s0] =	ssyncadd.s32 @!p0 s1  }
0x40: {  	[bflag:$0x3] =	sbarrier.arrive $0xFFFF  }
0x41: {  	_ =	shalt  }

</sc_bundles>
